<compile_context>
chip_gen: v7x
topology: tpu7x:2x2x1
jax: 0.10.2.dev20260603
libtpu: 0.0.44.dev20260713+nightly
codegen_flags: <defaults>
</compile_context>

<pallas_src>
import jax
import jax.numpy as jnp
from jax import lax
from jax.experimental import pallas as pl
from jax.experimental.pallas import tpu as pltpu
from jax.experimental.pallas import tpu_sc as plsc

_N = 10000
_D = 128
_E = 320000
_L = 16
_NC = 2
_NS = 16
_NW = _NC * _NS
_R = 10240
_CH = 128
_CPT = 80
_EPT = _CPT * _CH
_EPAD = _NW * _EPT
_RPT = _R // _NS

_MESH = plsc.VectorSubcoreMesh(core_axis_name="c", subcore_axis_name="s")


def _ids():
    cid = lax.axis_index("c")
    sid = lax.axis_index("s")
    return cid, sid, sid * _NC + cid


def _fill_block(ref, rows, cols, val):
    def frow(i, carry):
        for j in range(cols // _L):
            ref[i, pl.ds(j * _L, _L)] = jnp.full((_L,), val, jnp.float32)
        return carry
    lax.fori_loop(0, rows, frow, 0)


def _count_body(dsts_hbm, cnt_hbm, dst_v, ones_v, cacc):
    cid, sid, wid = _ids()
    _fill_block(ones_v, _CH, _D, 0.0)
    base = sid * _RPT
    for k in range(_RPT // _CH):
        pltpu.sync_copy(ones_v, cacc.at[pl.ds(base + k * _CH, _CH)])
    _fill_block(ones_v, _CH, _D, 1.0)
    pltpu.sync_copy(dsts_hbm.at[wid], dst_v)
    plsc.subcore_barrier()

    def step(g, carry):
        pltpu.sync_copy(ones_v, cacc.at[dst_v.at[g]], add=True)
        return carry
    lax.fori_loop(0, _CPT, step, 0)
    plsc.subcore_barrier()
    for k in range(_RPT // _CH):
        sl = pl.ds(base + k * _CH, _CH)
        pltpu.sync_copy(cacc.at[sl], cnt_hbm.at[cid, sl])


_COUNT_SCRATCH = [
    pltpu.VMEM((_CPT, _CH), jnp.int32),
    pltpu.VMEM((_CH, _D), jnp.float32),
    pltpu.VMEM_SHARED((_R, _D), jnp.float32),
]

_COUNT = pl.kernel(
    _count_body,
    out_type=jax.ShapeDtypeStruct((_NC, _R, _D), jnp.float32),
    mesh=_MESH,
    scratch_types=_COUNT_SCRATCH,
)


def _agg_body(table_hbm, srcs_hbm, dsts_hbm, out_hbm,
              srca, srcb, dst_v, bufa, bufb, sia, sib, sga, sgb, acc):
    cid, sid, wid = _ids()

    _fill_block(bufa, _CH, _D, 0.0)
    base = sid * _RPT
    for k in range(_RPT // _CH):
        pltpu.sync_copy(bufa, acc.at[pl.ds(base + k * _CH, _CH)])
    pltpu.sync_copy(dsts_hbm.at[wid], dst_v)
    plsc.subcore_barrier()

    pltpu.async_copy(srcs_hbm.at[wid, 0], srca, sia)

    def step(g, carry):
        ia = 2 * g
        ib = 2 * g + 1
        pltpu.make_async_copy(srcs_hbm.at[wid, ia], srca, sia).wait()
        pltpu.async_copy(table_hbm.at[srca], bufa, sga)

        @pl.when(g > 0)
        def _():
            pltpu.make_async_copy(table_hbm.at[srcb], bufb, sgb).wait()
        pltpu.async_copy(srcs_hbm.at[wid, ib], srcb, sib)

        @pl.when(g > 0)
        def _():
            pltpu.sync_copy(bufb, acc.at[dst_v.at[ia - 1]], add=True)

        pltpu.make_async_copy(srcs_hbm.at[wid, ib], srcb, sib).wait()
        pltpu.async_copy(table_hbm.at[srcb], bufb, sgb)
        pltpu.make_async_copy(table_hbm.at[srca], bufa, sga).wait()

        @pl.when(g < _CPT // 2 - 1)
        def _():
            pltpu.async_copy(srcs_hbm.at[wid, ia + 2], srca, sia)

        pltpu.sync_copy(bufa, acc.at[dst_v.at[ia]], add=True)
        return carry

    lax.fori_loop(0, _CPT // 2, step, 0)
    pltpu.make_async_copy(table_hbm.at[srcb], bufb, sgb).wait()
    pltpu.sync_copy(bufb, acc.at[dst_v.at[_CPT - 1]], add=True)
    plsc.subcore_barrier()

    for k in range(_RPT // _CH):
        sl = pl.ds(base + k * _CH, _CH)
        pltpu.sync_copy(acc.at[sl], out_hbm.at[cid, sl])


_AGG_SCRATCH = [
    pltpu.VMEM((_CH,), jnp.int32),
    pltpu.VMEM((_CH,), jnp.int32),
    pltpu.VMEM((_CPT, _CH), jnp.int32),
    pltpu.VMEM((_CH, _D), jnp.float32),
    pltpu.VMEM((_CH, _D), jnp.float32),
    pltpu.SemaphoreType.DMA,
    pltpu.SemaphoreType.DMA,
    pltpu.SemaphoreType.DMA,
    pltpu.SemaphoreType.DMA,
    pltpu.VMEM_SHARED((_R, _D), jnp.float32),
]

_AGG = pl.kernel(
    _agg_body,
    out_type=jax.ShapeDtypeStruct((_NC, _R, _D), jnp.float32),
    mesh=_MESH,
    scratch_types=_AGG_SCRATCH,
)

_BR = 512


def _make_tc_layer(relu_out):
    def body(s0, s1, c0, c1, x_r, wl, bl, wr, o):
        cnt = c0[:, 0:1] + c1[:, 0:1]
        inv = 1.0 / jnp.maximum(cnt, 1.0)
        mean = (s0[...] + s1[...]) * inv
        h = lax.dot_general(mean, wl[...], (((1,), (1,)), ((), ())),
                            precision=lax.Precision.HIGHEST,
                            preferred_element_type=jnp.float32)
        h = h + bl[...] + lax.dot_general(x_r[...], wr[...],
                                          (((1,), (1,)), ((), ())),
                                          precision=lax.Precision.HIGHEST,
                                          preferred_element_type=jnp.float32)
        if relu_out:
            h = jnp.maximum(h, 0.0)
        else:
            h = jnp.nan_to_num(h, nan=0.0, posinf=10000.0, neginf=-10000.0)
        o[...] = h

    row = lambda i: (i, 0)
    fixed = lambda i: (0, 0)
    return pl.pallas_call(
        body,
        grid=(_R // _BR,),
        in_specs=[
            pl.BlockSpec((_BR, _D), row),
            pl.BlockSpec((_BR, _D), row),
            pl.BlockSpec((_BR, _D), row),
            pl.BlockSpec((_BR, _D), row),
            pl.BlockSpec((_BR, _D), row),
            pl.BlockSpec((_D, _D), fixed),
            pl.BlockSpec((1, _D), fixed),
            pl.BlockSpec((_D, _D), fixed),
        ],
        out_specs=pl.BlockSpec((_BR, _D), row),
        out_shape=jax.ShapeDtypeStruct((_R, _D), jnp.float32),
    )


_TC_RELU = _make_tc_layer(True)
_TC_FINAL = _make_tc_layer(False)


def kernel(x, edge_index, W1_l, b1_l, W1_r, W2_l, b2_l, W2_r):
    src = edge_index[0].astype(jnp.int32)
    dst = edge_index[1].astype(jnp.int32)
    pad_dst = _N + jnp.arange(_EPAD - _E, dtype=jnp.int32) % (_R - _N)
    src = jnp.concatenate([src, jnp.zeros((_EPAD - _E,), jnp.int32)])
    dst = jnp.concatenate([dst, pad_dst])
    srcs = src.reshape(_NW, _CPT, _CH)
    dsts = dst.reshape(_NW, _CPT, _CH)
    x_pad = jnp.pad(x, ((0, _R - _N), (0, 0)))

    cnts = _COUNT(dsts)
    parts1 = _AGG(x_pad, srcs, dsts)
    h = _TC_RELU(parts1[0], parts1[1], cnts[0], cnts[1], x_pad,
                 W1_l, b1_l.reshape(1, _D), W1_r)
    parts2 = _AGG(h, srcs, dsts)
    out = _TC_FINAL(parts2[0], parts2[1], cnts[0], cnts[1], h,
                    W2_l, b2_l.reshape(1, _D), W2_r)
    return out[:_N]

# --- scband reference (transcript-rebuilt; emitter-appended) ---
"""Pipeline reference for scband-graph-sage-2379411882475 (READ-ONLY COPY).

The authoritative reference and input builder live on the scoring server;
editing this copy changes nothing except your own understanding.
"""

import jax, jax.numpy as jnp
import numpy as np

N_NODES = 10000
N_EDGES = 320000
D_IN = 128
D_HID = 128
D_OUT = 128


def setup_inputs(seed: int = 0) -> dict:
    key = jax.random.key(seed)
    ks = jax.random.split(key, 8)
    x = jax.random.normal(ks[0], (N_NODES, D_IN), dtype=jnp.float32)
    edge_index = jax.random.randint(ks[1], (2, N_EDGES), 0, N_NODES, dtype=jnp.int64)
    s1 = 1.0 / np.sqrt(D_IN)
    s2 = 1.0 / np.sqrt(D_HID)
    # SAGEConv layer 1: lin_l (neighbor aggr, with bias), lin_r (root, no bias)
    W1_l = jax.random.uniform(ks[2], (D_HID, D_IN), jnp.float32, -s1, s1)
    b1_l = jax.random.uniform(ks[3], (D_HID,), jnp.float32, -s1, s1)
    W1_r = jax.random.uniform(ks[4], (D_HID, D_IN), jnp.float32, -s1, s1)
    # SAGEConv layer 2
    W2_l = jax.random.uniform(ks[5], (D_OUT, D_HID), jnp.float32, -s2, s2)
    b2_l = jax.random.uniform(ks[6], (D_OUT,), jnp.float32, -s2, s2)
    W2_r = jax.random.uniform(ks[7], (D_OUT, D_HID), jnp.float32, -s2, s2)
    return {"x": x, "edge_index": edge_index, "W1_l": W1_l, "b1_l": b1_l, "W1_r": W1_r, "W2_l": W2_l, "b2_l": b2_l, "W2_r": W2_r}


def _sage_conv(x, edge_index, W_l, b_l, W_r):
    src = edge_index[0]
    dst = edge_index[1]
    n = x.shape[0]
    msgs = jnp.take(x, src, axis=0)
    summed = jax.ops.segment_sum(msgs, dst, num_segments=n)
    counts = jax.ops.segment_sum(jnp.ones((edge_index.shape[1],), dtype=x.dtype), dst, num_segments=n)
    mean = summed / jnp.clip(counts, 1.0)[:, None]
    return mean @ W_l.T + b_l + x @ W_r.T


def reference(x, edge_index, W1_l, b1_l, W1_r, W2_l, b2_l, W2_r):
    h = _sage_conv(x, edge_index, W1_l, b1_l, W1_r)
    h = jax.nn.relu(h)
    # dropout: identity in eval mode
    out = _sage_conv(h, edge_index, W2_l, b2_l, W2_r)
    out = jnp.nan_to_num(out, nan=0.0, posinf=10000.0, neginf=-10000.0)
    return out

if __name__ == "__main__":
    import jax
    _d = setup_inputs()
    print(jax.jit(kernel)(*tuple(_d.values())))

</pallas_src>

<mosaic_0001>
#map = affine_map<(d0, d1) -> (0, 0, 0)>
module attributes {stable_mosaic.version = 14 : i64} {
  func.func @_count_body(%arg0: i32, %arg1: i32, %arg2: memref<32x80x128xi32, #tpu.memory_space<hbm>>, %arg3: memref<2x10240x128xf32, #tpu.memory_space<hbm>>, %arg4: memref<80x128xi32, #tpu.memory_space<vmem>>, %arg5: memref<128x128xf32, #tpu.memory_space<vmem>>, %arg6: memref<10240x128xf32, #tpu.memory_space<vmem_shared>>) attributes {dimension_semantics = [#tpu.dimension_semantics<core_parallel>, #tpu.dimension_semantics<subcore_parallel>], iteration_bounds = array<i64: 2, 16>, scalar_prefetch = 0 : i64, scratch_operands = 3 : i64, tpu.core_type = #tpu.core_type<sc_vector_subcore>, window_params = [{transform_indices = #map}, {transform_indices = #map}]} {
    %mul3A = arith.constant 2 : i32
    %mul3A_0 = arith.muli %arg1, %mul3A : i32
    %add3A = arith.addi %mul3A_0, %arg0 : i32
    %scan3A = arith.constant 0 : i32
    %scan3A_1 = arith.constant 0 : i32
    %scan3A_2 = arith.constant 128 : i32
    %scan3A_3 = arith.addi %scan3A_1, %scan3A_2 : i32
    %scan3A_4 = arith.constant 1 : i32
    scf.for %scan3A_41 = %scan3A_1 to %scan3A_3 step %scan3A_4  : i32 {
      %broadcast_in_dim3A = arith.constant 0.000000e+00 : f32
      %broadcast_in_dim3A_42 = vector.broadcast %broadcast_in_dim3A : f32 to vector<16xf32>
      %swap3A = arith.index_cast %scan3A_41 : i32 to index
      %swap3A_43 = arith.constant 0 : index
      %swap3A_44 = tpu.vector_load %arg5[%swap3A, %swap3A_43] {strides = array<i32>} : memref<128x128xf32, #tpu.memory_space<vmem>>, vector<1x16xf32>,
      %swap3A_45 = vector.shape_cast %swap3A_44 : vector<1x16xf32> to vector<16xf32>
      %swap3A_46 = vector.shape_cast %broadcast_in_dim3A_42 : vector<16xf32> to vector<1x16xf32>
      tpu.vector_store %arg5[%swap3A, %swap3A_43], %swap3A_46 {strides = array<i32>} : memref<128x128xf32, #tpu.memory_space<vmem>>, vector<1x16xf32>,
      %broadcast_in_dim3A_47 = arith.constant 0.000000e+00 : f32
      %broadcast_in_dim3A_48 = vector.broadcast %broadcast_in_dim3A_47 : f32 to vector<16xf32>
      %swap3A_49 = arith.index_cast %scan3A_41 : i32 to index
      %swap3A_50 = arith.constant 16 : index
      %swap3A_51 = tpu.vector_load %arg5[%swap3A_49, %swap3A_50] {strides = array<i32>} : memref<128x128xf32, #tpu.memory_space<vmem>>, vector<1x16xf32>,
      %swap3A_52 = vector.shape_cast %swap3A_51 : vector<1x16xf32> to vector<16xf32>
      %swap3A_53 = vector.shape_cast %broadcast_in_dim3A_48 : vector<16xf32> to vector<1x16xf32>
      tpu.vector_store %arg5[%swap3A_49, %swap3A_50], %swap3A_53 {strides = array<i32>} : memref<128x128xf32, #tpu.memory_space<vmem>>, vector<1x16xf32>,
      %broadcast_in_dim3A_54 = arith.constant 0.000000e+00 : f32
      %broadcast_in_dim3A_55 = vector.broadcast %broadcast_in_dim3A_54 : f32 to vector<16xf32>
      %swap3A_56 = arith.index_cast %scan3A_41 : i32 to index
      %swap3A_57 = arith.constant 32 : index
      %swap3A_58 = tpu.vector_load %arg5[%swap3A_56, %swap3A_57] {strides = array<i32>} : memref<128x128xf32, #tpu.memory_space<vmem>>, vector<1x16xf32>,
      %swap3A_59 = vector.shape_cast %swap3A_58 : vector<1x16xf32> to vector<16xf32>
      %swap3A_60 = vector.shape_cast %broadcast_in_dim3A_55 : vector<16xf32> to vector<1x16xf32>
      tpu.vector_store %arg5[%swap3A_56, %swap3A_57], %swap3A_60 {strides = array<i32>} : memref<128x128xf32, #tpu.memory_space<vmem>>, vector<1x16xf32>,
      %broadcast_in_dim3A_61 = arith.constant 0.000000e+00 : f32
      %broadcast_in_dim3A_62 = vector.broadcast %broadcast_in_dim3A_61 : f32 to vector<16xf32>
      %swap3A_63 = arith.index_cast %scan3A_41 : i32 to index
      %swap3A_64 = arith.constant 48 : index
      %swap3A_65 = tpu.vector_load %arg5[%swap3A_63, %swap3A_64] {strides = array<i32>} : memref<128x128xf32, #tpu.memory_space<vmem>>, vector<1x16xf32>,
      %swap3A_66 = vector.shape_cast %swap3A_65 : vector<1x16xf32> to vector<16xf32>
      %swap3A_67 = vector.shape_cast %broadcast_in_dim3A_62 : vector<16xf32> to vector<1x16xf32>
      tpu.vector_store %arg5[%swap3A_63, %swap3A_64], %swap3A_67 {strides = array<i32>} : memref<128x128xf32, #tpu.memory_space<vmem>>, vector<1x16xf32>,
      %broadcast_in_dim3A_68 = arith.constant 0.000000e+00 : f32
      %broadcast_in_dim3A_69 = vector.broadcast %broadcast_in_dim3A_68 : f32 to vector<16xf32>
      %swap3A_70 = arith.index_cast %scan3A_41 : i32 to index
      %swap3A_71 = arith.constant 64 : index
      %swap3A_72 = tpu.vector_load %arg5[%swap3A_70, %swap3A_71] {strides = array<i32>} : memref<128x128xf32, #tpu.memory_space<vmem>>, vector<1x16xf32>,
      %swap3A_73 = vector.shape_cast %swap3A_72 : vector<1x16xf32> to vector<16xf32>
      %swap3A_74 = vector.shape_cast %broadcast_in_dim3A_69 : vector<16xf32> to vector<1x16xf32>
      tpu.vector_store %arg5[%swap3A_70, %swap3A_71], %swap3A_74 {strides = array<i32>} : memref<128x128xf32, #tpu.memory_space<vmem>>, vector<1x16xf32>,
      %broadcast_in_dim3A_75 = arith.constant 0.000000e+00 : f32
      %broadcast_in_dim3A_76 = vector.broadcast %broadcast_in_dim3A_75 : f32 to vector<16xf32>
      %swap3A_77 = arith.index_cast %scan3A_41 : i32 to index
      %swap3A_78 = arith.constant 80 : index
      %swap3A_79 = tpu.vector_load %arg5[%swap3A_77, %swap3A_78] {strides = array<i32>} : memref<128x128xf32, #tpu.memory_space<vmem>>, vector<1x16xf32>,
      %swap3A_80 = vector.shape_cast %swap3A_79 : vector<1x16xf32> to vector<16xf32>
      %swap3A_81 = vector.shape_cast %broadcast_in_dim3A_76 : vector<16xf32> to vector<1x16xf32>
      tpu.vector_store %arg5[%swap3A_77, %swap3A_78], %swap3A_81 {strides = array<i32>} : memref<128x128xf32, #tpu.memory_space<vmem>>, vector<1x16xf32>,
      %broadcast_in_dim3A_82 = arith.constant 0.000000e+00 : f32
      %broadcast_in_dim3A_83 = vector.broadcast %broadcast_in_dim3A_82 : f32 to vector<16xf32>
      %swap3A_84 = arith.index_cast %scan3A_41 : i32 to index
      %swap3A_85 = arith.constant 96 : index
      %swap3A_86 = tpu.vector_load %arg5[%swap3A_84, %swap3A_85] {strides = array<i32>} : memref<128x128xf32, #tpu.memory_space<vmem>>, vector<1x16xf32>,
      %swap3A_87 = vector.shape_cast %swap3A_86 : vector<1x16xf32> to vector<16xf32>
      %swap3A_88 = vector.shape_cast %broadcast_in_dim3A_83 : vector<16xf32> to vector<1x16xf32>
      tpu.vector_store %arg5[%swap3A_84, %swap3A_85], %swap3A_88 {strides = array<i32>} : memref<128x128xf32, #tpu.memory_space<vmem>>, vector<1x16xf32>,
      %broadcast_in_dim3A_89 = arith.constant 0.000000e+00 : f32
      %broadcast_in_dim3A_90 = vector.broadcast %broadcast_in_dim3A_89 : f32 to vector<16xf32>
      %swap3A_91 = arith.index_cast %scan3A_41 : i32 to index
      %swap3A_92 = arith.constant 112 : index
      %swap3A_93 = tpu.vector_load %arg5[%swap3A_91, %swap3A_92] {strides = array<i32>} : memref<128x128xf32, #tpu.memory_space<vmem>>, vector<1x16xf32>,
      %swap3A_94 = vector.shape_cast %swap3A_93 : vector<1x16xf32> to vector<16xf32>
      %swap3A_95 = vector.shape_cast %broadcast_in_dim3A_90 : vector<16xf32> to vector<1x16xf32>
      tpu.vector_store %arg5[%swap3A_91, %swap3A_92], %swap3A_95 {strides = array<i32>} : memref<128x128xf32, #tpu.memory_space<vmem>>, vector<1x16xf32>,
    }
    %scan3A_5 = arith.constant 128 : i32
    %mul3A_6 = arith.constant 640 : i32
    %mul3A_7 = arith.muli %arg1, %mul3A_6 : i32
    %add3A_8 = arith.constant 0 : i32
    %add3A_9 = arith.addi %mul3A_7, %add3A_8 : i32
    "tpu.region"() ({
      %run_scoped3A = tpu.sem_alloc : memref<!tpu.dma_semaphore, #tpu.memory_space<semaphore_mem>>
      %dma_start3A = arith.constant 0 : i32
      %dma_start3A_41 = tpu.memref_slice %arg6[%add3A_9, %dma_start3A] : memref<10240x128xf32, #tpu.memory_space<vmem_shared>> -> memref<128x128xf32, #tpu.memory_space<vmem_shared>>
      %dma_start3A_42 = arith.constant 0 : i32
      %dma_start3A_43 = tpu.memref_slice %arg6[%add3A_9, %dma_start3A_42] : memref<10240x128xf32, #tpu.memory_space<vmem_shared>> -> memref<128x128xf32, #tpu.memory_space<vmem_shared>>
      tpu.enqueue_dma source(%arg5 : memref<128x128xf32, #tpu.memory_space<vmem>>) target(%dma_start3A_43 : memref<128x128xf32, #tpu.memory_space<vmem_shared>>) target_semaphore(%run_scoped3A : memref<!tpu.dma_semaphore, #tpu.memory_space<semaphore_mem>>)
      %dma_wait3A = arith.constant 0 : i32
      %dma_wait3A_44 = tpu.memref_slice %arg6[%add3A_9, %dma_wait3A] : memref<10240x128xf32, #tpu.memory_space<vmem_shared>> -> memref<128x128xf32, #tpu.memory_space<vmem_shared>>
      %dma_wait3A_45 = arith.constant 0 : i32
      %dma_wait3A_46 = tpu.memref_slice %arg6[%add3A_9, %dma_wait3A_45] : memref<10240x128xf32, #tpu.memory_space<vmem_shared>> -> memref<128x128xf32, #tpu.memory_space<vmem_shared>>
      tpu.wait_dma2 semaphore(%run_scoped3A : memref<!tpu.dma_semaphore, #tpu.memory_space<semaphore_mem>>) src(%arg5 : memref<128x128xf32, #tpu.memory_space<vmem>>) dst(%dma_wait3A_46 : memref<128x128xf32, #tpu.memory_space<vmem_shared>>)
      tpu.yield
    }) : () -> ()
    %add3A_10 = arith.constant 128 : i32
    %add3A_11 = arith.addi %mul3A_7, %add3A_10 : i32
    "tpu.region"() ({
      %run_scoped3A = tpu.sem_alloc : memref<!tpu.dma_semaphore, #tpu.memory_space<semaphore_mem>>
      %dma_start3A = arith.constant 0 : i32
      %dma_start3A_41 = tpu.memref_slice %arg6[%add3A_11, %dma_start3A] : memref<10240x128xf32, #tpu.memory_space<vmem_shared>> -> memref<128x128xf32, #tpu.memory_space<vmem_shared>>
      %dma_start3A_42 = arith.constant 0 : i32
      %dma_start3A_43 = tpu.memref_slice %arg6[%add3A_11, %dma_start3A_42] : memref<10240x128xf32, #tpu.memory_space<vmem_shared>> -> memref<128x128xf32, #tpu.memory_space<vmem_shared>>
      tpu.enqueue_dma source(%arg5 : memref<128x128xf32, #tpu.memory_space<vmem>>) target(%dma_start3A_43 : memref<128x128xf32, #tpu.memory_space<vmem_shared>>) target_semaphore(%run_scoped3A : memref<!tpu.dma_semaphore, #tpu.memory_space<semaphore_mem>>)
      %dma_wait3A = arith.constant 0 : i32
      %dma_wait3A_44 = tpu.memref_slice %arg6[%add3A_11, %dma_wait3A] : memref<10240x128xf32, #tpu.memory_space<vmem_shared>> -> memref<128x128xf32, #tpu.memory_space<vmem_shared>>
      %dma_wait3A_45 = arith.constant 0 : i32
      %dma_wait3A_46 = tpu.memref_slice %arg6[%add3A_11, %dma_wait3A_45] : memref<10240x128xf32, #tpu.memory_space<vmem_shared>> -> memref<128x128xf32, #tpu.memory_space<vmem_shared>>
      tpu.wait_dma2 semaphore(%run_scoped3A : memref<!tpu.dma_semaphore, #tpu.memory_space<semaphore_mem>>) src(%arg5 : memref<128x128xf32, #tpu.memory_space<vmem>>) dst(%dma_wait3A_46 : memref<128x128xf32, #tpu.memory_space<vmem_shared>>)
      tpu.yield
    }) : () -> ()
    %add3A_12 = arith.constant 256 : i32
    %add3A_13 = arith.addi %mul3A_7, %add3A_12 : i32
    "tpu.region"() ({
      %run_scoped3A = tpu.sem_alloc : memref<!tpu.dma_semaphore, #tpu.memory_space<semaphore_mem>>
      %dma_start3A = arith.constant 0 : i32
      %dma_start3A_41 = tpu.memref_slice %arg6[%add3A_13, %dma_start3A] : memref<10240x128xf32, #tpu.memory_space<vmem_shared>> -> memref<128x128xf32, #tpu.memory_space<vmem_shared>>
      %dma_start3A_42 = arith.constant 0 : i32
      %dma_start3A_43 = tpu.memref_slice %arg6[%add3A_13, %dma_start3A_42] : memref<10240x128xf32, #tpu.memory_space<vmem_shared>> -> memref<128x128xf32, #tpu.memory_space<vmem_shared>>
      tpu.enqueue_dma source(%arg5 : memref<128x128xf32, #tpu.memory_space<vmem>>) target(%dma_start3A_43 : memref<128x128xf32, #tpu.memory_space<vmem_shared>>) target_semaphore(%run_scoped3A : memref<!tpu.dma_semaphore, #tpu.memory_space<semaphore_mem>>)
      %dma_wait3A = arith.constant 0 : i32
      %dma_wait3A_44 = tpu.memref_slice %arg6[%add3A_13, %dma_wait3A] : memref<10240x128xf32, #tpu.memory_space<vmem_shared>> -> memref<128x128xf32, #tpu.memory_space<vmem_shared>>
      %dma_wait3A_45 = arith.constant 0 : i32
      %dma_wait3A_46 = tpu.memref_slice %arg6[%add3A_13, %dma_wait3A_45] : memref<10240x128xf32, #tpu.memory_space<vmem_shared>> -> memref<128x128xf32, #tpu.memory_space<vmem_shared>>
      tpu.wait_dma2 semaphore(%run_scoped3A : memref<!tpu.dma_semaphore, #tpu.memory_space<semaphore_mem>>) src(%arg5 : memref<128x128xf32, #tpu.memory_space<vmem>>) dst(%dma_wait3A_46 : memref<128x128xf32, #tpu.memory_space<vmem_shared>>)
      tpu.yield
    }) : () -> ()
    %add3A_14 = arith.constant 384 : i32
    %add3A_15 = arith.addi %mul3A_7, %add3A_14 : i32
    "tpu.region"() ({
      %run_scoped3A = tpu.sem_alloc : memref<!tpu.dma_semaphore, #tpu.memory_space<semaphore_mem>>
      %dma_start3A = arith.constant 0 : i32
      %dma_start3A_41 = tpu.memref_slice %arg6[%add3A_15, %dma_start3A] : memref<10240x128xf32, #tpu.memory_space<vmem_shared>> -> memref<128x128xf32, #tpu.memory_space<vmem_shared>>
      %dma_start3A_42 = arith.constant 0 : i32
      %dma_start3A_43 = tpu.memref_slice %arg6[%add3A_15, %dma_start3A_42] : memref<10240x128xf32, #tpu.memory_space<vmem_shared>> -> memref<128x128xf32, #tpu.memory_space<vmem_shared>>
      tpu.enqueue_dma source(%arg5 : memref<128x128xf32, #tpu.memory_space<vmem>>) target(%dma_start3A_43 : memref<128x128xf32, #tpu.memory_space<vmem_shared>>) target_semaphore(%run_scoped3A : memref<!tpu.dma_semaphore, #tpu.memory_space<semaphore_mem>>)
      %dma_wait3A = arith.constant 0 : i32
      %dma_wait3A_44 = tpu.memref_slice %arg6[%add3A_15, %dma_wait3A] : memref<10240x128xf32, #tpu.memory_space<vmem_shared>> -> memref<128x128xf32, #tpu.memory_space<vmem_shared>>
      %dma_wait3A_45 = arith.constant 0 : i32
      %dma_wait3A_46 = tpu.memref_slice %arg6[%add3A_15, %dma_wait3A_45] : memref<10240x128xf32, #tpu.memory_space<vmem_shared>> -> memref<128x128xf32, #tpu.memory_space<vmem_shared>>
      tpu.wait_dma2 semaphore(%run_scoped3A : memref<!tpu.dma_semaphore, #tpu.memory_space<semaphore_mem>>) src(%arg5 : memref<128x128xf32, #tpu.memory_space<vmem>>) dst(%dma_wait3A_46 : memref<128x128xf32, #tpu.memory_space<vmem_shared>>)
      tpu.yield
    }) : () -> ()
    %add3A_16 = arith.constant 512 : i32
    %add3A_17 = arith.addi %mul3A_7, %add3A_16 : i32
    "tpu.region"() ({
      %run_scoped3A = tpu.sem_alloc : memref<!tpu.dma_semaphore, #tpu.memory_space<semaphore_mem>>
      %dma_start3A = arith.constant 0 : i32
      %dma_start3A_41 = tpu.memref_slice %arg6[%add3A_17, %dma_start3A] : memref<10240x128xf32, #tpu.memory_space<vmem_shared>> -> memref<128x128xf32, #tpu.memory_space<vmem_shared>>
      %dma_start3A_42 = arith.constant 0 : i32
      %dma_start3A_43 = tpu.memref_slice %arg6[%add3A_17, %dma_start3A_42] : memref<10240x128xf32, #tpu.memory_space<vmem_shared>> -> memref<128x128xf32, #tpu.memory_space<vmem_shared>>
      tpu.enqueue_dma source(%arg5 : memref<128x128xf32, #tpu.memory_space<vmem>>) target(%dma_start3A_43 : memref<128x128xf32, #tpu.memory_space<vmem_shared>>) target_semaphore(%run_scoped3A : memref<!tpu.dma_semaphore, #tpu.memory_space<semaphore_mem>>)
      %dma_wait3A = arith.constant 0 : i32
      %dma_wait3A_44 = tpu.memref_slice %arg6[%add3A_17, %dma_wait3A] : memref<10240x128xf32, #tpu.memory_space<vmem_shared>> -> memref<128x128xf32, #tpu.memory_space<vmem_shared>>
      %dma_wait3A_45 = arith.constant 0 : i32
      %dma_wait3A_46 = tpu.memref_slice %arg6[%add3A_17, %dma_wait3A_45] : memref<10240x128xf32, #tpu.memory_space<vmem_shared>> -> memref<128x128xf32, #tpu.memory_space<vmem_shared>>
      tpu.wait_dma2 semaphore(%run_scoped3A : memref<!tpu.dma_semaphore, #tpu.memory_space<semaphore_mem>>) src(%arg5 : memref<128x128xf32, #tpu.memory_space<vmem>>) dst(%dma_wait3A_46 : memref<128x128xf32, #tpu.memory_space<vmem_shared>>)
      tpu.yield
    }) : () -> ()
    %scan3A_18 = arith.constant 0 : i32
    %scan3A_19 = arith.constant 0 : i32
    %scan3A_20 = arith.constant 128 : i32
    %scan3A_21 = arith.addi %scan3A_19, %scan3A_20 : i32
    %scan3A_22 = arith.constant 1 : i32
    scf.for %scan3A_41 = %scan3A_19 to %scan3A_21 step %scan3A_22  : i32 {
      %broadcast_in_dim3A = arith.constant 1.000000e+00 : f32
      %broadcast_in_dim3A_42 = vector.broadcast %broadcast_in_dim3A : f32 to vector<16xf32>
      %swap3A = arith.index_cast %scan3A_41 : i32 to index
      %swap3A_43 = arith.constant 0 : index
      %swap3A_44 = tpu.vector_load %arg5[%swap3A, %swap3A_43] {strides = array<i32>} : memref<128x128xf32, #tpu.memory_space<vmem>>, vector<1x16xf32>,
      %swap3A_45 = vector.shape_cast %swap3A_44 : vector<1x16xf32> to vector<16xf32>
      %swap3A_46 = vector.shape_cast %broadcast_in_dim3A_42 : vector<16xf32> to vector<1x16xf32>
      tpu.vector_store %arg5[%swap3A, %swap3A_43], %swap3A_46 {strides = array<i32>} : memref<128x128xf32, #tpu.memory_space<vmem>>, vector<1x16xf32>,
      %broadcast_in_dim3A_47 = arith.constant 1.000000e+00 : f32
      %broadcast_in_dim3A_48 = vector.broadcast %broadcast_in_dim3A_47 : f32 to vector<16xf32>
      %swap3A_49 = arith.index_cast %scan3A_41 : i32 to index
      %swap3A_50 = arith.constant 16 : index
      %swap3A_51 = tpu.vector_load %arg5[%swap3A_49, %swap3A_50] {strides = array<i32>} : memref<128x128xf32, #tpu.memory_space<vmem>>, vector<1x16xf32>,
      %swap3A_52 = vector.shape_cast %swap3A_51 : vector<1x16xf32> to vector<16xf32>
      %swap3A_53 = vector.shape_cast %broadcast_in_dim3A_48 : vector<16xf32> to vector<1x16xf32>
      tpu.vector_store %arg5[%swap3A_49, %swap3A_50], %swap3A_53 {strides = array<i32>} : memref<128x128xf32, #tpu.memory_space<vmem>>, vector<1x16xf32>,
      %broadcast_in_dim3A_54 = arith.constant 1.000000e+00 : f32
      %broadcast_in_dim3A_55 = vector.broadcast %broadcast_in_dim3A_54 : f32 to vector<16xf32>
      %swap3A_56 = arith.index_cast %scan3A_41 : i32 to index
      %swap3A_57 = arith.constant 32 : index
      %swap3A_58 = tpu.vector_load %arg5[%swap3A_56, %swap3A_57] {strides = array<i32>} : memref<128x128xf32, #tpu.memory_space<vmem>>, vector<1x16xf32>,
      %swap3A_59 = vector.shape_cast %swap3A_58 : vector<1x16xf32> to vector<16xf32>
      %swap3A_60 = vector.shape_cast %broadcast_in_dim3A_55 : vector<16xf32> to vector<1x16xf32>
      tpu.vector_store %arg5[%swap3A_56, %swap3A_57], %swap3A_60 {strides = array<i32>} : memref<128x128xf32, #tpu.memory_space<vmem>>, vector<1x16xf32>,
      %broadcast_in_dim3A_61 = arith.constant 1.000000e+00 : f32
      %broadcast_in_dim3A_62 = vector.broadcast %broadcast_in_dim3A_61 : f32 to vector<16xf32>
      %swap3A_63 = arith.index_cast %scan3A_41 : i32 to index
      %swap3A_64 = arith.constant 48 : index
      %swap3A_65 = tpu.vector_load %arg5[%swap3A_63, %swap3A_64] {strides = array<i32>} : memref<128x128xf32, #tpu.memory_space<vmem>>, vector<1x16xf32>,
      %swap3A_66 = vector.shape_cast %swap3A_65 : vector<1x16xf32> to vector<16xf32>
      %swap3A_67 = vector.shape_cast %broadcast_in_dim3A_62 : vector<16xf32> to vector<1x16xf32>
      tpu.vector_store %arg5[%swap3A_63, %swap3A_64], %swap3A_67 {strides = array<i32>} : memref<128x128xf32, #tpu.memory_space<vmem>>, vector<1x16xf32>,
      %broadcast_in_dim3A_68 = arith.constant 1.000000e+00 : f32
      %broadcast_in_dim3A_69 = vector.broadcast %broadcast_in_dim3A_68 : f32 to vector<16xf32>
      %swap3A_70 = arith.index_cast %scan3A_41 : i32 to index
      %swap3A_71 = arith.constant 64 : index
      %swap3A_72 = tpu.vector_load %arg5[%swap3A_70, %swap3A_71] {strides = array<i32>} : memref<128x128xf32, #tpu.memory_space<vmem>>, vector<1x16xf32>,
      %swap3A_73 = vector.shape_cast %swap3A_72 : vector<1x16xf32> to vector<16xf32>
      %swap3A_74 = vector.shape_cast %broadcast_in_dim3A_69 : vector<16xf32> to vector<1x16xf32>
      tpu.vector_store %arg5[%swap3A_70, %swap3A_71], %swap3A_74 {strides = array<i32>} : memref<128x128xf32, #tpu.memory_space<vmem>>, vector<1x16xf32>,
      %broadcast_in_dim3A_75 = arith.constant 1.000000e+00 : f32
      %broadcast_in_dim3A_76 = vector.broadcast %broadcast_in_dim3A_75 : f32 to vector<16xf32>
      %swap3A_77 = arith.index_cast %scan3A_41 : i32 to index
      %swap3A_78 = arith.constant 80 : index
      %swap3A_79 = tpu.vector_load %arg5[%swap3A_77, %swap3A_78] {strides = array<i32>} : memref<128x128xf32, #tpu.memory_space<vmem>>, vector<1x16xf32>,
      %swap3A_80 = vector.shape_cast %swap3A_79 : vector<1x16xf32> to vector<16xf32>
      %swap3A_81 = vector.shape_cast %broadcast_in_dim3A_76 : vector<16xf32> to vector<1x16xf32>
      tpu.vector_store %arg5[%swap3A_77, %swap3A_78], %swap3A_81 {strides = array<i32>} : memref<128x128xf32, #tpu.memory_space<vmem>>, vector<1x16xf32>,
      %broadcast_in_dim3A_82 = arith.constant 1.000000e+00 : f32
      %broadcast_in_dim3A_83 = vector.broadcast %broadcast_in_dim3A_82 : f32 to vector<16xf32>
      %swap3A_84 = arith.index_cast %scan3A_41 : i32 to index
      %swap3A_85 = arith.constant 96 : index
      %swap3A_86 = tpu.vector_load %arg5[%swap3A_84, %swap3A_85] {strides = array<i32>} : memref<128x128xf32, #tpu.memory_space<vmem>>, vector<1x16xf32>,
      %swap3A_87 = vector.shape_cast %swap3A_86 : vector<1x16xf32> to vector<16xf32>
      %swap3A_88 = vector.shape_cast %broadcast_in_dim3A_83 : vector<16xf32> to vector<1x16xf32>
      tpu.vector_store %arg5[%swap3A_84, %swap3A_85], %swap3A_88 {strides = array<i32>} : memref<128x128xf32, #tpu.memory_space<vmem>>, vector<1x16xf32>,
      %broadcast_in_dim3A_89 = arith.constant 1.000000e+00 : f32
      %broadcast_in_dim3A_90 = vector.broadcast %broadcast_in_dim3A_89 : f32 to vector<16xf32>
      %swap3A_91 = arith.index_cast %scan3A_41 : i32 to index
      %swap3A_92 = arith.constant 112 : index
      %swap3A_93 = tpu.vector_load %arg5[%swap3A_91, %swap3A_92] {strides = array<i32>} : memref<128x128xf32, #tpu.memory_space<vmem>>, vector<1x16xf32>,
      %swap3A_94 = vector.shape_cast %swap3A_93 : vector<1x16xf32> to vector<16xf32>
      %swap3A_95 = vector.shape_cast %broadcast_in_dim3A_90 : vector<16xf32> to vector<1x16xf32>
      tpu.vector_store %arg5[%swap3A_91, %swap3A_92], %swap3A_95 {strides = array<i32>} : memref<128x128xf32, #tpu.memory_space<vmem>>, vector<1x16xf32>,
    }
    %scan3A_23 = arith.constant 128 : i32
    "tpu.region"() ({
      %run_scoped3A = tpu.sem_alloc : memref<!tpu.dma_semaphore, #tpu.memory_space<semaphore_mem>>
      %dma_start3A = arith.constant 0 : i32
      %dma_start3A_41 = arith.constant 0 : i32
      %dma_start3A_42 = tpu.memref_slice %arg2[%add3A, %dma_start3A, %dma_start3A_41] : memref<32x80x128xi32, #tpu.memory_space<hbm>> -> memref<1x80x128xi32, #tpu.memory_space<hbm>>
      %dma_start3A_43 = tpu.memref_squeeze %dma_start3A_42 : memref<1x80x128xi32, #tpu.memory_space<hbm>> -> memref<80x128xi32, #tpu.memory_space<hbm>>
      %dma_start3A_44 = arith.constant 0 : i32
      %dma_start3A_45 = arith.constant 0 : i32
      %dma_start3A_46 = tpu.memref_slice %arg2[%add3A, %dma_start3A_44, %dma_start3A_45] : memref<32x80x128xi32, #tpu.memory_space<hbm>> -> memref<1x80x128xi32, #tpu.memory_space<hbm>>
      %dma_start3A_47 = tpu.memref_squeeze %dma_start3A_46 : memref<1x80x128xi32, #tpu.memory_space<hbm>> -> memref<80x128xi32, #tpu.memory_space<hbm>>
      tpu.enqueue_dma source(%dma_start3A_47 : memref<80x128xi32, #tpu.memory_space<hbm>>) target(%arg4 : memref<80x128xi32, #tpu.memory_space<vmem>>) target_semaphore(%run_scoped3A : memref<!tpu.dma_semaphore, #tpu.memory_space<semaphore_mem>>)
      %dma_wait3A = arith.constant 0 : i32
      %dma_wait3A_48 = arith.constant 0 : i32
      %dma_wait3A_49 = tpu.memref_slice %arg2[%add3A, %dma_wait3A, %dma_wait3A_48] : memref<32x80x128xi32, #tpu.memory_space<hbm>> -> memref<1x80x128xi32, #tpu.memory_space<hbm>>
      %dma_wait3A_50 = tpu.memref_squeeze %dma_wait3A_49 : memref<1x80x128xi32, #tpu.memory_space<hbm>> -> memref<80x128xi32, #tpu.memory_space<hbm>>
      %dma_wait3A_51 = arith.constant 0 : i32
      %dma_wait3A_52 = arith.constant 0 : i32
      %dma_wait3A_53 = tpu.memref_slice %arg2[%add3A, %dma_wait3A_51, %dma_wait3A_52] : memref<32x80x128xi32, #tpu.memory_space<hbm>> -> memref<1x80x128xi32, #tpu.memory_space<hbm>>
      %dma_wait3A_54 = tpu.memref_squeeze %dma_wait3A_53 : memref<1x80x128xi32, #tpu.memory_space<hbm>> -> memref<80x128xi32, #tpu.memory_space<hbm>>
      tpu.wait_dma2 semaphore(%run_scoped3A : memref<!tpu.dma_semaphore, #tpu.memory_space<semaphore_mem>>) src(%dma_wait3A_54 : memref<80x128xi32, #tpu.memory_space<hbm>>) dst(%arg4 : memref<80x128xi32, #tpu.memory_space<vmem>>)
      tpu.yield
    }) : () -> ()
    %barrier3A = arith.constant 0 : index
    tpu.barrier barrier_id(%barrier3A)
    %scan3A_24 = arith.constant 0 : i32
    %scan3A_25 = arith.constant 0 : i32
    %scan3A_26 = arith.constant 80 : i32
    %scan3A_27 = arith.addi %scan3A_25, %scan3A_26 : i32
    %scan3A_28 = arith.constant 1 : i32
    scf.for %scan3A_41 = %scan3A_25 to %scan3A_27 step %scan3A_28  : i32 {
      "tpu.region"() ({
        %run_scoped3A = tpu.sem_alloc : memref<!tpu.dma_semaphore, #tpu.memory_space<semaphore_mem>>
        %dma_start3A = arith.constant 0 : i32
        %dma_start3A_42 = tpu.memref_slice %arg4[%scan3A_41, %dma_start3A] : memref<80x128xi32, #tpu.memory_space<vmem>> -> memref<1x128xi32, #tpu.memory_space<vmem>>
        %dma_start3A_43 = tpu.memref_squeeze %dma_start3A_42 : memref<1x128xi32, #tpu.memory_space<vmem>> -> memref<128xi32, #tpu.memory_space<vmem>>
        %dma_start3A_44 = arith.constant 0 : i32
        %dma_start3A_45 = arith.constant 0 : i32
        %dma_start3A_46 = tpu.memref_slice %arg6[%dma_start3A_44, %dma_start3A_45] : memref<10240x128xf32, #tpu.memory_space<vmem_shared>> -> memref<10240x128xf32, #tpu.memory_space<vmem_shared>>
        tpu.enqueue_indirect_dma source(%arg5 : memref<128x128xf32, #tpu.memory_space<vmem>>) target(%dma_start3A_46 : memref<10240x128xf32, #tpu.memory_space<vmem_shared>>) offsets(%dma_start3A_43 : memref<128xi32, #tpu.memory_space<vmem>>) semaphore(%run_scoped3A : memref<!tpu.dma_semaphore, #tpu.memory_space<semaphore_mem>>) {add = true}
        %dma_wait3A = arith.constant 0 : i32
        %dma_wait3A_47 = tpu.memref_slice %arg4[%scan3A_41, %dma_wait3A] : memref<80x128xi32, #tpu.memory_space<vmem>> -> memref<1x128xi32, #tpu.memory_space<vmem>>
        %dma_wait3A_48 = tpu.memref_squeeze %dma_wait3A_47 : memref<1x128xi32, #tpu.memory_space<vmem>> -> memref<128xi32, #tpu.memory_space<vmem>>
        %dma_wait3A_49 = arith.constant 0 : i32
        %dma_wait3A_50 = arith.constant 0 : i32
        %dma_wait3A_51 = tpu.memref_slice %arg6[%dma_wait3A_49, %dma_wait3A_50] : memref<10240x128xf32, #tpu.memory_space<vmem_shared>> -> memref<10240x128xf32, #tpu.memory_space<vmem_shared>>
        tpu.wait_indirect_dma semaphore(%run_scoped3A : memref<!tpu.dma_semaphore, #tpu.memory_space<semaphore_mem>>) src(%arg5 : memref<128x128xf32, #tpu.memory_space<vmem>>) dst(%dma_wait3A_51 : memref<10240x128xf32, #tpu.memory_space<vmem_shared>>)
        tpu.yield
      }) : () -> ()
    }
    %scan3A_29 = arith.constant 80 : i32
    %barrier3A_30 = arith.constant 0 : index
    tpu.barrier barrier_id(%barrier3A_30)
    %add3A_31 = arith.constant 0 : i32
    %add3A_32 = arith.addi %mul3A_7, %add3A_31 : i32
    "tpu.region"() ({
      %run_scoped3A = tpu.sem_alloc : memref<!tpu.dma_semaphore, #tpu.memory_space<semaphore_mem>>
      %dma_start3A = arith.constant 0 : i32
      %dma_start3A_41 = tpu.memref_slice %arg3[%arg0, %add3A_32, %dma_start3A] : memref<2x10240x128xf32, #tpu.memory_space<hbm>> -> memref<1x128x128xf32, #tpu.memory_space<hbm>>
      %dma_start3A_42 = tpu.memref_squeeze %dma_start3A_41 : memref<1x128x128xf32, #tpu.memory_space<hbm>> -> memref<128x128xf32, #tpu.memory_space<hbm>>
      %dma_start3A_43 = arith.constant 0 : i32
      %dma_start3A_44 = tpu.memref_slice %arg6[%add3A_32, %dma_start3A_43] : memref<10240x128xf32, #tpu.memory_space<vmem_shared>> -> memref<128x128xf32, #tpu.memory_space<vmem_shared>>
      tpu.enqueue_dma source(%dma_start3A_44 : memref<128x128xf32, #tpu.memory_space<vmem_shared>>) target(%dma_start3A_42 : memref<128x128xf32, #tpu.memory_space<hbm>>) target_semaphore(%run_scoped3A : memref<!tpu.dma_semaphore, #tpu.memory_space<semaphore_mem>>)
      %dma_wait3A = arith.constant 0 : i32
      %dma_wait3A_45 = tpu.memref_slice %arg3[%arg0, %add3A_32, %dma_wait3A] : memref<2x10240x128xf32, #tpu.memory_space<hbm>> -> memref<1x128x128xf32, #tpu.memory_space<hbm>>
      %dma_wait3A_46 = tpu.memref_squeeze %dma_wait3A_45 : memref<1x128x128xf32, #tpu.memory_space<hbm>> -> memref<128x128xf32, #tpu.memory_space<hbm>>
      %dma_wait3A_47 = arith.constant 0 : i32
      %dma_wait3A_48 = tpu.memref_slice %arg6[%add3A_32, %dma_wait3A_47] : memref<10240x128xf32, #tpu.memory_space<vmem_shared>> -> memref<128x128xf32, #tpu.memory_space<vmem_shared>>
      tpu.wait_dma2 semaphore(%run_scoped3A : memref<!tpu.dma_semaphore, #tpu.memory_space<semaphore_mem>>) src(%dma_wait3A_48 : memref<128x128xf32, #tpu.memory_space<vmem_shared>>) dst(%dma_wait3A_46 : memref<128x128xf32, #tpu.memory_space<hbm>>)
      tpu.yield
    }) : () -> ()
    %add3A_33 = arith.constant 128 : i32
    %add3A_34 = arith.addi %mul3A_7, %add3A_33 : i32
    "tpu.region"() ({
      %run_scoped3A = tpu.sem_alloc : memref<!tpu.dma_semaphore, #tpu.memory_space<semaphore_mem>>
      %dma_start3A = arith.constant 0 : i32
      %dma_start3A_41 = tpu.memref_slice %arg3[%arg0, %add3A_34, %dma_start3A] : memref<2x10240x128xf32, #tpu.memory_space<hbm>> -> memref<1x128x128xf32, #tpu.memory_space<hbm>>
      %dma_start3A_42 = tpu.memref_squeeze %dma_start3A_41 : memref<1x128x128xf32, #tpu.memory_space<hbm>> -> memref<128x128xf32, #tpu.memory_space<hbm>>
      %dma_start3A_43 = arith.constant 0 : i32
      %dma_start3A_44 = tpu.memref_slice %arg6[%add3A_34, %dma_start3A_43] : memref<10240x128xf32, #tpu.memory_space<vmem_shared>> -> memref<128x128xf32, #tpu.memory_space<vmem_shared>>
      tpu.enqueue_dma source(%dma_start3A_44 : memref<128x128xf32, #tpu.memory_space<vmem_shared>>) target(%dma_start3A_42 : memref<128x128xf32, #tpu.memory_space<hbm>>) target_semaphore(%run_scoped3A : memref<!tpu.dma_semaphore, #tpu.memory_space<semaphore_mem>>)
      %dma_wait3A = arith.constant 0 : i32
      %dma_wait3A_45 = tpu.memref_slice %arg3[%arg0, %add3A_34, %dma_wait3A] : memref<2x10240x128xf32, #tpu.memory_space<hbm>> -> memref<1x128x128xf32, #tpu.memory_space<hbm>>
      %dma_wait3A_46 = tpu.memref_squeeze %dma_wait3A_45 : memref<1x128x128xf32, #tpu.memory_space<hbm>> -> memref<128x128xf32, #tpu.memory_space<hbm>>
      %dma_wait3A_47 = arith.constant 0 : i32
      %dma_wait3A_48 = tpu.memref_slice %arg6[%add3A_34, %dma_wait3A_47] : memref<10240x128xf32, #tpu.memory_space<vmem_shared>> -> memref<128x128xf32, #tpu.memory_space<vmem_shared>>
      tpu.wait_dma2 semaphore(%run_scoped3A : memref<!tpu.dma_semaphore, #tpu.memory_space<semaphore_mem>>) src(%dma_wait3A_48 : memref<128x128xf32, #tpu.memory_space<vmem_shared>>) dst(%dma_wait3A_46 : memref<128x128xf32, #tpu.memory_space<hbm>>)
      tpu.yield
    }) : () -> ()
    %add3A_35 = arith.constant 256 : i32
    %add3A_36 = arith.addi %mul3A_7, %add3A_35 : i32
    "tpu.region"() ({
      %run_scoped3A = tpu.sem_alloc : memref<!tpu.dma_semaphore, #tpu.memory_space<semaphore_mem>>
      %dma_start3A = arith.constant 0 : i32
      %dma_start3A_41 = tpu.memref_slice %arg3[%arg0, %add3A_36, %dma_start3A] : memref<2x10240x128xf32, #tpu.memory_space<hbm>> -> memref<1x128x128xf32, #tpu.memory_space<hbm>>
      %dma_start3A_42 = tpu.memref_squeeze %dma_start3A_41 : memref<1x128x128xf32, #tpu.memory_space<hbm>> -> memref<128x128xf32, #tpu.memory_space<hbm>>
      %dma_start3A_43 = arith.constant 0 : i32
      %dma_start3A_44 = tpu.memref_slice %arg6[%add3A_36, %dma_start3A_43] : memref<10240x128xf32, #tpu.memory_space<vmem_shared>> -> memref<128x128xf32, #tpu.memory_space<vmem_shared>>
      tpu.enqueue_dma source(%dma_start3A_44 : memref<128x128xf32, #tpu.memory_space<vmem_shared>>) target(%dma_start3A_42 : memref<128x128xf32, #tpu.memory_space<hbm>>) target_semaphore(%run_scoped3A : memref<!tpu.dma_semaphore, #tpu.memory_space<semaphore_mem>>)
      %dma_wait3A = arith.constant 0 : i32
      %dma_wait3A_45 = tpu.memref_slice %arg3[%arg0, %add3A_36, %dma_wait3A] : memref<2x10240x128xf32, #tpu.memory_space<hbm>> -> memref<1x128x128xf32, #tpu.memory_space<hbm>>
      %dma_wait3A_46 = tpu.memref_squeeze %dma_wait3A_45 : memref<1x128x128xf32, #tpu.memory_space<hbm>> -> memref<128x128xf32, #tpu.memory_space<hbm>>
      %dma_wait3A_47 = arith.constant 0 : i32
      %dma_wait3A_48 = tpu.memref_slice %arg6[%add3A_36, %dma_wait3A_47] : memref<10240x128xf32, #tpu.memory_space<vmem_shared>> -> memref<128x128xf32, #tpu.memory_space<vmem_shared>>
      tpu.wait_dma2 semaphore(%run_scoped3A : memref<!tpu.dma_semaphore, #tpu.memory_space<semaphore_mem>>) src(%dma_wait3A_48 : memref<128x128xf32, #tpu.memory_space<vmem_shared>>) dst(%dma_wait3A_46 : memref<128x128xf32, #tpu.memory_space<hbm>>)
      tpu.yield
    }) : () -> ()
    %add3A_37 = arith.constant 384 : i32
    %add3A_38 = arith.addi %mul3A_7, %add3A_37 : i32
    "tpu.region"() ({
      %run_scoped3A = tpu.sem_alloc : memref<!tpu.dma_semaphore, #tpu.memory_space<semaphore_mem>>
      %dma_start3A = arith.constant 0 : i32
      %dma_start3A_41 = tpu.memref_slice %arg3[%arg0, %add3A_38, %dma_start3A] : memref<2x10240x128xf32, #tpu.memory_space<hbm>> -> memref<1x128x128xf32, #tpu.memory_space<hbm>>
      %dma_start3A_42 = tpu.memref_squeeze %dma_start3A_41 : memref<1x128x128xf32, #tpu.memory_space<hbm>> -> memref<128x128xf32, #tpu.memory_space<hbm>>
      %dma_start3A_43 = arith.constant 0 : i32
      %dma_start3A_44 = tpu.memref_slice %arg6[%add3A_38, %dma_start3A_43] : memref<10240x128xf32, #tpu.memory_space<vmem_shared>> -> memref<128x128xf32, #tpu.memory_space<vmem_shared>>
      tpu.enqueue_dma source(%dma_start3A_44 : memref<128x128xf32, #tpu.memory_space<vmem_shared>>) target(%dma_start3A_42 : memref<128x128xf32, #tpu.memory_space<hbm>>) target_semaphore(%run_scoped3A : memref<!tpu.dma_semaphore, #tpu.memory_space<semaphore_mem>>)
      %dma_wait3A = arith.constant 0 : i32
      %dma_wait3A_45 = tpu.memref_slice %arg3[%arg0, %add3A_38, %dma_wait3A] : memref<2x10240x128xf32, #tpu.memory_space<hbm>> -> memref<1x128x128xf32, #tpu.memory_space<hbm>>
      %dma_wait3A_46 = tpu.memref_squeeze %dma_wait3A_45 : memref<1x128x128xf32, #tpu.memory_space<hbm>> -> memref<128x128xf32, #tpu.memory_space<hbm>>
      %dma_wait3A_47 = arith.constant 0 : i32
      %dma_wait3A_48 = tpu.memref_slice %arg6[%add3A_38, %dma_wait3A_47] : memref<10240x128xf32, #tpu.memory_space<vmem_shared>> -> memref<128x128xf32, #tpu.memory_space<vmem_shared>>
      tpu.wait_dma2 semaphore(%run_scoped3A : memref<!tpu.dma_semaphore, #tpu.memory_space<semaphore_mem>>) src(%dma_wait3A_48 : memref<128x128xf32, #tpu.memory_space<vmem_shared>>) dst(%dma_wait3A_46 : memref<128x128xf32, #tpu.memory_space<hbm>>)
      tpu.yield
    }) : () -> ()
    %add3A_39 = arith.constant 512 : i32
    %add3A_40 = arith.addi %mul3A_7, %add3A_39 : i32
    "tpu.region"() ({
      %run_scoped3A = tpu.sem_alloc : memref<!tpu.dma_semaphore, #tpu.memory_space<semaphore_mem>>
      %dma_start3A = arith.constant 0 : i32
      %dma_start3A_41 = tpu.memref_slice %arg3[%arg0, %add3A_40, %dma_start3A] : memref<2x10240x128xf32, #tpu.memory_space<hbm>> -> memref<1x128x128xf32, #tpu.memory_space<hbm>>
      %dma_start3A_42 = tpu.memref_squeeze %dma_start3A_41 : memref<1x128x128xf32, #tpu.memory_space<hbm>> -> memref<128x128xf32, #tpu.memory_space<hbm>>
      %dma_start3A_43 = arith.constant 0 : i32
      %dma_start3A_44 = tpu.memref_slice %arg6[%add3A_40, %dma_start3A_43] : memref<10240x128xf32, #tpu.memory_space<vmem_shared>> -> memref<128x128xf32, #tpu.memory_space<vmem_shared>>
      tpu.enqueue_dma source(%dma_start3A_44 : memref<128x128xf32, #tpu.memory_space<vmem_shared>>) target(%dma_start3A_42 : memref<128x128xf32, #tpu.memory_space<hbm>>) target_semaphore(%run_scoped3A : memref<!tpu.dma_semaphore, #tpu.memory_space<semaphore_mem>>)
      %dma_wait3A = arith.constant 0 : i32
      %dma_wait3A_45 = tpu.memref_slice %arg3[%arg0, %add3A_40, %dma_wait3A] : memref<2x10240x128xf32, #tpu.memory_space<hbm>> -> memref<1x128x128xf32, #tpu.memory_space<hbm>>
      %dma_wait3A_46 = tpu.memref_squeeze %dma_wait3A_45 : memref<1x128x128xf32, #tpu.memory_space<hbm>> -> memref<128x128xf32, #tpu.memory_space<hbm>>
      %dma_wait3A_47 = arith.constant 0 : i32
      %dma_wait3A_48 = tpu.memref_slice %arg6[%add3A_40, %dma_wait3A_47] : memref<10240x128xf32, #tpu.memory_space<vmem_shared>> -> memref<128x128xf32, #tpu.memory_space<vmem_shared>>
      tpu.wait_dma2 semaphore(%run_scoped3A : memref<!tpu.dma_semaphore, #tpu.memory_space<semaphore_mem>>) src(%dma_wait3A_48 : memref<128x128xf32, #tpu.memory_space<vmem_shared>>) dst(%dma_wait3A_46 : memref<128x128xf32, #tpu.memory_space<hbm>>)
      tpu.yield
    }) : () -> ()
    return
  }
}

#map = affine_map<(d0, d1) -> (0, 0)>
#map1 = affine_map<(d0, d1) -> (0, 0, 0)>
module attributes {stable_mosaic.version = 14 : i64} {
  func.func @_agg_body(%arg0: i32, %arg1: i32, %arg2: memref<10240x128xf32, #tpu.memory_space<hbm>>, %arg3: memref<32x80x128xi32, #tpu.memory_space<hbm>>, %arg4: memref<32x80x128xi32, #tpu.memory_space<hbm>>, %arg5: memref<2x10240x128xf32, #tpu.memory_space<hbm>>, %arg6: memref<128xi32, #tpu.memory_space<vmem>>, %arg7: memref<128xi32, #tpu.memory_space<vmem>>, %arg8: memref<80x128xi32, #tpu.memory_space<vmem>>, %arg9: memref<128x128xf32, #tpu.memory_space<vmem>>, %arg10: memref<128x128xf32, #tpu.memory_space<vmem>>, %arg11: memref<!tpu.dma_semaphore, #tpu.memory_space<semaphore_mem>>, %arg12: memref<!tpu.dma_semaphore, #tpu.memory_space<semaphore_mem>>, %arg13: memref<!tpu.dma_semaphore, #tpu.memory_space<semaphore_mem>>, %arg14: memref<!tpu.dma_semaphore, #tpu.memory_space<semaphore_mem>>, %arg15: memref<10240x128xf32, #tpu.memory_space<vmem_shared>>) attributes {dimension_semantics = [#tpu.dimension_semantics<core_parallel>, #tpu.dimension_semantics<subcore_parallel>], iteration_bounds = array<i64: 2, 16>, scalar_prefetch = 0 : i64, scratch_operands = 10 : i64, tpu.core_type = #tpu.core_type<sc_vector_subcore>, window_params = [{transform_indices = #map}, {transform_indices = #map1}, {transform_indices = #map1}, {transform_indices = #map1}]} {
    %mul3A = arith.constant 2 : i32
    %mul3A_0 = arith.muli %arg1, %mul3A : i32
    %add3A = arith.addi %mul3A_0, %arg0 : i32
    %scan3A = arith.constant 0 : i32
    %scan3A_1 = arith.constant 0 : i32
    %scan3A_2 = arith.constant 128 : i32
    %scan3A_3 = arith.addi %scan3A_1, %scan3A_2 : i32
    %scan3A_4 = arith.constant 1 : i32
    scf.for %scan3A_43 = %scan3A_1 to %scan3A_3 step %scan3A_4  : i32 {
      %broadcast_in_dim3A = arith.constant 0.000000e+00 : f32
      %broadcast_in_dim3A_44 = vector.broadcast %broadcast_in_dim3A : f32 to vector<16xf32>
      %swap3A = arith.index_cast %scan3A_43 : i32 to index
      %swap3A_45 = arith.constant 0 : index
      %swap3A_46 = tpu.vector_load %arg9[%swap3A, %swap3A_45] {strides = array<i32>} : memref<128x128xf32, #tpu.memory_space<vmem>>, vector<1x16xf32>,
      %swap3A_47 = vector.shape_cast %swap3A_46 : vector<1x16xf32> to vector<16xf32>
      %swap3A_48 = vector.shape_cast %broadcast_in_dim3A_44 : vector<16xf32> to vector<1x16xf32>
      tpu.vector_store %arg9[%swap3A, %swap3A_45], %swap3A_48 {strides = array<i32>} : memref<128x128xf32, #tpu.memory_space<vmem>>, vector<1x16xf32>,
      %broadcast_in_dim3A_49 = arith.constant 0.000000e+00 : f32
      %broadcast_in_dim3A_50 = vector.broadcast %broadcast_in_dim3A_49 : f32 to vector<16xf32>
      %swap3A_51 = arith.index_cast %scan3A_43 : i32 to index
      %swap3A_52 = arith.constant 16 : index
      %swap3A_53 = tpu.vector_load %arg9[%swap3A_51, %swap3A_52] {strides = array<i32>} : memref<128x128xf32, #tpu.memory_space<vmem>>, vector<1x16xf32>,
      %swap3A_54 = vector.shape_cast %swap3A_53 : vector<1x16xf32> to vector<16xf32>
      %swap3A_55 = vector.shape_cast %broadcast_in_dim3A_50 : vector<16xf32> to vector<1x16xf32>
      tpu.vector_store %arg9[%swap3A_51, %swap3A_52], %swap3A_55 {strides = array<i32>} : memref<128x128xf32, #tpu.memory_space<vmem>>, vector<1x16xf32>,
      %broadcast_in_dim3A_56 = arith.constant 0.000000e+00 : f32
      %broadcast_in_dim3A_57 = vector.broadcast %broadcast_in_dim3A_56 : f32 to vector<16xf32>
      %swap3A_58 = arith.index_cast %scan3A_43 : i32 to index
      %swap3A_59 = arith.constant 32 : index
      %swap3A_60 = tpu.vector_load %arg9[%swap3A_58, %swap3A_59] {strides = array<i32>} : memref<128x128xf32, #tpu.memory_space<vmem>>, vector<1x16xf32>,
      %swap3A_61 = vector.shape_cast %swap3A_60 : vector<1x16xf32> to vector<16xf32>
      %swap3A_62 = vector.shape_cast %broadcast_in_dim3A_57 : vector<16xf32> to vector<1x16xf32>
      tpu.vector_store %arg9[%swap3A_58, %swap3A_59], %swap3A_62 {strides = array<i32>} : memref<128x128xf32, #tpu.memory_space<vmem>>, vector<1x16xf32>,
      %broadcast_in_dim3A_63 = arith.constant 0.000000e+00 : f32
      %broadcast_in_dim3A_64 = vector.broadcast %broadcast_in_dim3A_63 : f32 to vector<16xf32>
      %swap3A_65 = arith.index_cast %scan3A_43 : i32 to index
      %swap3A_66 = arith.constant 48 : index
      %swap3A_67 = tpu.vector_load %arg9[%swap3A_65, %swap3A_66] {strides = array<i32>} : memref<128x128xf32, #tpu.memory_space<vmem>>, vector<1x16xf32>,
      %swap3A_68 = vector.shape_cast %swap3A_67 : vector<1x16xf32> to vector<16xf32>
      %swap3A_69 = vector.shape_cast %broadcast_in_dim3A_64 : vector<16xf32> to vector<1x16xf32>
      tpu.vector_store %arg9[%swap3A_65, %swap3A_66], %swap3A_69 {strides = array<i32>} : memref<128x128xf32, #tpu.memory_space<vmem>>, vector<1x16xf32>,
      %broadcast_in_dim3A_70 = arith.constant 0.000000e+00 : f32
      %broadcast_in_dim3A_71 = vector.broadcast %broadcast_in_dim3A_70 : f32 to vector<16xf32>
      %swap3A_72 = arith.index_cast %scan3A_43 : i32 to index
      %swap3A_73 = arith.constant 64 : index
      %swap3A_74 = tpu.vector_load %arg9[%swap3A_72, %swap3A_73] {strides = array<i32>} : memref<128x128xf32, #tpu.memory_space<vmem>>, vector<1x16xf32>,
      %swap3A_75 = vector.shape_cast %swap3A_74 : vector<1x16xf32> to vector<16xf32>
      %swap3A_76 = vector.shape_cast %broadcast_in_dim3A_71 : vector<16xf32> to vector<1x16xf32>
      tpu.vector_store %arg9[%swap3A_72, %swap3A_73], %swap3A_76 {strides = array<i32>} : memref<128x128xf32, #tpu.memory_space<vmem>>, vector<1x16xf32>,
      %broadcast_in_dim3A_77 = arith.constant 0.000000e+00 : f32
      %broadcast_in_dim3A_78 = vector.broadcast %broadcast_in_dim3A_77 : f32 to vector<16xf32>
      %swap3A_79 = arith.index_cast %scan3A_43 : i32 to index
      %swap3A_80 = arith.constant 80 : index
      %swap3A_81 = tpu.vector_load %arg9[%swap3A_79, %swap3A_80] {strides = array<i32>} : memref<128x128xf32, #tpu.memory_space<vmem>>, vector<1x16xf32>,
      %swap3A_82 = vector.shape_cast %swap3A_81 : vector<1x16xf32> to vector<16xf32>
      %swap3A_83 = vector.shape_cast %broadcast_in_dim3A_78 : vector<16xf32> to vector<1x16xf32>
      tpu.vector_store %arg9[%swap3A_79, %swap3A_80], %swap3A_83 {strides = array<i32>} : memref<128x128xf32, #tpu.memory_space<vmem>>, vector<1x16xf32>,
      %broadcast_in_dim3A_84 = arith.constant 0.000000e+00 : f32
      %broadcast_in_dim3A_85 = vector.broadcast %broadcast_in_dim3A_84 : f32 to vector<16xf32>
      %swap3A_86 = arith.index_cast %scan3A_43 : i32 to index
      %swap3A_87 = arith.constant 96 : index
      %swap3A_88 = tpu.vector_load %arg9[%swap3A_86, %swap3A_87] {strides = array<i32>} : memref<128x128xf32, #tpu.memory_space<vmem>>, vector<1x16xf32>,
      %swap3A_89 = vector.shape_cast %swap3A_88 : vector<1x16xf32> to vector<16xf32>
      %swap3A_90 = vector.shape_cast %broadcast_in_dim3A_85 : vector<16xf32> to vector<1x16xf32>
      tpu.vector_store %arg9[%swap3A_86, %swap3A_87], %swap3A_90 {strides = array<i32>} : memref<128x128xf32, #tpu.memory_space<vmem>>, vector<1x16xf32>,
      %broadcast_in_dim3A_91 = arith.constant 0.000000e+00 : f32
      %broadcast_in_dim3A_92 = vector.broadcast %broadcast_in_dim3A_91 : f32 to vector<16xf32>
      %swap3A_93 = arith.index_cast %scan3A_43 : i32 to index
      %swap3A_94 = arith.constant 112 : index
      %swap3A_95 = tpu.vector_load %arg9[%swap3A_93, %swap3A_94] {strides = array<i32>} : memref<128x128xf32, #tpu.memory_space<vmem>>, vector<1x16xf32>,
      %swap3A_96 = vector.shape_cast %swap3A_95 : vector<1x16xf32> to vector<16xf32>
      %swap3A_97 = vector.shape_cast %broadcast_in_dim3A_92 : vector<16xf32> to vector<1x16xf32>
      tpu.vector_store %arg9[%swap3A_93, %swap3A_94], %swap3A_97 {strides = array<i32>} : memref<128x128xf32, #tpu.memory_space<vmem>>, vector<1x16xf32>,
    }
    %scan3A_5 = arith.constant 128 : i32
    %mul3A_6 = arith.constant 640 : i32
    %mul3A_7 = arith.muli %arg1, %mul3A_6 : i32
    %add3A_8 = arith.constant 0 : i32
    %add3A_9 = arith.addi %mul3A_7, %add3A_8 : i32
    "tpu.region"() ({
      %run_scoped3A_43 = tpu.sem_alloc : memref<!tpu.dma_semaphore, #tpu.memory_space<semaphore_mem>>
      %dma_start3A_44 = arith.constant 0 : i32
      %dma_start3A_45 = tpu.memref_slice %arg15[%add3A_9, %dma_start3A_44] : memref<10240x128xf32, #tpu.memory_space<vmem_shared>> -> memref<128x128xf32, #tpu.memory_space<vmem_shared>>
      %dma_start3A_46 = arith.constant 0 : i32
      %dma_start3A_47 = tpu.memref_slice %arg15[%add3A_9, %dma_start3A_46] : memref<10240x128xf32, #tpu.memory_space<vmem_shared>> -> memref<128x128xf32, #tpu.memory_space<vmem_shared>>
      tpu.enqueue_dma source(%arg9 : memref<128x128xf32, #tpu.memory_space<vmem>>) target(%dma_start3A_47 : memref<128x128xf32, #tpu.memory_space<vmem_shared>>) target_semaphore(%run_scoped3A_43 : memref<!tpu.dma_semaphore, #tpu.memory_space<semaphore_mem>>)
      %dma_wait3A_48 = arith.constant 0 : i32
      %dma_wait3A_49 = tpu.memref_slice %arg15[%add3A_9, %dma_wait3A_48] : memref<10240x128xf32, #tpu.memory_space<vmem_shared>> -> memref<128x128xf32, #tpu.memory_space<vmem_shared>>
      %dma_wait3A_50 = arith.constant 0 : i32
      %dma_wait3A_51 = tpu.memref_slice %arg15[%add3A_9, %dma_wait3A_50] : memref<10240x128xf32, #tpu.memory_space<vmem_shared>> -> memref<128x128xf32, #tpu.memory_space<vmem_shared>>
      tpu.wait_dma2 semaphore(%run_scoped3A_43 : memref<!tpu.dma_semaphore, #tpu.memory_space<semaphore_mem>>) src(%arg9 : memref<128x128xf32, #tpu.memory_space<vmem>>) dst(%dma_wait3A_51 : memref<128x128xf32, #tpu.memory_space<vmem_shared>>)
      tpu.yield
    }) : () -> ()
    %add3A_10 = arith.constant 128 : i32
    %add3A_11 = arith.addi %mul3A_7, %add3A_10 : i32
    "tpu.region"() ({
      %run_scoped3A_43 = tpu.sem_alloc : memref<!tpu.dma_semaphore, #tpu.memory_space<semaphore_mem>>
      %dma_start3A_44 = arith.constant 0 : i32
      %dma_start3A_45 = tpu.memref_slice %arg15[%add3A_11, %dma_start3A_44] : memref<10240x128xf32, #tpu.memory_space<vmem_shared>> -> memref<128x128xf32, #tpu.memory_space<vmem_shared>>
      %dma_start3A_46 = arith.constant 0 : i32
      %dma_start3A_47 = tpu.memref_slice %arg15[%add3A_11, %dma_start3A_46] : memref<10240x128xf32, #tpu.memory_space<vmem_shared>> -> memref<128x128xf32, #tpu.memory_space<vmem_shared>>
      tpu.enqueue_dma source(%arg9 : memref<128x128xf32, #tpu.memory_space<vmem>>) target(%dma_start3A_47 : memref<128x128xf32, #tpu.memory_space<vmem_shared>>) target_semaphore(%run_scoped3A_43 : memref<!tpu.dma_semaphore, #tpu.memory_space<semaphore_mem>>)
      %dma_wait3A_48 = arith.constant 0 : i32
      %dma_wait3A_49 = tpu.memref_slice %arg15[%add3A_11, %dma_wait3A_48] : memref<10240x128xf32, #tpu.memory_space<vmem_shared>> -> memref<128x128xf32, #tpu.memory_space<vmem_shared>>
      %dma_wait3A_50 = arith.constant 0 : i32
      %dma_wait3A_51 = tpu.memref_slice %arg15[%add3A_11, %dma_wait3A_50] : memref<10240x128xf32, #tpu.memory_space<vmem_shared>> -> memref<128x128xf32, #tpu.memory_space<vmem_shared>>
      tpu.wait_dma2 semaphore(%run_scoped3A_43 : memref<!tpu.dma_semaphore, #tpu.memory_space<semaphore_mem>>) src(%arg9 : memref<128x128xf32, #tpu.memory_space<vmem>>) dst(%dma_wait3A_51 : memref<128x128xf32, #tpu.memory_space<vmem_shared>>)
      tpu.yield
    }) : () -> ()
    %add3A_12 = arith.constant 256 : i32
    %add3A_13 = arith.addi %mul3A_7, %add3A_12 : i32
    "tpu.region"() ({
      %run_scoped3A_43 = tpu.sem_alloc : memref<!tpu.dma_semaphore, #tpu.memory_space<semaphore_mem>>
      %dma_start3A_44 = arith.constant 0 : i32
      %dma_start3A_45 = tpu.memref_slice %arg15[%add3A_13, %dma_start3A_44] : memref<10240x128xf32, #tpu.memory_space<vmem_shared>> -> memref<128x128xf32, #tpu.memory_space<vmem_shared>>
      %dma_start3A_46 = arith.constant 0 : i32
      %dma_start3A_47 = tpu.memref_slice %arg15[%add3A_13, %dma_start3A_46] : memref<10240x128xf32, #tpu.memory_space<vmem_shared>> -> memref<128x128xf32, #tpu.memory_space<vmem_shared>>
      tpu.enqueue_dma source(%arg9 : memref<128x128xf32, #tpu.memory_space<vmem>>) target(%dma_start3A_47 : memref<128x128xf32, #tpu.memory_space<vmem_shared>>) target_semaphore(%run_scoped3A_43 : memref<!tpu.dma_semaphore, #tpu.memory_space<semaphore_mem>>)
      %dma_wait3A_48 = arith.constant 0 : i32
      %dma_wait3A_49 = tpu.memref_slice %arg15[%add3A_13, %dma_wait3A_48] : memref<10240x128xf32, #tpu.memory_space<vmem_shared>> -> memref<128x128xf32, #tpu.memory_space<vmem_shared>>
      %dma_wait3A_50 = arith.constant 0 : i32
      %dma_wait3A_51 = tpu.memref_slice %arg15[%add3A_13, %dma_wait3A_50] : memref<10240x128xf32, #tpu.memory_space<vmem_shared>> -> memref<128x128xf32, #tpu.memory_space<vmem_shared>>
      tpu.wait_dma2 semaphore(%run_scoped3A_43 : memref<!tpu.dma_semaphore, #tpu.memory_space<semaphore_mem>>) src(%arg9 : memref<128x128xf32, #tpu.memory_space<vmem>>) dst(%dma_wait3A_51 : memref<128x128xf32, #tpu.memory_space<vmem_shared>>)
      tpu.yield
    }) : () -> ()
    %add3A_14 = arith.constant 384 : i32
    %add3A_15 = arith.addi %mul3A_7, %add3A_14 : i32
    "tpu.region"() ({
      %run_scoped3A_43 = tpu.sem_alloc : memref<!tpu.dma_semaphore, #tpu.memory_space<semaphore_mem>>
      %dma_start3A_44 = arith.constant 0 : i32
      %dma_start3A_45 = tpu.memref_slice %arg15[%add3A_15, %dma_start3A_44] : memref<10240x128xf32, #tpu.memory_space<vmem_shared>> -> memref<128x128xf32, #tpu.memory_space<vmem_shared>>
      %dma_start3A_46 = arith.constant 0 : i32
      %dma_start3A_47 = tpu.memref_slice %arg15[%add3A_15, %dma_start3A_46] : memref<10240x128xf32, #tpu.memory_space<vmem_shared>> -> memref<128x128xf32, #tpu.memory_space<vmem_shared>>
      tpu.enqueue_dma source(%arg9 : memref<128x128xf32, #tpu.memory_space<vmem>>) target(%dma_start3A_47 : memref<128x128xf32, #tpu.memory_space<vmem_shared>>) target_semaphore(%run_scoped3A_43 : memref<!tpu.dma_semaphore, #tpu.memory_space<semaphore_mem>>)
      %dma_wait3A_48 = arith.constant 0 : i32
      %dma_wait3A_49 = tpu.memref_slice %arg15[%add3A_15, %dma_wait3A_48] : memref<10240x128xf32, #tpu.memory_space<vmem_shared>> -> memref<128x128xf32, #tpu.memory_space<vmem_shared>>
      %dma_wait3A_50 = arith.constant 0 : i32
      %dma_wait3A_51 = tpu.memref_slice %arg15[%add3A_15, %dma_wait3A_50] : memref<10240x128xf32, #tpu.memory_space<vmem_shared>> -> memref<128x128xf32, #tpu.memory_space<vmem_shared>>
      tpu.wait_dma2 semaphore(%run_scoped3A_43 : memref<!tpu.dma_semaphore, #tpu.memory_space<semaphore_mem>>) src(%arg9 : memref<128x128xf32, #tpu.memory_space<vmem>>) dst(%dma_wait3A_51 : memref<128x128xf32, #tpu.memory_space<vmem_shared>>)
      tpu.yield
    }) : () -> ()
    %add3A_16 = arith.constant 512 : i32
    %add3A_17 = arith.addi %mul3A_7, %add3A_16 : i32
    "tpu.region"() ({
      %run_scoped3A_43 = tpu.sem_alloc : memref<!tpu.dma_semaphore, #tpu.memory_space<semaphore_mem>>
      %dma_start3A_44 = arith.constant 0 : i32
      %dma_start3A_45 = tpu.memref_slice %arg15[%add3A_17, %dma_start3A_44] : memref<10240x128xf32, #tpu.memory_space<vmem_shared>> -> memref<128x128xf32, #tpu.memory_space<vmem_shared>>
      %dma_start3A_46 = arith.constant 0 : i32
      %dma_start3A_47 = tpu.memref_slice %arg15[%add3A_17, %dma_start3A_46] : memref<10240x128xf32, #tpu.memory_space<vmem_shared>> -> memref<128x128xf32, #tpu.memory_space<vmem_shared>>
      tpu.enqueue_dma source(%arg9 : memref<128x128xf32, #tpu.memory_space<vmem>>) target(%dma_start3A_47 : memref<128x128xf32, #tpu.memory_space<vmem_shared>>) target_semaphore(%run_scoped3A_43 : memref<!tpu.dma_semaphore, #tpu.memory_space<semaphore_mem>>)
      %dma_wait3A_48 = arith.constant 0 : i32
      %dma_wait3A_49 = tpu.memref_slice %arg15[%add3A_17, %dma_wait3A_48] : memref<10240x128xf32, #tpu.memory_space<vmem_shared>> -> memref<128x128xf32, #tpu.memory_space<vmem_shared>>
      %dma_wait3A_50 = arith.constant 0 : i32
      %dma_wait3A_51 = tpu.memref_slice %arg15[%add3A_17, %dma_wait3A_50] : memref<10240x128xf32, #tpu.memory_space<vmem_shared>> -> memref<128x128xf32, #tpu.memory_space<vmem_shared>>
      tpu.wait_dma2 semaphore(%run_scoped3A_43 : memref<!tpu.dma_semaphore, #tpu.memory_space<semaphore_mem>>) src(%arg9 : memref<128x128xf32, #tpu.memory_space<vmem>>) dst(%dma_wait3A_51 : memref<128x128xf32, #tpu.memory_space<vmem_shared>>)
      tpu.yield
    }) : () -> ()
    "tpu.region"() ({
      %run_scoped3A_43 = tpu.sem_alloc : memref<!tpu.dma_semaphore, #tpu.memory_space<semaphore_mem>>
      %dma_start3A_44 = arith.constant 0 : i32
      %dma_start3A_45 = arith.constant 0 : i32
      %dma_start3A_46 = tpu.memref_slice %arg4[%add3A, %dma_start3A_44, %dma_start3A_45] : memref<32x80x128xi32, #tpu.memory_space<hbm>> -> memref<1x80x128xi32, #tpu.memory_space<hbm>>
      %dma_start3A_47 = tpu.memref_squeeze %dma_start3A_46 : memref<1x80x128xi32, #tpu.memory_space<hbm>> -> memref<80x128xi32, #tpu.memory_space<hbm>>
      %dma_start3A_48 = arith.constant 0 : i32
      %dma_start3A_49 = arith.constant 0 : i32
      %dma_start3A_50 = tpu.memref_slice %arg4[%add3A, %dma_start3A_48, %dma_start3A_49] : memref<32x80x128xi32, #tpu.memory_space<hbm>> -> memref<1x80x128xi32, #tpu.memory_space<hbm>>
      %dma_start3A_51 = tpu.memref_squeeze %dma_start3A_50 : memref<1x80x128xi32, #tpu.memory_space<hbm>> -> memref<80x128xi32, #tpu.memory_space<hbm>>
      tpu.enqueue_dma source(%dma_start3A_51 : memref<80x128xi32, #tpu.memory_space<hbm>>) target(%arg8 : memref<80x128xi32, #tpu.memory_space<vmem>>) target_semaphore(%run_scoped3A_43 : memref<!tpu.dma_semaphore, #tpu.memory_space<semaphore_mem>>)
      %dma_wait3A_52 = arith.constant 0 : i32
      %dma_wait3A_53 = arith.constant 0 : i32
      %dma_wait3A_54 = tpu.memref_slice %arg4[%add3A, %dma_wait3A_52, %dma_wait3A_53] : memref<32x80x128xi32, #tpu.memory_space<hbm>> -> memref<1x80x128xi32, #tpu.memory_space<hbm>>
      %dma_wait3A_55 = tpu.memref_squeeze %dma_wait3A_54 : memref<1x80x128xi32, #tpu.memory_space<hbm>> -> memref<80x128xi32, #tpu.memory_space<hbm>>
      %dma_wait3A_56 = arith.constant 0 : i32
      %dma_wait3A_57 = arith.constant 0 : i32
      %dma_wait3A_58 = tpu.memref_slice %arg4[%add3A, %dma_wait3A_56, %dma_wait3A_57] : memref<32x80x128xi32, #tpu.memory_space<hbm>> -> memref<1x80x128xi32, #tpu.memory_space<hbm>>
      %dma_wait3A_59 = tpu.memref_squeeze %dma_wait3A_58 : memref<1x80x128xi32, #tpu.memory_space<hbm>> -> memref<80x128xi32, #tpu.memory_space<hbm>>
      tpu.wait_dma2 semaphore(%run_scoped3A_43 : memref<!tpu.dma_semaphore, #tpu.memory_space<semaphore_mem>>) src(%dma_wait3A_59 : memref<80x128xi32, #tpu.memory_space<hbm>>) dst(%arg8 : memref<80x128xi32, #tpu.memory_space<vmem>>)
      tpu.yield
    }) : () -> ()
    %barrier3A = arith.constant 0 : index
    tpu.barrier barrier_id(%barrier3A)
    %dma_start3A = arith.constant 0 : i32
    %dma_start3A_18 = arith.constant 0 : i32
    %dma_start3A_19 = tpu.memref_slice %arg3[%add3A, %dma_start3A, %dma_start3A_18] : memref<32x80x128xi32, #tpu.memory_space<hbm>> -> memref<1x1x128xi32, #tpu.memory_space<hbm>>
    %dma_start3A_20 = tpu.memref_squeeze %dma_start3A_19 : memref<1x1x128xi32, #tpu.memory_space<hbm>> -> memref<128xi32, #tpu.memory_space<hbm>>
    %dma_start3A_21 = arith.constant 0 : i32
    %dma_start3A_22 = tpu.memref_slice %arg3[%add3A, %dma_start3A, %dma_start3A_21] : memref<32x80x128xi32, #tpu.memory_space<hbm>> -> memref<1x1x128xi32, #tpu.memory_space<hbm>>
    %dma_start3A_23 = tpu.memref_squeeze %dma_start3A_22 : memref<1x1x128xi32, #tpu.memory_space<hbm>> -> memref<128xi32, #tpu.memory_space<hbm>>
    tpu.enqueue_dma source(%dma_start3A_23 : memref<128xi32, #tpu.memory_space<hbm>>) target(%arg6 : memref<128xi32, #tpu.memory_space<vmem>>) target_semaphore(%arg11 : memref<!tpu.dma_semaphore, #tpu.memory_space<semaphore_mem>>)
    %scan3A_24 = arith.constant 0 : i32
    %scan3A_25 = arith.constant 0 : i32
    %scan3A_26 = arith.constant 40 : i32
    %scan3A_27 = arith.addi %scan3A_25, %scan3A_26 : i32
    %scan3A_28 = arith.constant 1 : i32
    scf.for %scan3A_43 = %scan3A_25 to %scan3A_27 step %scan3A_28  : i32 {
      %mul3A_44 = arith.constant 2 : i32
      %mul3A_45 = arith.muli %mul3A_44, %scan3A_43 : i32
      %mul3A_46 = arith.constant 2 : i32
      %mul3A_47 = arith.muli %mul3A_46, %scan3A_43 : i32
      %add3A_48 = arith.constant 1 : i32
      %add3A_49 = arith.addi %mul3A_47, %add3A_48 : i32
      %dma_wait3A_50 = arith.constant 0 : i32
      %dma_wait3A_51 = tpu.memref_slice %arg3[%add3A, %mul3A_45, %dma_wait3A_50] : memref<32x80x128xi32, #tpu.memory_space<hbm>> -> memref<1x1x128xi32, #tpu.memory_space<hbm>>
      %dma_wait3A_52 = tpu.memref_squeeze %dma_wait3A_51 : memref<1x1x128xi32, #tpu.memory_space<hbm>> -> memref<128xi32, #tpu.memory_space<hbm>>
      %dma_wait3A_53 = arith.constant 0 : i32
      %dma_wait3A_54 = tpu.memref_slice %arg3[%add3A, %mul3A_45, %dma_wait3A_53] : memref<32x80x128xi32, #tpu.memory_space<hbm>> -> memref<1x1x128xi32, #tpu.memory_space<hbm>>
      %dma_wait3A_55 = tpu.memref_squeeze %dma_wait3A_54 : memref<1x1x128xi32, #tpu.memory_space<hbm>> -> memref<128xi32, #tpu.memory_space<hbm>>
      tpu.wait_dma2 semaphore(%arg11 : memref<!tpu.dma_semaphore, #tpu.memory_space<semaphore_mem>>) src(%dma_wait3A_55 : memref<128xi32, #tpu.memory_space<hbm>>) dst(%arg6 : memref<128xi32, #tpu.memory_space<vmem>>)
      %dma_start3A_56 = arith.constant 0 : i32
      %dma_start3A_57 = arith.constant 0 : i32
      %dma_start3A_58 = tpu.memref_slice %arg2[%dma_start3A_56, %dma_start3A_57] : memref<10240x128xf32, #tpu.memory_space<hbm>> -> memref<10240x128xf32, #tpu.memory_space<hbm>>
      tpu.enqueue_indirect_dma source(%dma_start3A_58 : memref<10240x128xf32, #tpu.memory_space<hbm>>) target(%arg9 : memref<128x128xf32, #tpu.memory_space<vmem>>) offsets(%arg6 : memref<128xi32, #tpu.memory_space<vmem>>) semaphore(%arg13 : memref<!tpu.dma_semaphore, #tpu.memory_space<semaphore_mem>>)
      %gt3A = arith.constant 0 : i32
      %gt3A_59 = arith.cmpi sgt, %scan3A_43, %gt3A : i32
      %convert_element_type3A = arith.extui %gt3A_59 : i1 to i32
      %cond3A = arith.constant 0 : i32
      %cond3A_60 = arith.cmpi ne, %convert_element_type3A, %cond3A : i32
      scf.if %cond3A_60 {
        %dma_wait3A_88 = arith.constant 0 : i32
        %dma_wait3A_89 = arith.constant 0 : i32
        %dma_wait3A_90 = tpu.memref_slice %arg2[%dma_wait3A_88, %dma_wait3A_89] : memref<10240x128xf32, #tpu.memory_space<hbm>> -> memref<10240x128xf32, #tpu.memory_space<hbm>>
        tpu.wait_indirect_dma semaphore(%arg14 : memref<!tpu.dma_semaphore, #tpu.memory_space<semaphore_mem>>) src(%dma_wait3A_90 : memref<10240x128xf32, #tpu.memory_space<hbm>>) dst(%arg10 : memref<128x128xf32, #tpu.memory_space<vmem>>)
      } else {
      }
      %dma_start3A_61 = arith.constant 0 : i32
      %dma_start3A_62 = tpu.memref_slice %arg3[%add3A, %add3A_49, %dma_start3A_61] : memref<32x80x128xi32, #tpu.memory_space<hbm>> -> memref<1x1x128xi32, #tpu.memory_space<hbm>>
      %dma_start3A_63 = tpu.memref_squeeze %dma_start3A_62 : memref<1x1x128xi32, #tpu.memory_space<hbm>> -> memref<128xi32, #tpu.memory_space<hbm>>
      %dma_start3A_64 = arith.constant 0 : i32
      %dma_start3A_65 = tpu.memref_slice %arg3[%add3A, %add3A_49, %dma_start3A_64] : memref<32x80x128xi32, #tpu.memory_space<hbm>> -> memref<1x1x128xi32, #tpu.memory_space<hbm>>
      %dma_start3A_66 = tpu.memref_squeeze %dma_start3A_65 : memref<1x1x128xi32, #tpu.memory_space<hbm>> -> memref<128xi32, #tpu.memory_space<hbm>>
      tpu.enqueue_dma source(%dma_start3A_66 : memref<128xi32, #tpu.memory_space<hbm>>) target(%arg7 : memref<128xi32, #tpu.memory_space<vmem>>) target_semaphore(%arg12 : memref<!tpu.dma_semaphore, #tpu.memory_space<semaphore_mem>>)
      %gt3A_67 = arith.constant 0 : i32
      %gt3A_68 = arith.cmpi sgt, %scan3A_43, %gt3A_67 : i32
      %convert_element_type3A_69 = arith.extui %gt3A_68 : i1 to i32
      %cond3A_70 = arith.constant 0 : i32
      %cond3A_71 = arith.cmpi ne, %convert_element_type3A_69, %cond3A_70 : i32
      scf.if %cond3A_71 {
        %sub3A = arith.constant 1 : i32
        %sub3A_88 = arith.subi %mul3A_45, %sub3A : i32
        "tpu.region"() ({
          %run_scoped3A_89 = tpu.sem_alloc : memref<!tpu.dma_semaphore, #tpu.memory_space<semaphore_mem>>
          %dma_start3A_90 = arith.constant 0 : i32
          %dma_start3A_91 = tpu.memref_slice %arg8[%sub3A_88, %dma_start3A_90] : memref<80x128xi32, #tpu.memory_space<vmem>> -> memref<1x128xi32, #tpu.memory_space<vmem>>
          %dma_start3A_92 = tpu.memref_squeeze %dma_start3A_91 : memref<1x128xi32, #tpu.memory_space<vmem>> -> memref<128xi32, #tpu.memory_space<vmem>>
          %dma_start3A_93 = arith.constant 0 : i32
          %dma_start3A_94 = arith.constant 0 : i32
          %dma_start3A_95 = tpu.memref_slice %arg15[%dma_start3A_93, %dma_start3A_94] : memref<10240x128xf32, #tpu.memory_space<vmem_shared>> -> memref<10240x128xf32, #tpu.memory_space<vmem_shared>>
          tpu.enqueue_indirect_dma source(%arg10 : memref<128x128xf32, #tpu.memory_space<vmem>>) target(%dma_start3A_95 : memref<10240x128xf32, #tpu.memory_space<vmem_shared>>) offsets(%dma_start3A_92 : memref<128xi32, #tpu.memory_space<vmem>>) semaphore(%run_scoped3A_89 : memref<!tpu.dma_semaphore, #tpu.memory_space<semaphore_mem>>) {add = true}
          %dma_wait3A_96 = arith.constant 0 : i32
          %dma_wait3A_97 = tpu.memref_slice %arg8[%sub3A_88, %dma_wait3A_96] : memref<80x128xi32, #tpu.memory_space<vmem>> -> memref<1x128xi32, #tpu.memory_space<vmem>>
          %dma_wait3A_98 = tpu.memref_squeeze %dma_wait3A_97 : memref<1x128xi32, #tpu.memory_space<vmem>> -> memref<128xi32, #tpu.memory_space<vmem>>
          %dma_wait3A_99 = arith.constant 0 : i32
          %dma_wait3A_100 = arith.constant 0 : i32
          %dma_wait3A_101 = tpu.memref_slice %arg15[%dma_wait3A_99, %dma_wait3A_100] : memref<10240x128xf32, #tpu.memory_space<vmem_shared>> -> memref<10240x128xf32, #tpu.memory_space<vmem_shared>>
          tpu.wait_indirect_dma semaphore(%run_scoped3A_89 : memref<!tpu.dma_semaphore, #tpu.memory_space<semaphore_mem>>) src(%arg10 : memref<128x128xf32, #tpu.memory_space<vmem>>) dst(%dma_wait3A_101 : memref<10240x128xf32, #tpu.memory_space<vmem_shared>>)
          tpu.yield
        }) : () -> ()
      } else {
      }
      %dma_wait3A_72 = arith.constant 0 : i32
      %dma_wait3A_73 = tpu.memref_slice %arg3[%add3A, %add3A_49, %dma_wait3A_72] : memref<32x80x128xi32, #tpu.memory_space<hbm>> -> memref<1x1x128xi32, #tpu.memory_space<hbm>>
      %dma_wait3A_74 = tpu.memref_squeeze %dma_wait3A_73 : memref<1x1x128xi32, #tpu.memory_space<hbm>> -> memref<128xi32, #tpu.memory_space<hbm>>
      %dma_wait3A_75 = arith.constant 0 : i32
      %dma_wait3A_76 = tpu.memref_slice %arg3[%add3A, %add3A_49, %dma_wait3A_75] : memref<32x80x128xi32, #tpu.memory_space<hbm>> -> memref<1x1x128xi32, #tpu.memory_space<hbm>>
      %dma_wait3A_77 = tpu.memref_squeeze %dma_wait3A_76 : memref<1x1x128xi32, #tpu.memory_space<hbm>> -> memref<128xi32, #tpu.memory_space<hbm>>
      tpu.wait_dma2 semaphore(%arg12 : memref<!tpu.dma_semaphore, #tpu.memory_space<semaphore_mem>>) src(%dma_wait3A_77 : memref<128xi32, #tpu.memory_space<hbm>>) dst(%arg7 : memref<128xi32, #tpu.memory_space<vmem>>)
      %dma_start3A_78 = arith.constant 0 : i32
      %dma_start3A_79 = arith.constant 0 : i32
      %dma_start3A_80 = tpu.memref_slice %arg2[%dma_start3A_78, %dma_start3A_79] : memref<10240x128xf32, #tpu.memory_space<hbm>> -> memref<10240x128xf32, #tpu.memory_space<hbm>>
      tpu.enqueue_indirect_dma source(%dma_start3A_80 : memref<10240x128xf32, #tpu.memory_space<hbm>>) target(%arg10 : memref<128x128xf32, #tpu.memory_space<vmem>>) offsets(%arg7 : memref<128xi32, #tpu.memory_space<vmem>>) semaphore(%arg14 : memref<!tpu.dma_semaphore, #tpu.memory_space<semaphore_mem>>)
      %dma_wait3A_81 = arith.constant 0 : i32
      %dma_wait3A_82 = arith.constant 0 : i32
      %dma_wait3A_83 = tpu.memref_slice %arg2[%dma_wait3A_81, %dma_wait3A_82] : memref<10240x128xf32, #tpu.memory_space<hbm>> -> memref<10240x128xf32, #tpu.memory_space<hbm>>
      tpu.wait_indirect_dma semaphore(%arg13 : memref<!tpu.dma_semaphore, #tpu.memory_space<semaphore_mem>>) src(%dma_wait3A_83 : memref<10240x128xf32, #tpu.memory_space<hbm>>) dst(%arg9 : memref<128x128xf32, #tpu.memory_space<vmem>>)
      %lt3A = arith.constant 39 : i32
      %lt3A_84 = arith.cmpi slt, %scan3A_43, %lt3A : i32
      %convert_element_type3A_85 = arith.extui %lt3A_84 : i1 to i32
      %cond3A_86 = arith.constant 0 : i32
      %cond3A_87 = arith.cmpi ne, %convert_element_type3A_85, %cond3A_86 : i32
      scf.if %cond3A_87 {
        %add3A_88 = arith.constant 2 : i32
        %add3A_89 = arith.addi %mul3A_45, %add3A_88 : i32
        %dma_start3A_90 = arith.constant 0 : i32
        %dma_start3A_91 = tpu.memref_slice %arg3[%add3A, %add3A_89, %dma_start3A_90] : memref<32x80x128xi32, #tpu.memory_space<hbm>> -> memref<1x1x128xi32, #tpu.memory_space<hbm>>
        %dma_start3A_92 = tpu.memref_squeeze %dma_start3A_91 : memref<1x1x128xi32, #tpu.memory_space<hbm>> -> memref<128xi32, #tpu.memory_space<hbm>>
        %dma_start3A_93 = arith.constant 0 : i32
        %dma_start3A_94 = tpu.memref_slice %arg3[%add3A, %add3A_89, %dma_start3A_93] : memref<32x80x128xi32, #tpu.memory_space<hbm>> -> memref<1x1x128xi32, #tpu.memory_space<hbm>>
        %dma_start3A_95 = tpu.memref_squeeze %dma_start3A_94 : memref<1x1x128xi32, #tpu.memory_space<hbm>> -> memref<128xi32, #tpu.memory_space<hbm>>
        tpu.enqueue_dma source(%dma_start3A_95 : memref<128xi32, #tpu.memory_space<hbm>>) target(%arg6 : memref<128xi32, #tpu.memory_space<vmem>>) target_semaphore(%arg11 : memref<!tpu.dma_semaphore, #tpu.memory_space<semaphore_mem>>)
      } else {
      }
      "tpu.region"() ({
        %run_scoped3A_88 = tpu.sem_alloc : memref<!tpu.dma_semaphore, #tpu.memory_space<semaphore_mem>>
        %dma_start3A_89 = arith.constant 0 : i32
        %dma_start3A_90 = tpu.memref_slice %arg8[%mul3A_45, %dma_start3A_89] : memref<80x128xi32, #tpu.memory_space<vmem>> -> memref<1x128xi32, #tpu.memory_space<vmem>>
        %dma_start3A_91 = tpu.memref_squeeze %dma_start3A_90 : memref<1x128xi32, #tpu.memory_space<vmem>> -> memref<128xi32, #tpu.memory_space<vmem>>
        %dma_start3A_92 = arith.constant 0 : i32
        %dma_start3A_93 = arith.constant 0 : i32
        %dma_start3A_94 = tpu.memref_slice %arg15[%dma_start3A_92, %dma_start3A_93] : memref<10240x128xf32, #tpu.memory_space<vmem_shared>> -> memref<10240x128xf32, #tpu.memory_space<vmem_shared>>
        tpu.enqueue_indirect_dma source(%arg9 : memref<128x128xf32, #tpu.memory_space<vmem>>) target(%dma_start3A_94 : memref<10240x128xf32, #tpu.memory_space<vmem_shared>>) offsets(%dma_start3A_91 : memref<128xi32, #tpu.memory_space<vmem>>) semaphore(%run_scoped3A_88 : memref<!tpu.dma_semaphore, #tpu.memory_space<semaphore_mem>>) {add = true}
        %dma_wait3A_95 = arith.constant 0 : i32
        %dma_wait3A_96 = tpu.memref_slice %arg8[%mul3A_45, %dma_wait3A_95] : memref<80x128xi32, #tpu.memory_space<vmem>> -> memref<1x128xi32, #tpu.memory_space<vmem>>
        %dma_wait3A_97 = tpu.memref_squeeze %dma_wait3A_96 : memref<1x128xi32, #tpu.memory_space<vmem>> -> memref<128xi32, #tpu.memory_space<vmem>>
        %dma_wait3A_98 = arith.constant 0 : i32
        %dma_wait3A_99 = arith.constant 0 : i32
        %dma_wait3A_100 = tpu.memref_slice %arg15[%dma_wait3A_98, %dma_wait3A_99] : memref<10240x128xf32, #tpu.memory_space<vmem_shared>> -> memref<10240x128xf32, #tpu.memory_space<vmem_shared>>
        tpu.wait_indirect_dma semaphore(%run_scoped3A_88 : memref<!tpu.dma_semaphore, #tpu.memory_space<semaphore_mem>>) src(%arg9 : memref<128x128xf32, #tpu.memory_space<vmem>>) dst(%dma_wait3A_100 : memref<10240x128xf32, #tpu.memory_space<vmem_shared>>)
        tpu.yield
      }) : () -> ()
    }
    %scan3A_29 = arith.constant 40 : i32
    %dma_wait3A = arith.constant 0 : i32
    %dma_wait3A_30 = arith.constant 0 : i32
    %dma_wait3A_31 = tpu.memref_slice %arg2[%dma_wait3A, %dma_wait3A_30] : memref<10240x128xf32, #tpu.memory_space<hbm>> -> memref<10240x128xf32, #tpu.memory_space<hbm>>
    tpu.wait_indirect_dma semaphore(%arg14 : memref<!tpu.dma_semaphore, #tpu.memory_space<semaphore_mem>>) src(%dma_wait3A_31 : memref<10240x128xf32, #tpu.memory_space<hbm>>) dst(%arg10 : memref<128x128xf32, #tpu.memory_space<vmem>>)
    %run_scoped3A = arith.constant 79 : i32
    "tpu.region"() ({
      %run_scoped3A_43 = tpu.sem_alloc : memref<!tpu.dma_semaphore, #tpu.memory_space<semaphore_mem>>
      %dma_start3A_44 = arith.constant 0 : i32
      %dma_start3A_45 = tpu.memref_slice %arg8[%run_scoped3A, %dma_start3A_44] : memref<80x128xi32, #tpu.memory_space<vmem>> -> memref<1x128xi32, #tpu.memory_space<vmem>>
      %dma_start3A_46 = tpu.memref_squeeze %dma_start3A_45 : memref<1x128xi32, #tpu.memory_space<vmem>> -> memref<128xi32, #tpu.memory_space<vmem>>
      %dma_start3A_47 = arith.constant 0 : i32
      %dma_start3A_48 = arith.constant 0 : i32
      %dma_start3A_49 = tpu.memref_slice %arg15[%dma_start3A_47, %dma_start3A_48] : memref<10240x128xf32, #tpu.memory_space<vmem_shared>> -> memref<10240x128xf32, #tpu.memory_space<vmem_shared>>
      tpu.enqueue_indirect_dma source(%arg10 : memref<128x128xf32, #tpu.memory_space<vmem>>) target(%dma_start3A_49 : memref<10240x128xf32, #tpu.memory_space<vmem_shared>>) offsets(%dma_start3A_46 : memref<128xi32, #tpu.memory_space<vmem>>) semaphore(%run_scoped3A_43 : memref<!tpu.dma_semaphore, #tpu.memory_space<semaphore_mem>>) {add = true}
      %dma_wait3A_50 = arith.constant 0 : i32
      %dma_wait3A_51 = tpu.memref_slice %arg8[%run_scoped3A, %dma_wait3A_50] : memref<80x128xi32, #tpu.memory_space<vmem>> -> memref<1x128xi32, #tpu.memory_space<vmem>>
      %dma_wait3A_52 = tpu.memref_squeeze %dma_wait3A_51 : memref<1x128xi32, #tpu.memory_space<vmem>> -> memref<128xi32, #tpu.memory_space<vmem>>
      %dma_wait3A_53 = arith.constant 0 : i32
      %dma_wait3A_54 = arith.constant 0 : i32
      %dma_wait3A_55 = tpu.memref_slice %arg15[%dma_wait3A_53, %dma_wait3A_54] : memref<10240x128xf32, #tpu.memory_space<vmem_shared>> -> memref<10240x128xf32, #tpu.memory_space<vmem_shared>>
      tpu.wait_indirect_dma semaphore(%run_scoped3A_43 : memref<!tpu.dma_semaphore, #tpu.memory_space<semaphore_mem>>) src(%arg10 : memref<128x128xf32, #tpu.memory_space<vmem>>) dst(%dma_wait3A_55 : memref<10240x128xf32, #tpu.memory_space<vmem_shared>>)
      tpu.yield
    }) : () -> ()
    %barrier3A_32 = arith.constant 0 : index
    tpu.barrier barrier_id(%barrier3A_32)
    %add3A_33 = arith.constant 0 : i32
    %add3A_34 = arith.addi %mul3A_7, %add3A_33 : i32
    "tpu.region"() ({
      %run_scoped3A_43 = tpu.sem_alloc : memref<!tpu.dma_semaphore, #tpu.memory_space<semaphore_mem>>
      %dma_start3A_44 = arith.constant 0 : i32
      %dma_start3A_45 = tpu.memref_slice %arg5[%arg0, %add3A_34, %dma_start3A_44] : memref<2x10240x128xf32, #tpu.memory_space<hbm>> -> memref<1x128x128xf32, #tpu.memory_space<hbm>>
      %dma_start3A_46 = tpu.memref_squeeze %dma_start3A_45 : memref<1x128x128xf32, #tpu.memory_space<hbm>> -> memref<128x128xf32, #tpu.memory_space<hbm>>
      %dma_start3A_47 = arith.constant 0 : i32
      %dma_start3A_48 = tpu.memref_slice %arg15[%add3A_34, %dma_start3A_47] : memref<10240x128xf32, #tpu.memory_space<vmem_shared>> -> memref<128x128xf32, #tpu.memory_space<vmem_shared>>
      tpu.enqueue_dma source(%dma_start3A_48 : memref<128x128xf32, #tpu.memory_space<vmem_shared>>) target(%dma_start3A_46 : memref<128x128xf32, #tpu.memory_space<hbm>>) target_semaphore(%run_scoped3A_43 : memref<!tpu.dma_semaphore, #tpu.memory_space<semaphore_mem>>)
      %dma_wait3A_49 = arith.constant 0 : i32
      %dma_wait3A_50 = tpu.memref_slice %arg5[%arg0, %add3A_34, %dma_wait3A_49] : memref<2x10240x128xf32, #tpu.memory_space<hbm>> -> memref<1x128x128xf32, #tpu.memory_space<hbm>>
      %dma_wait3A_51 = tpu.memref_squeeze %dma_wait3A_50 : memref<1x128x128xf32, #tpu.memory_space<hbm>> -> memref<128x128xf32, #tpu.memory_space<hbm>>
      %dma_wait3A_52 = arith.constant 0 : i32
      %dma_wait3A_53 = tpu.memref_slice %arg15[%add3A_34, %dma_wait3A_52] : memref<10240x128xf32, #tpu.memory_space<vmem_shared>> -> memref<128x128xf32, #tpu.memory_space<vmem_shared>>
      tpu.wait_dma2 semaphore(%run_scoped3A_43 : memref<!tpu.dma_semaphore, #tpu.memory_space<semaphore_mem>>) src(%dma_wait3A_53 : memref<128x128xf32, #tpu.memory_space<vmem_shared>>) dst(%dma_wait3A_51 : memref<128x128xf32, #tpu.memory_space<hbm>>)
      tpu.yield
    }) : () -> ()
    %add3A_35 = arith.constant 128 : i32
    %add3A_36 = arith.addi %mul3A_7, %add3A_35 : i32
    "tpu.region"() ({
      %run_scoped3A_43 = tpu.sem_alloc : memref<!tpu.dma_semaphore, #tpu.memory_space<semaphore_mem>>
      %dma_start3A_44 = arith.constant 0 : i32
      %dma_start3A_45 = tpu.memref_slice %arg5[%arg0, %add3A_36, %dma_start3A_44] : memref<2x10240x128xf32, #tpu.memory_space<hbm>> -> memref<1x128x128xf32, #tpu.memory_space<hbm>>
      %dma_start3A_46 = tpu.memref_squeeze %dma_start3A_45 : memref<1x128x128xf32, #tpu.memory_space<hbm>> -> memref<128x128xf32, #tpu.memory_space<hbm>>
      %dma_start3A_47 = arith.constant 0 : i32
      %dma_start3A_48 = tpu.memref_slice %arg15[%add3A_36, %dma_start3A_47] : memref<10240x128xf32, #tpu.memory_space<vmem_shared>> -> memref<128x128xf32, #tpu.memory_space<vmem_shared>>
      tpu.enqueue_dma source(%dma_start3A_48 : memref<128x128xf32, #tpu.memory_space<vmem_shared>>) target(%dma_start3A_46 : memref<128x128xf32, #tpu.memory_space<hbm>>) target_semaphore(%run_scoped3A_43 : memref<!tpu.dma_semaphore, #tpu.memory_space<semaphore_mem>>)
      %dma_wait3A_49 = arith.constant 0 : i32
      %dma_wait3A_50 = tpu.memref_slice %arg5[%arg0, %add3A_36, %dma_wait3A_49] : memref<2x10240x128xf32, #tpu.memory_space<hbm>> -> memref<1x128x128xf32, #tpu.memory_space<hbm>>
      %dma_wait3A_51 = tpu.memref_squeeze %dma_wait3A_50 : memref<1x128x128xf32, #tpu.memory_space<hbm>> -> memref<128x128xf32, #tpu.memory_space<hbm>>
      %dma_wait3A_52 = arith.constant 0 : i32
      %dma_wait3A_53 = tpu.memref_slice %arg15[%add3A_36, %dma_wait3A_52] : memref<10240x128xf32, #tpu.memory_space<vmem_shared>> -> memref<128x128xf32, #tpu.memory_space<vmem_shared>>
      tpu.wait_dma2 semaphore(%run_scoped3A_43 : memref<!tpu.dma_semaphore, #tpu.memory_space<semaphore_mem>>) src(%dma_wait3A_53 : memref<128x128xf32, #tpu.memory_space<vmem_shared>>) dst(%dma_wait3A_51 : memref<128x128xf32, #tpu.memory_space<hbm>>)
      tpu.yield
    }) : () -> ()
    %add3A_37 = arith.constant 256 : i32
    %add3A_38 = arith.addi %mul3A_7, %add3A_37 : i32
    "tpu.region"() ({
      %run_scoped3A_43 = tpu.sem_alloc : memref<!tpu.dma_semaphore, #tpu.memory_space<semaphore_mem>>
      %dma_start3A_44 = arith.constant 0 : i32
      %dma_start3A_45 = tpu.memref_slice %arg5[%arg0, %add3A_38, %dma_start3A_44] : memref<2x10240x128xf32, #tpu.memory_space<hbm>> -> memref<1x128x128xf32, #tpu.memory_space<hbm>>
      %dma_start3A_46 = tpu.memref_squeeze %dma_start3A_45 : memref<1x128x128xf32, #tpu.memory_space<hbm>> -> memref<128x128xf32, #tpu.memory_space<hbm>>
      %dma_start3A_47 = arith.constant 0 : i32
      %dma_start3A_48 = tpu.memref_slice %arg15[%add3A_38, %dma_start3A_47] : memref<10240x128xf32, #tpu.memory_space<vmem_shared>> -> memref<128x128xf32, #tpu.memory_space<vmem_shared>>
      tpu.enqueue_dma source(%dma_start3A_48 : memref<128x128xf32, #tpu.memory_space<vmem_shared>>) target(%dma_start3A_46 : memref<128x128xf32, #tpu.memory_space<hbm>>) target_semaphore(%run_scoped3A_43 : memref<!tpu.dma_semaphore, #tpu.memory_space<semaphore_mem>>)
      %dma_wait3A_49 = arith.constant 0 : i32
      %dma_wait3A_50 = tpu.memref_slice %arg5[%arg0, %add3A_38, %dma_wait3A_49] : memref<2x10240x128xf32, #tpu.memory_space<hbm>> -> memref<1x128x128xf32, #tpu.memory_space<hbm>>
      %dma_wait3A_51 = tpu.memref_squeeze %dma_wait3A_50 : memref<1x128x128xf32, #tpu.memory_space<hbm>> -> memref<128x128xf32, #tpu.memory_space<hbm>>
      %dma_wait3A_52 = arith.constant 0 : i32
      %dma_wait3A_53 = tpu.memref_slice %arg15[%add3A_38, %dma_wait3A_52] : memref<10240x128xf32, #tpu.memory_space<vmem_shared>> -> memref<128x128xf32, #tpu.memory_space<vmem_shared>>
      tpu.wait_dma2 semaphore(%run_scoped3A_43 : memref<!tpu.dma_semaphore, #tpu.memory_space<semaphore_mem>>) src(%dma_wait3A_53 : memref<128x128xf32, #tpu.memory_space<vmem_shared>>) dst(%dma_wait3A_51 : memref<128x128xf32, #tpu.memory_space<hbm>>)
      tpu.yield
    }) : () -> ()
    %add3A_39 = arith.constant 384 : i32
    %add3A_40 = arith.addi %mul3A_7, %add3A_39 : i32
    "tpu.region"() ({
      %run_scoped3A_43 = tpu.sem_alloc : memref<!tpu.dma_semaphore, #tpu.memory_space<semaphore_mem>>
      %dma_start3A_44 = arith.constant 0 : i32
      %dma_start3A_45 = tpu.memref_slice %arg5[%arg0, %add3A_40, %dma_start3A_44] : memref<2x10240x128xf32, #tpu.memory_space<hbm>> -> memref<1x128x128xf32, #tpu.memory_space<hbm>>
      %dma_start3A_46 = tpu.memref_squeeze %dma_start3A_45 : memref<1x128x128xf32, #tpu.memory_space<hbm>> -> memref<128x128xf32, #tpu.memory_space<hbm>>
      %dma_start3A_47 = arith.constant 0 : i32
      %dma_start3A_48 = tpu.memref_slice %arg15[%add3A_40, %dma_start3A_47] : memref<10240x128xf32, #tpu.memory_space<vmem_shared>> -> memref<128x128xf32, #tpu.memory_space<vmem_shared>>
      tpu.enqueue_dma source(%dma_start3A_48 : memref<128x128xf32, #tpu.memory_space<vmem_shared>>) target(%dma_start3A_46 : memref<128x128xf32, #tpu.memory_space<hbm>>) target_semaphore(%run_scoped3A_43 : memref<!tpu.dma_semaphore, #tpu.memory_space<semaphore_mem>>)
      %dma_wait3A_49 = arith.constant 0 : i32
      %dma_wait3A_50 = tpu.memref_slice %arg5[%arg0, %add3A_40, %dma_wait3A_49] : memref<2x10240x128xf32, #tpu.memory_space<hbm>> -> memref<1x128x128xf32, #tpu.memory_space<hbm>>
      %dma_wait3A_51 = tpu.memref_squeeze %dma_wait3A_50 : memref<1x128x128xf32, #tpu.memory_space<hbm>> -> memref<128x128xf32, #tpu.memory_space<hbm>>
      %dma_wait3A_52 = arith.constant 0 : i32
      %dma_wait3A_53 = tpu.memref_slice %arg15[%add3A_40, %dma_wait3A_52] : memref<10240x128xf32, #tpu.memory_space<vmem_shared>> -> memref<128x128xf32, #tpu.memory_space<vmem_shared>>
      tpu.wait_dma2 semaphore(%run_scoped3A_43 : memref<!tpu.dma_semaphore, #tpu.memory_space<semaphore_mem>>) src(%dma_wait3A_53 : memref<128x128xf32, #tpu.memory_space<vmem_shared>>) dst(%dma_wait3A_51 : memref<128x128xf32, #tpu.memory_space<hbm>>)
      tpu.yield
    }) : () -> ()
    %add3A_41 = arith.constant 512 : i32
    %add3A_42 = arith.addi %mul3A_7, %add3A_41 : i32
    "tpu.region"() ({
      %run_scoped3A_43 = tpu.sem_alloc : memref<!tpu.dma_semaphore, #tpu.memory_space<semaphore_mem>>
      %dma_start3A_44 = arith.constant 0 : i32
      %dma_start3A_45 = tpu.memref_slice %arg5[%arg0, %add3A_42, %dma_start3A_44] : memref<2x10240x128xf32, #tpu.memory_space<hbm>> -> memref<1x128x128xf32, #tpu.memory_space<hbm>>
      %dma_start3A_46 = tpu.memref_squeeze %dma_start3A_45 : memref<1x128x128xf32, #tpu.memory_space<hbm>> -> memref<128x128xf32, #tpu.memory_space<hbm>>
      %dma_start3A_47 = arith.constant 0 : i32
      %dma_start3A_48 = tpu.memref_slice %arg15[%add3A_42, %dma_start3A_47] : memref<10240x128xf32, #tpu.memory_space<vmem_shared>> -> memref<128x128xf32, #tpu.memory_space<vmem_shared>>
      tpu.enqueue_dma source(%dma_start3A_48 : memref<128x128xf32, #tpu.memory_space<vmem_shared>>) target(%dma_start3A_46 : memref<128x128xf32, #tpu.memory_space<hbm>>) target_semaphore(%run_scoped3A_43 : memref<!tpu.dma_semaphore, #tpu.memory_space<semaphore_mem>>)
      %dma_wait3A_49 = arith.constant 0 : i32
      %dma_wait3A_50 = tpu.memref_slice %arg5[%arg0, %add3A_42, %dma_wait3A_49] : memref<2x10240x128xf32, #tpu.memory_space<hbm>> -> memref<1x128x128xf32, #tpu.memory_space<hbm>>
      %dma_wait3A_51 = tpu.memref_squeeze %dma_wait3A_50 : memref<1x128x128xf32, #tpu.memory_space<hbm>> -> memref<128x128xf32, #tpu.memory_space<hbm>>
      %dma_wait3A_52 = arith.constant 0 : i32
      %dma_wait3A_53 = tpu.memref_slice %arg15[%add3A_42, %dma_wait3A_52] : memref<10240x128xf32, #tpu.memory_space<vmem_shared>> -> memref<128x128xf32, #tpu.memory_space<vmem_shared>>
      tpu.wait_dma2 semaphore(%run_scoped3A_43 : memref<!tpu.dma_semaphore, #tpu.memory_space<semaphore_mem>>) src(%dma_wait3A_53 : memref<128x128xf32, #tpu.memory_space<vmem_shared>>) dst(%dma_wait3A_51 : memref<128x128xf32, #tpu.memory_space<hbm>>)
      tpu.yield
    }) : () -> ()
    return
  }
}

#map = affine_map<(d0, d1) -> (0, 0)>
#map1 = affine_map<(d0, d1) -> (0, 0, 0)>
module attributes {stable_mosaic.version = 14 : i64} {
  func.func @_agg_body(%arg0: i32, %arg1: i32, %arg2: memref<10240x128xf32, #tpu.memory_space<hbm>>, %arg3: memref<32x80x128xi32, #tpu.memory_space<hbm>>, %arg4: memref<32x80x128xi32, #tpu.memory_space<hbm>>, %arg5: memref<2x10240x128xf32, #tpu.memory_space<hbm>>, %arg6: memref<128xi32, #tpu.memory_space<vmem>>, %arg7: memref<128xi32, #tpu.memory_space<vmem>>, %arg8: memref<80x128xi32, #tpu.memory_space<vmem>>, %arg9: memref<128x128xf32, #tpu.memory_space<vmem>>, %arg10: memref<128x128xf32, #tpu.memory_space<vmem>>, %arg11: memref<!tpu.dma_semaphore, #tpu.memory_space<semaphore_mem>>, %arg12: memref<!tpu.dma_semaphore, #tpu.memory_space<semaphore_mem>>, %arg13: memref<!tpu.dma_semaphore, #tpu.memory_space<semaphore_mem>>, %arg14: memref<!tpu.dma_semaphore, #tpu.memory_space<semaphore_mem>>, %arg15: memref<10240x128xf32, #tpu.memory_space<vmem_shared>>) attributes {dimension_semantics = [#tpu.dimension_semantics<core_parallel>, #tpu.dimension_semantics<subcore_parallel>], iteration_bounds = array<i64: 2, 16>, scalar_prefetch = 0 : i64, scratch_operands = 10 : i64, tpu.core_type = #tpu.core_type<sc_vector_subcore>, window_params = [{transform_indices = #map}, {transform_indices = #map1}, {transform_indices = #map1}, {transform_indices = #map1}]} {
    %mul3A = arith.constant 2 : i32
    %mul3A_0 = arith.muli %arg1, %mul3A : i32
    %add3A = arith.addi %mul3A_0, %arg0 : i32
    %scan3A = arith.constant 0 : i32
    %scan3A_1 = arith.constant 0 : i32
    %scan3A_2 = arith.constant 128 : i32
    %scan3A_3 = arith.addi %scan3A_1, %scan3A_2 : i32
    %scan3A_4 = arith.constant 1 : i32
    scf.for %scan3A_43 = %scan3A_1 to %scan3A_3 step %scan3A_4  : i32 {
      %broadcast_in_dim3A = arith.constant 0.000000e+00 : f32
      %broadcast_in_dim3A_44 = vector.broadcast %broadcast_in_dim3A : f32 to vector<16xf32>
      %swap3A = arith.index_cast %scan3A_43 : i32 to index
      %swap3A_45 = arith.constant 0 : index
      %swap3A_46 = tpu.vector_load %arg9[%swap3A, %swap3A_45] {strides = array<i32>} : memref<128x128xf32, #tpu.memory_space<vmem>>, vector<1x16xf32>,
      %swap3A_47 = vector.shape_cast %swap3A_46 : vector<1x16xf32> to vector<16xf32>
      %swap3A_48 = vector.shape_cast %broadcast_in_dim3A_44 : vector<16xf32> to vector<1x16xf32>
      tpu.vector_store %arg9[%swap3A, %swap3A_45], %swap3A_48 {strides = array<i32>} : memref<128x128xf32, #tpu.memory_space<vmem>>, vector<1x16xf32>,
      %broadcast_in_dim3A_49 = arith.constant 0.000000e+00 : f32
      %broadcast_in_dim3A_50 = vector.broadcast %broadcast_in_dim3A_49 : f32 to vector<16xf32>
      %swap3A_51 = arith.index_cast %scan3A_43 : i32 to index
      %swap3A_52 = arith.constant 16 : index
      %swap3A_53 = tpu.vector_load %arg9[%swap3A_51, %swap3A_52] {strides = array<i32>} : memref<128x128xf32, #tpu.memory_space<vmem>>, vector<1x16xf32>,
      %swap3A_54 = vector.shape_cast %swap3A_53 : vector<1x16xf32> to vector<16xf32>
      %swap3A_55 = vector.shape_cast %broadcast_in_dim3A_50 : vector<16xf32> to vector<1x16xf32>
      tpu.vector_store %arg9[%swap3A_51, %swap3A_52], %swap3A_55 {strides = array<i32>} : memref<128x128xf32, #tpu.memory_space<vmem>>, vector<1x16xf32>,
      %broadcast_in_dim3A_56 = arith.constant 0.000000e+00 : f32
      %broadcast_in_dim3A_57 = vector.broadcast %broadcast_in_dim3A_56 : f32 to vector<16xf32>
      %swap3A_58 = arith.index_cast %scan3A_43 : i32 to index
      %swap3A_59 = arith.constant 32 : index
      %swap3A_60 = tpu.vector_load %arg9[%swap3A_58, %swap3A_59] {strides = array<i32>} : memref<128x128xf32, #tpu.memory_space<vmem>>, vector<1x16xf32>,
      %swap3A_61 = vector.shape_cast %swap3A_60 : vector<1x16xf32> to vector<16xf32>
      %swap3A_62 = vector.shape_cast %broadcast_in_dim3A_57 : vector<16xf32> to vector<1x16xf32>
      tpu.vector_store %arg9[%swap3A_58, %swap3A_59], %swap3A_62 {strides = array<i32>} : memref<128x128xf32, #tpu.memory_space<vmem>>, vector<1x16xf32>,
      %broadcast_in_dim3A_63 = arith.constant 0.000000e+00 : f32
      %broadcast_in_dim3A_64 = vector.broadcast %broadcast_in_dim3A_63 : f32 to vector<16xf32>
      %swap3A_65 = arith.index_cast %scan3A_43 : i32 to index
      %swap3A_66 = arith.constant 48 : index
      %swap3A_67 = tpu.vector_load %arg9[%swap3A_65, %swap3A_66] {strides = array<i32>} : memref<128x128xf32, #tpu.memory_space<vmem>>, vector<1x16xf32>,
      %swap3A_68 = vector.shape_cast %swap3A_67 : vector<1x16xf32> to vector<16xf32>
      %swap3A_69 = vector.shape_cast %broadcast_in_dim3A_64 : vector<16xf32> to vector<1x16xf32>
      tpu.vector_store %arg9[%swap3A_65, %swap3A_66], %swap3A_69 {strides = array<i32>} : memref<128x128xf32, #tpu.memory_space<vmem>>, vector<1x16xf32>,
      %broadcast_in_dim3A_70 = arith.constant 0.000000e+00 : f32
      %broadcast_in_dim3A_71 = vector.broadcast %broadcast_in_dim3A_70 : f32 to vector<16xf32>
      %swap3A_72 = arith.index_cast %scan3A_43 : i32 to index
      %swap3A_73 = arith.constant 64 : index
      %swap3A_74 = tpu.vector_load %arg9[%swap3A_72, %swap3A_73] {strides = array<i32>} : memref<128x128xf32, #tpu.memory_space<vmem>>, vector<1x16xf32>,
      %swap3A_75 = vector.shape_cast %swap3A_74 : vector<1x16xf32> to vector<16xf32>
      %swap3A_76 = vector.shape_cast %broadcast_in_dim3A_71 : vector<16xf32> to vector<1x16xf32>
      tpu.vector_store %arg9[%swap3A_72, %swap3A_73], %swap3A_76 {strides = array<i32>} : memref<128x128xf32, #tpu.memory_space<vmem>>, vector<1x16xf32>,
      %broadcast_in_dim3A_77 = arith.constant 0.000000e+00 : f32
      %broadcast_in_dim3A_78 = vector.broadcast %broadcast_in_dim3A_77 : f32 to vector<16xf32>
      %swap3A_79 = arith.index_cast %scan3A_43 : i32 to index
      %swap3A_80 = arith.constant 80 : index
      %swap3A_81 = tpu.vector_load %arg9[%swap3A_79, %swap3A_80] {strides = array<i32>} : memref<128x128xf32, #tpu.memory_space<vmem>>, vector<1x16xf32>,
      %swap3A_82 = vector.shape_cast %swap3A_81 : vector<1x16xf32> to vector<16xf32>
      %swap3A_83 = vector.shape_cast %broadcast_in_dim3A_78 : vector<16xf32> to vector<1x16xf32>
      tpu.vector_store %arg9[%swap3A_79, %swap3A_80], %swap3A_83 {strides = array<i32>} : memref<128x128xf32, #tpu.memory_space<vmem>>, vector<1x16xf32>,
      %broadcast_in_dim3A_84 = arith.constant 0.000000e+00 : f32
      %broadcast_in_dim3A_85 = vector.broadcast %broadcast_in_dim3A_84 : f32 to vector<16xf32>
      %swap3A_86 = arith.index_cast %scan3A_43 : i32 to index
      %swap3A_87 = arith.constant 96 : index
      %swap3A_88 = tpu.vector_load %arg9[%swap3A_86, %swap3A_87] {strides = array<i32>} : memref<128x128xf32, #tpu.memory_space<vmem>>, vector<1x16xf32>,
      %swap3A_89 = vector.shape_cast %swap3A_88 : vector<1x16xf32> to vector<16xf32>
      %swap3A_90 = vector.shape_cast %broadcast_in_dim3A_85 : vector<16xf32> to vector<1x16xf32>
      tpu.vector_store %arg9[%swap3A_86, %swap3A_87], %swap3A_90 {strides = array<i32>} : memref<128x128xf32, #tpu.memory_space<vmem>>, vector<1x16xf32>,
      %broadcast_in_dim3A_91 = arith.constant 0.000000e+00 : f32
      %broadcast_in_dim3A_92 = vector.broadcast %broadcast_in_dim3A_91 : f32 to vector<16xf32>
      %swap3A_93 = arith.index_cast %scan3A_43 : i32 to index
      %swap3A_94 = arith.constant 112 : index
      %swap3A_95 = tpu.vector_load %arg9[%swap3A_93, %swap3A_94] {strides = array<i32>} : memref<128x128xf32, #tpu.memory_space<vmem>>, vector<1x16xf32>,
      %swap3A_96 = vector.shape_cast %swap3A_95 : vector<1x16xf32> to vector<16xf32>
      %swap3A_97 = vector.shape_cast %broadcast_in_dim3A_92 : vector<16xf32> to vector<1x16xf32>
      tpu.vector_store %arg9[%swap3A_93, %swap3A_94], %swap3A_97 {strides = array<i32>} : memref<128x128xf32, #tpu.memory_space<vmem>>, vector<1x16xf32>,
    }
    %scan3A_5 = arith.constant 128 : i32
    %mul3A_6 = arith.constant 640 : i32
    %mul3A_7 = arith.muli %arg1, %mul3A_6 : i32
    %add3A_8 = arith.constant 0 : i32
    %add3A_9 = arith.addi %mul3A_7, %add3A_8 : i32
    "tpu.region"() ({
      %run_scoped3A_43 = tpu.sem_alloc : memref<!tpu.dma_semaphore, #tpu.memory_space<semaphore_mem>>
      %dma_start3A_44 = arith.constant 0 : i32
      %dma_start3A_45 = tpu.memref_slice %arg15[%add3A_9, %dma_start3A_44] : memref<10240x128xf32, #tpu.memory_space<vmem_shared>> -> memref<128x128xf32, #tpu.memory_space<vmem_shared>>
      %dma_start3A_46 = arith.constant 0 : i32
      %dma_start3A_47 = tpu.memref_slice %arg15[%add3A_9, %dma_start3A_46] : memref<10240x128xf32, #tpu.memory_space<vmem_shared>> -> memref<128x128xf32, #tpu.memory_space<vmem_shared>>
      tpu.enqueue_dma source(%arg9 : memref<128x128xf32, #tpu.memory_space<vmem>>) target(%dma_start3A_47 : memref<128x128xf32, #tpu.memory_space<vmem_shared>>) target_semaphore(%run_scoped3A_43 : memref<!tpu.dma_semaphore, #tpu.memory_space<semaphore_mem>>)
      %dma_wait3A_48 = arith.constant 0 : i32
      %dma_wait3A_49 = tpu.memref_slice %arg15[%add3A_9, %dma_wait3A_48] : memref<10240x128xf32, #tpu.memory_space<vmem_shared>> -> memref<128x128xf32, #tpu.memory_space<vmem_shared>>
      %dma_wait3A_50 = arith.constant 0 : i32
      %dma_wait3A_51 = tpu.memref_slice %arg15[%add3A_9, %dma_wait3A_50] : memref<10240x128xf32, #tpu.memory_space<vmem_shared>> -> memref<128x128xf32, #tpu.memory_space<vmem_shared>>
      tpu.wait_dma2 semaphore(%run_scoped3A_43 : memref<!tpu.dma_semaphore, #tpu.memory_space<semaphore_mem>>) src(%arg9 : memref<128x128xf32, #tpu.memory_space<vmem>>) dst(%dma_wait3A_51 : memref<128x128xf32, #tpu.memory_space<vmem_shared>>)
      tpu.yield
    }) : () -> ()
    %add3A_10 = arith.constant 128 : i32
    %add3A_11 = arith.addi %mul3A_7, %add3A_10 : i32
    "tpu.region"() ({
      %run_scoped3A_43 = tpu.sem_alloc : memref<!tpu.dma_semaphore, #tpu.memory_space<semaphore_mem>>
      %dma_start3A_44 = arith.constant 0 : i32
      %dma_start3A_45 = tpu.memref_slice %arg15[%add3A_11, %dma_start3A_44] : memref<10240x128xf32, #tpu.memory_space<vmem_shared>> -> memref<128x128xf32, #tpu.memory_space<vmem_shared>>
      %dma_start3A_46 = arith.constant 0 : i32
      %dma_start3A_47 = tpu.memref_slice %arg15[%add3A_11, %dma_start3A_46] : memref<10240x128xf32, #tpu.memory_space<vmem_shared>> -> memref<128x128xf32, #tpu.memory_space<vmem_shared>>
      tpu.enqueue_dma source(%arg9 : memref<128x128xf32, #tpu.memory_space<vmem>>) target(%dma_start3A_47 : memref<128x128xf32, #tpu.memory_space<vmem_shared>>) target_semaphore(%run_scoped3A_43 : memref<!tpu.dma_semaphore, #tpu.memory_space<semaphore_mem>>)
      %dma_wait3A_48 = arith.constant 0 : i32
      %dma_wait3A_49 = tpu.memref_slice %arg15[%add3A_11, %dma_wait3A_48] : memref<10240x128xf32, #tpu.memory_space<vmem_shared>> -> memref<128x128xf32, #tpu.memory_space<vmem_shared>>
      %dma_wait3A_50 = arith.constant 0 : i32
      %dma_wait3A_51 = tpu.memref_slice %arg15[%add3A_11, %dma_wait3A_50] : memref<10240x128xf32, #tpu.memory_space<vmem_shared>> -> memref<128x128xf32, #tpu.memory_space<vmem_shared>>
      tpu.wait_dma2 semaphore(%run_scoped3A_43 : memref<!tpu.dma_semaphore, #tpu.memory_space<semaphore_mem>>) src(%arg9 : memref<128x128xf32, #tpu.memory_space<vmem>>) dst(%dma_wait3A_51 : memref<128x128xf32, #tpu.memory_space<vmem_shared>>)
      tpu.yield
    }) : () -> ()
    %add3A_12 = arith.constant 256 : i32
    %add3A_13 = arith.addi %mul3A_7, %add3A_12 : i32
    "tpu.region"() ({
      %run_scoped3A_43 = tpu.sem_alloc : memref<!tpu.dma_semaphore, #tpu.memory_space<semaphore_mem>>
      %dma_start3A_44 = arith.constant 0 : i32
      %dma_start3A_45 = tpu.memref_slice %arg15[%add3A_13, %dma_start3A_44] : memref<10240x128xf32, #tpu.memory_space<vmem_shared>> -> memref<128x128xf32, #tpu.memory_space<vmem_shared>>
      %dma_start3A_46 = arith.constant 0 : i32
      %dma_start3A_47 = tpu.memref_slice %arg15[%add3A_13, %dma_start3A_46] : memref<10240x128xf32, #tpu.memory_space<vmem_shared>> -> memref<128x128xf32, #tpu.memory_space<vmem_shared>>
      tpu.enqueue_dma source(%arg9 : memref<128x128xf32, #tpu.memory_space<vmem>>) target(%dma_start3A_47 : memref<128x128xf32, #tpu.memory_space<vmem_shared>>) target_semaphore(%run_scoped3A_43 : memref<!tpu.dma_semaphore, #tpu.memory_space<semaphore_mem>>)
      %dma_wait3A_48 = arith.constant 0 : i32
      %dma_wait3A_49 = tpu.memref_slice %arg15[%add3A_13, %dma_wait3A_48] : memref<10240x128xf32, #tpu.memory_space<vmem_shared>> -> memref<128x128xf32, #tpu.memory_space<vmem_shared>>
      %dma_wait3A_50 = arith.constant 0 : i32
      %dma_wait3A_51 = tpu.memref_slice %arg15[%add3A_13, %dma_wait3A_50] : memref<10240x128xf32, #tpu.memory_space<vmem_shared>> -> memref<128x128xf32, #tpu.memory_space<vmem_shared>>
      tpu.wait_dma2 semaphore(%run_scoped3A_43 : memref<!tpu.dma_semaphore, #tpu.memory_space<semaphore_mem>>) src(%arg9 : memref<128x128xf32, #tpu.memory_space<vmem>>) dst(%dma_wait3A_51 : memref<128x128xf32, #tpu.memory_space<vmem_shared>>)
      tpu.yield
    }) : () -> ()
    %add3A_14 = arith.constant 384 : i32
    %add3A_15 = arith.addi %mul3A_7, %add3A_14 : i32
    "tpu.region"() ({
      %run_scoped3A_43 = tpu.sem_alloc : memref<!tpu.dma_semaphore, #tpu.memory_space<semaphore_mem>>
      %dma_start3A_44 = arith.constant 0 : i32
      %dma_start3A_45 = tpu.memref_slice %arg15[%add3A_15, %dma_start3A_44] : memref<10240x128xf32, #tpu.memory_space<vmem_shared>> -> memref<128x128xf32, #tpu.memory_space<vmem_shared>>
      %dma_start3A_46 = arith.constant 0 : i32
      %dma_start3A_47 = tpu.memref_slice %arg15[%add3A_15, %dma_start3A_46] : memref<10240x128xf32, #tpu.memory_space<vmem_shared>> -> memref<128x128xf32, #tpu.memory_space<vmem_shared>>
      tpu.enqueue_dma source(%arg9 : memref<128x128xf32, #tpu.memory_space<vmem>>) target(%dma_start3A_47 : memref<128x128xf32, #tpu.memory_space<vmem_shared>>) target_semaphore(%run_scoped3A_43 : memref<!tpu.dma_semaphore, #tpu.memory_space<semaphore_mem>>)
      %dma_wait3A_48 = arith.constant 0 : i32
      %dma_wait3A_49 = tpu.memref_slice %arg15[%add3A_15, %dma_wait3A_48] : memref<10240x128xf32, #tpu.memory_space<vmem_shared>> -> memref<128x128xf32, #tpu.memory_space<vmem_shared>>
      %dma_wait3A_50 = arith.constant 0 : i32
      %dma_wait3A_51 = tpu.memref_slice %arg15[%add3A_15, %dma_wait3A_50] : memref<10240x128xf32, #tpu.memory_space<vmem_shared>> -> memref<128x128xf32, #tpu.memory_space<vmem_shared>>
      tpu.wait_dma2 semaphore(%run_scoped3A_43 : memref<!tpu.dma_semaphore, #tpu.memory_space<semaphore_mem>>) src(%arg9 : memref<128x128xf32, #tpu.memory_space<vmem>>) dst(%dma_wait3A_51 : memref<128x128xf32, #tpu.memory_space<vmem_shared>>)
      tpu.yield
    }) : () -> ()
    %add3A_16 = arith.constant 512 : i32
    %add3A_17 = arith.addi %mul3A_7, %add3A_16 : i32
    "tpu.region"() ({
      %run_scoped3A_43 = tpu.sem_alloc : memref<!tpu.dma_semaphore, #tpu.memory_space<semaphore_mem>>
      %dma_start3A_44 = arith.constant 0 : i32
      %dma_start3A_45 = tpu.memref_slice %arg15[%add3A_17, %dma_start3A_44] : memref<10240x128xf32, #tpu.memory_space<vmem_shared>> -> memref<128x128xf32, #tpu.memory_space<vmem_shared>>
      %dma_start3A_46 = arith.constant 0 : i32
      %dma_start3A_47 = tpu.memref_slice %arg15[%add3A_17, %dma_start3A_46] : memref<10240x128xf32, #tpu.memory_space<vmem_shared>> -> memref<128x128xf32, #tpu.memory_space<vmem_shared>>
      tpu.enqueue_dma source(%arg9 : memref<128x128xf32, #tpu.memory_space<vmem>>) target(%dma_start3A_47 : memref<128x128xf32, #tpu.memory_space<vmem_shared>>) target_semaphore(%run_scoped3A_43 : memref<!tpu.dma_semaphore, #tpu.memory_space<semaphore_mem>>)
      %dma_wait3A_48 = arith.constant 0 : i32
      %dma_wait3A_49 = tpu.memref_slice %arg15[%add3A_17, %dma_wait3A_48] : memref<10240x128xf32, #tpu.memory_space<vmem_shared>> -> memref<128x128xf32, #tpu.memory_space<vmem_shared>>
      %dma_wait3A_50 = arith.constant 0 : i32
      %dma_wait3A_51 = tpu.memref_slice %arg15[%add3A_17, %dma_wait3A_50] : memref<10240x128xf32, #tpu.memory_space<vmem_shared>> -> memref<128x128xf32, #tpu.memory_space<vmem_shared>>
      tpu.wait_dma2 semaphore(%run_scoped3A_43 : memref<!tpu.dma_semaphore, #tpu.memory_space<semaphore_mem>>) src(%arg9 : memref<128x128xf32, #tpu.memory_space<vmem>>) dst(%dma_wait3A_51 : memref<128x128xf32, #tpu.memory_space<vmem_shared>>)
      tpu.yield
    }) : () -> ()
    "tpu.region"() ({
      %run_scoped3A_43 = tpu.sem_alloc : memref<!tpu.dma_semaphore, #tpu.memory_space<semaphore_mem>>
      %dma_start3A_44 = arith.constant 0 : i32
      %dma_start3A_45 = arith.constant 0 : i32
      %dma_start3A_46 = tpu.memref_slice %arg4[%add3A, %dma_start3A_44, %dma_start3A_45] : memref<32x80x128xi32, #tpu.memory_space<hbm>> -> memref<1x80x128xi32, #tpu.memory_space<hbm>>
      %dma_start3A_47 = tpu.memref_squeeze %dma_start3A_46 : memref<1x80x128xi32, #tpu.memory_space<hbm>> -> memref<80x128xi32, #tpu.memory_space<hbm>>
      %dma_start3A_48 = arith.constant 0 : i32
      %dma_start3A_49 = arith.constant 0 : i32
      %dma_start3A_50 = tpu.memref_slice %arg4[%add3A, %dma_start3A_48, %dma_start3A_49] : memref<32x80x128xi32, #tpu.memory_space<hbm>> -> memref<1x80x128xi32, #tpu.memory_space<hbm>>
      %dma_start3A_51 = tpu.memref_squeeze %dma_start3A_50 : memref<1x80x128xi32, #tpu.memory_space<hbm>> -> memref<80x128xi32, #tpu.memory_space<hbm>>
      tpu.enqueue_dma source(%dma_start3A_51 : memref<80x128xi32, #tpu.memory_space<hbm>>) target(%arg8 : memref<80x128xi32, #tpu.memory_space<vmem>>) target_semaphore(%run_scoped3A_43 : memref<!tpu.dma_semaphore, #tpu.memory_space<semaphore_mem>>)
      %dma_wait3A_52 = arith.constant 0 : i32
      %dma_wait3A_53 = arith.constant 0 : i32
      %dma_wait3A_54 = tpu.memref_slice %arg4[%add3A, %dma_wait3A_52, %dma_wait3A_53] : memref<32x80x128xi32, #tpu.memory_space<hbm>> -> memref<1x80x128xi32, #tpu.memory_space<hbm>>
      %dma_wait3A_55 = tpu.memref_squeeze %dma_wait3A_54 : memref<1x80x128xi32, #tpu.memory_space<hbm>> -> memref<80x128xi32, #tpu.memory_space<hbm>>
      %dma_wait3A_56 = arith.constant 0 : i32
      %dma_wait3A_57 = arith.constant 0 : i32
      %dma_wait3A_58 = tpu.memref_slice %arg4[%add3A, %dma_wait3A_56, %dma_wait3A_57] : memref<32x80x128xi32, #tpu.memory_space<hbm>> -> memref<1x80x128xi32, #tpu.memory_space<hbm>>
      %dma_wait3A_59 = tpu.memref_squeeze %dma_wait3A_58 : memref<1x80x128xi32, #tpu.memory_space<hbm>> -> memref<80x128xi32, #tpu.memory_space<hbm>>
      tpu.wait_dma2 semaphore(%run_scoped3A_43 : memref<!tpu.dma_semaphore, #tpu.memory_space<semaphore_mem>>) src(%dma_wait3A_59 : memref<80x128xi32, #tpu.memory_space<hbm>>) dst(%arg8 : memref<80x128xi32, #tpu.memory_space<vmem>>)
      tpu.yield
    }) : () -> ()
    %barrier3A = arith.constant 0 : index
    tpu.barrier barrier_id(%barrier3A)
    %dma_start3A = arith.constant 0 : i32
    %dma_start3A_18 = arith.constant 0 : i32
    %dma_start3A_19 = tpu.memref_slice %arg3[%add3A, %dma_start3A, %dma_start3A_18] : memref<32x80x128xi32, #tpu.memory_space<hbm>> -> memref<1x1x128xi32, #tpu.memory_space<hbm>>
    %dma_start3A_20 = tpu.memref_squeeze %dma_start3A_19 : memref<1x1x128xi32, #tpu.memory_space<hbm>> -> memref<128xi32, #tpu.memory_space<hbm>>
    %dma_start3A_21 = arith.constant 0 : i32
    %dma_start3A_22 = tpu.memref_slice %arg3[%add3A, %dma_start3A, %dma_start3A_21] : memref<32x80x128xi32, #tpu.memory_space<hbm>> -> memref<1x1x128xi32, #tpu.memory_space<hbm>>
    %dma_start3A_23 = tpu.memref_squeeze %dma_start3A_22 : memref<1x1x128xi32, #tpu.memory_space<hbm>> -> memref<128xi32, #tpu.memory_space<hbm>>
    tpu.enqueue_dma source(%dma_start3A_23 : memref<128xi32, #tpu.memory_space<hbm>>) target(%arg6 : memref<128xi32, #tpu.memory_space<vmem>>) target_semaphore(%arg11 : memref<!tpu.dma_semaphore, #tpu.memory_space<semaphore_mem>>)
    %scan3A_24 = arith.constant 0 : i32
    %scan3A_25 = arith.constant 0 : i32
    %scan3A_26 = arith.constant 40 : i32
    %scan3A_27 = arith.addi %scan3A_25, %scan3A_26 : i32
    %scan3A_28 = arith.constant 1 : i32
    scf.for %scan3A_43 = %scan3A_25 to %scan3A_27 step %scan3A_28  : i32 {
      %mul3A_44 = arith.constant 2 : i32
      %mul3A_45 = arith.muli %mul3A_44, %scan3A_43 : i32
      %mul3A_46 = arith.constant 2 : i32
      %mul3A_47 = arith.muli %mul3A_46, %scan3A_43 : i32
      %add3A_48 = arith.constant 1 : i32
      %add3A_49 = arith.addi %mul3A_47, %add3A_48 : i32
      %dma_wait3A_50 = arith.constant 0 : i32
      %dma_wait3A_51 = tpu.memref_slice %arg3[%add3A, %mul3A_45, %dma_wait3A_50] : memref<32x80x128xi32, #tpu.memory_space<hbm>> -> memref<1x1x128xi32, #tpu.memory_space<hbm>>
      %dma_wait3A_52 = tpu.memref_squeeze %dma_wait3A_51 : memref<1x1x128xi32, #tpu.memory_space<hbm>> -> memref<128xi32, #tpu.memory_space<hbm>>
      %dma_wait3A_53 = arith.constant 0 : i32
      %dma_wait3A_54 = tpu.memref_slice %arg3[%add3A, %mul3A_45, %dma_wait3A_53] : memref<32x80x128xi32, #tpu.memory_space<hbm>> -> memref<1x1x128xi32, #tpu.memory_space<hbm>>
      %dma_wait3A_55 = tpu.memref_squeeze %dma_wait3A_54 : memref<1x1x128xi32, #tpu.memory_space<hbm>> -> memref<128xi32, #tpu.memory_space<hbm>>
      tpu.wait_dma2 semaphore(%arg11 : memref<!tpu.dma_semaphore, #tpu.memory_space<semaphore_mem>>) src(%dma_wait3A_55 : memref<128xi32, #tpu.memory_space<hbm>>) dst(%arg6 : memref<128xi32, #tpu.memory_space<vmem>>)
      %dma_start3A_56 = arith.constant 0 : i32
      %dma_start3A_57 = arith.constant 0 : i32
      %dma_start3A_58 = tpu.memref_slice %arg2[%dma_start3A_56, %dma_start3A_57] : memref<10240x128xf32, #tpu.memory_space<hbm>> -> memref<10240x128xf32, #tpu.memory_space<hbm>>
      tpu.enqueue_indirect_dma source(%dma_start3A_58 : memref<10240x128xf32, #tpu.memory_space<hbm>>) target(%arg9 : memref<128x128xf32, #tpu.memory_space<vmem>>) offsets(%arg6 : memref<128xi32, #tpu.memory_space<vmem>>) semaphore(%arg13 : memref<!tpu.dma_semaphore, #tpu.memory_space<semaphore_mem>>)
      %gt3A = arith.constant 0 : i32
      %gt3A_59 = arith.cmpi sgt, %scan3A_43, %gt3A : i32
      %convert_element_type3A = arith.extui %gt3A_59 : i1 to i32
      %cond3A = arith.constant 0 : i32
      %cond3A_60 = arith.cmpi ne, %convert_element_type3A, %cond3A : i32
      scf.if %cond3A_60 {
        %dma_wait3A_88 = arith.constant 0 : i32
        %dma_wait3A_89 = arith.constant 0 : i32
        %dma_wait3A_90 = tpu.memref_slice %arg2[%dma_wait3A_88, %dma_wait3A_89] : memref<10240x128xf32, #tpu.memory_space<hbm>> -> memref<10240x128xf32, #tpu.memory_space<hbm>>
        tpu.wait_indirect_dma semaphore(%arg14 : memref<!tpu.dma_semaphore, #tpu.memory_space<semaphore_mem>>) src(%dma_wait3A_90 : memref<10240x128xf32, #tpu.memory_space<hbm>>) dst(%arg10 : memref<128x128xf32, #tpu.memory_space<vmem>>)
      } else {
      }
      %dma_start3A_61 = arith.constant 0 : i32
      %dma_start3A_62 = tpu.memref_slice %arg3[%add3A, %add3A_49, %dma_start3A_61] : memref<32x80x128xi32, #tpu.memory_space<hbm>> -> memref<1x1x128xi32, #tpu.memory_space<hbm>>
      %dma_start3A_63 = tpu.memref_squeeze %dma_start3A_62 : memref<1x1x128xi32, #tpu.memory_space<hbm>> -> memref<128xi32, #tpu.memory_space<hbm>>
      %dma_start3A_64 = arith.constant 0 : i32
      %dma_start3A_65 = tpu.memref_slice %arg3[%add3A, %add3A_49, %dma_start3A_64] : memref<32x80x128xi32, #tpu.memory_space<hbm>> -> memref<1x1x128xi32, #tpu.memory_space<hbm>>
      %dma_start3A_66 = tpu.memref_squeeze %dma_start3A_65 : memref<1x1x128xi32, #tpu.memory_space<hbm>> -> memref<128xi32, #tpu.memory_space<hbm>>
      tpu.enqueue_dma source(%dma_start3A_66 : memref<128xi32, #tpu.memory_space<hbm>>) target(%arg7 : memref<128xi32, #tpu.memory_space<vmem>>) target_semaphore(%arg12 : memref<!tpu.dma_semaphore, #tpu.memory_space<semaphore_mem>>)
      %gt3A_67 = arith.constant 0 : i32
      %gt3A_68 = arith.cmpi sgt, %scan3A_43, %gt3A_67 : i32
      %convert_element_type3A_69 = arith.extui %gt3A_68 : i1 to i32
      %cond3A_70 = arith.constant 0 : i32
      %cond3A_71 = arith.cmpi ne, %convert_element_type3A_69, %cond3A_70 : i32
      scf.if %cond3A_71 {
        %sub3A = arith.constant 1 : i32
        %sub3A_88 = arith.subi %mul3A_45, %sub3A : i32
        "tpu.region"() ({
          %run_scoped3A_89 = tpu.sem_alloc : memref<!tpu.dma_semaphore, #tpu.memory_space<semaphore_mem>>
          %dma_start3A_90 = arith.constant 0 : i32
          %dma_start3A_91 = tpu.memref_slice %arg8[%sub3A_88, %dma_start3A_90] : memref<80x128xi32, #tpu.memory_space<vmem>> -> memref<1x128xi32, #tpu.memory_space<vmem>>
          %dma_start3A_92 = tpu.memref_squeeze %dma_start3A_91 : memref<1x128xi32, #tpu.memory_space<vmem>> -> memref<128xi32, #tpu.memory_space<vmem>>
          %dma_start3A_93 = arith.constant 0 : i32
          %dma_start3A_94 = arith.constant 0 : i32
          %dma_start3A_95 = tpu.memref_slice %arg15[%dma_start3A_93, %dma_start3A_94] : memref<10240x128xf32, #tpu.memory_space<vmem_shared>> -> memref<10240x128xf32, #tpu.memory_space<vmem_shared>>
          tpu.enqueue_indirect_dma source(%arg10 : memref<128x128xf32, #tpu.memory_space<vmem>>) target(%dma_start3A_95 : memref<10240x128xf32, #tpu.memory_space<vmem_shared>>) offsets(%dma_start3A_92 : memref<128xi32, #tpu.memory_space<vmem>>) semaphore(%run_scoped3A_89 : memref<!tpu.dma_semaphore, #tpu.memory_space<semaphore_mem>>) {add = true}
          %dma_wait3A_96 = arith.constant 0 : i32
          %dma_wait3A_97 = tpu.memref_slice %arg8[%sub3A_88, %dma_wait3A_96] : memref<80x128xi32, #tpu.memory_space<vmem>> -> memref<1x128xi32, #tpu.memory_space<vmem>>
          %dma_wait3A_98 = tpu.memref_squeeze %dma_wait3A_97 : memref<1x128xi32, #tpu.memory_space<vmem>> -> memref<128xi32, #tpu.memory_space<vmem>>
          %dma_wait3A_99 = arith.constant 0 : i32
          %dma_wait3A_100 = arith.constant 0 : i32
          %dma_wait3A_101 = tpu.memref_slice %arg15[%dma_wait3A_99, %dma_wait3A_100] : memref<10240x128xf32, #tpu.memory_space<vmem_shared>> -> memref<10240x128xf32, #tpu.memory_space<vmem_shared>>
          tpu.wait_indirect_dma semaphore(%run_scoped3A_89 : memref<!tpu.dma_semaphore, #tpu.memory_space<semaphore_mem>>) src(%arg10 : memref<128x128xf32, #tpu.memory_space<vmem>>) dst(%dma_wait3A_101 : memref<10240x128xf32, #tpu.memory_space<vmem_shared>>)
          tpu.yield
        }) : () -> ()
      } else {
      }
      %dma_wait3A_72 = arith.constant 0 : i32
      %dma_wait3A_73 = tpu.memref_slice %arg3[%add3A, %add3A_49, %dma_wait3A_72] : memref<32x80x128xi32, #tpu.memory_space<hbm>> -> memref<1x1x128xi32, #tpu.memory_space<hbm>>
      %dma_wait3A_74 = tpu.memref_squeeze %dma_wait3A_73 : memref<1x1x128xi32, #tpu.memory_space<hbm>> -> memref<128xi32, #tpu.memory_space<hbm>>
      %dma_wait3A_75 = arith.constant 0 : i32
      %dma_wait3A_76 = tpu.memref_slice %arg3[%add3A, %add3A_49, %dma_wait3A_75] : memref<32x80x128xi32, #tpu.memory_space<hbm>> -> memref<1x1x128xi32, #tpu.memory_space<hbm>>
      %dma_wait3A_77 = tpu.memref_squeeze %dma_wait3A_76 : memref<1x1x128xi32, #tpu.memory_space<hbm>> -> memref<128xi32, #tpu.memory_space<hbm>>
      tpu.wait_dma2 semaphore(%arg12 : memref<!tpu.dma_semaphore, #tpu.memory_space<semaphore_mem>>) src(%dma_wait3A_77 : memref<128xi32, #tpu.memory_space<hbm>>) dst(%arg7 : memref<128xi32, #tpu.memory_space<vmem>>)
      %dma_start3A_78 = arith.constant 0 : i32
      %dma_start3A_79 = arith.constant 0 : i32
      %dma_start3A_80 = tpu.memref_slice %arg2[%dma_start3A_78, %dma_start3A_79] : memref<10240x128xf32, #tpu.memory_space<hbm>> -> memref<10240x128xf32, #tpu.memory_space<hbm>>
      tpu.enqueue_indirect_dma source(%dma_start3A_80 : memref<10240x128xf32, #tpu.memory_space<hbm>>) target(%arg10 : memref<128x128xf32, #tpu.memory_space<vmem>>) offsets(%arg7 : memref<128xi32, #tpu.memory_space<vmem>>) semaphore(%arg14 : memref<!tpu.dma_semaphore, #tpu.memory_space<semaphore_mem>>)
      %dma_wait3A_81 = arith.constant 0 : i32
      %dma_wait3A_82 = arith.constant 0 : i32
      %dma_wait3A_83 = tpu.memref_slice %arg2[%dma_wait3A_81, %dma_wait3A_82] : memref<10240x128xf32, #tpu.memory_space<hbm>> -> memref<10240x128xf32, #tpu.memory_space<hbm>>
      tpu.wait_indirect_dma semaphore(%arg13 : memref<!tpu.dma_semaphore, #tpu.memory_space<semaphore_mem>>) src(%dma_wait3A_83 : memref<10240x128xf32, #tpu.memory_space<hbm>>) dst(%arg9 : memref<128x128xf32, #tpu.memory_space<vmem>>)
      %lt3A = arith.constant 39 : i32
      %lt3A_84 = arith.cmpi slt, %scan3A_43, %lt3A : i32
      %convert_element_type3A_85 = arith.extui %lt3A_84 : i1 to i32
      %cond3A_86 = arith.constant 0 : i32
      %cond3A_87 = arith.cmpi ne, %convert_element_type3A_85, %cond3A_86 : i32
      scf.if %cond3A_87 {
        %add3A_88 = arith.constant 2 : i32
        %add3A_89 = arith.addi %mul3A_45, %add3A_88 : i32
        %dma_start3A_90 = arith.constant 0 : i32
        %dma_start3A_91 = tpu.memref_slice %arg3[%add3A, %add3A_89, %dma_start3A_90] : memref<32x80x128xi32, #tpu.memory_space<hbm>> -> memref<1x1x128xi32, #tpu.memory_space<hbm>>
        %dma_start3A_92 = tpu.memref_squeeze %dma_start3A_91 : memref<1x1x128xi32, #tpu.memory_space<hbm>> -> memref<128xi32, #tpu.memory_space<hbm>>
        %dma_start3A_93 = arith.constant 0 : i32
        %dma_start3A_94 = tpu.memref_slice %arg3[%add3A, %add3A_89, %dma_start3A_93] : memref<32x80x128xi32, #tpu.memory_space<hbm>> -> memref<1x1x128xi32, #tpu.memory_space<hbm>>
        %dma_start3A_95 = tpu.memref_squeeze %dma_start3A_94 : memref<1x1x128xi32, #tpu.memory_space<hbm>> -> memref<128xi32, #tpu.memory_space<hbm>>
        tpu.enqueue_dma source(%dma_start3A_95 : memref<128xi32, #tpu.memory_space<hbm>>) target(%arg6 : memref<128xi32, #tpu.memory_space<vmem>>) target_semaphore(%arg11 : memref<!tpu.dma_semaphore, #tpu.memory_space<semaphore_mem>>)
      } else {
      }
      "tpu.region"() ({
        %run_scoped3A_88 = tpu.sem_alloc : memref<!tpu.dma_semaphore, #tpu.memory_space<semaphore_mem>>
        %dma_start3A_89 = arith.constant 0 : i32
        %dma_start3A_90 = tpu.memref_slice %arg8[%mul3A_45, %dma_start3A_89] : memref<80x128xi32, #tpu.memory_space<vmem>> -> memref<1x128xi32, #tpu.memory_space<vmem>>
        %dma_start3A_91 = tpu.memref_squeeze %dma_start3A_90 : memref<1x128xi32, #tpu.memory_space<vmem>> -> memref<128xi32, #tpu.memory_space<vmem>>
        %dma_start3A_92 = arith.constant 0 : i32
        %dma_start3A_93 = arith.constant 0 : i32
        %dma_start3A_94 = tpu.memref_slice %arg15[%dma_start3A_92, %dma_start3A_93] : memref<10240x128xf32, #tpu.memory_space<vmem_shared>> -> memref<10240x128xf32, #tpu.memory_space<vmem_shared>>
        tpu.enqueue_indirect_dma source(%arg9 : memref<128x128xf32, #tpu.memory_space<vmem>>) target(%dma_start3A_94 : memref<10240x128xf32, #tpu.memory_space<vmem_shared>>) offsets(%dma_start3A_91 : memref<128xi32, #tpu.memory_space<vmem>>) semaphore(%run_scoped3A_88 : memref<!tpu.dma_semaphore, #tpu.memory_space<semaphore_mem>>) {add = true}
        %dma_wait3A_95 = arith.constant 0 : i32
        %dma_wait3A_96 = tpu.memref_slice %arg8[%mul3A_45, %dma_wait3A_95] : memref<80x128xi32, #tpu.memory_space<vmem>> -> memref<1x128xi32, #tpu.memory_space<vmem>>
        %dma_wait3A_97 = tpu.memref_squeeze %dma_wait3A_96 : memref<1x128xi32, #tpu.memory_space<vmem>> -> memref<128xi32, #tpu.memory_space<vmem>>
        %dma_wait3A_98 = arith.constant 0 : i32
        %dma_wait3A_99 = arith.constant 0 : i32
        %dma_wait3A_100 = tpu.memref_slice %arg15[%dma_wait3A_98, %dma_wait3A_99] : memref<10240x128xf32, #tpu.memory_space<vmem_shared>> -> memref<10240x128xf32, #tpu.memory_space<vmem_shared>>
        tpu.wait_indirect_dma semaphore(%run_scoped3A_88 : memref<!tpu.dma_semaphore, #tpu.memory_space<semaphore_mem>>) src(%arg9 : memref<128x128xf32, #tpu.memory_space<vmem>>) dst(%dma_wait3A_100 : memref<10240x128xf32, #tpu.memory_space<vmem_shared>>)
        tpu.yield
      }) : () -> ()
    }
    %scan3A_29 = arith.constant 40 : i32
    %dma_wait3A = arith.constant 0 : i32
    %dma_wait3A_30 = arith.constant 0 : i32
    %dma_wait3A_31 = tpu.memref_slice %arg2[%dma_wait3A, %dma_wait3A_30] : memref<10240x128xf32, #tpu.memory_space<hbm>> -> memref<10240x128xf32, #tpu.memory_space<hbm>>
    tpu.wait_indirect_dma semaphore(%arg14 : memref<!tpu.dma_semaphore, #tpu.memory_space<semaphore_mem>>) src(%dma_wait3A_31 : memref<10240x128xf32, #tpu.memory_space<hbm>>) dst(%arg10 : memref<128x128xf32, #tpu.memory_space<vmem>>)
    %run_scoped3A = arith.constant 79 : i32
    "tpu.region"() ({
      %run_scoped3A_43 = tpu.sem_alloc : memref<!tpu.dma_semaphore, #tpu.memory_space<semaphore_mem>>
      %dma_start3A_44 = arith.constant 0 : i32
      %dma_start3A_45 = tpu.memref_slice %arg8[%run_scoped3A, %dma_start3A_44] : memref<80x128xi32, #tpu.memory_space<vmem>> -> memref<1x128xi32, #tpu.memory_space<vmem>>
      %dma_start3A_46 = tpu.memref_squeeze %dma_start3A_45 : memref<1x128xi32, #tpu.memory_space<vmem>> -> memref<128xi32, #tpu.memory_space<vmem>>
      %dma_start3A_47 = arith.constant 0 : i32
      %dma_start3A_48 = arith.constant 0 : i32
      %dma_start3A_49 = tpu.memref_slice %arg15[%dma_start3A_47, %dma_start3A_48] : memref<10240x128xf32, #tpu.memory_space<vmem_shared>> -> memref<10240x128xf32, #tpu.memory_space<vmem_shared>>
      tpu.enqueue_indirect_dma source(%arg10 : memref<128x128xf32, #tpu.memory_space<vmem>>) target(%dma_start3A_49 : memref<10240x128xf32, #tpu.memory_space<vmem_shared>>) offsets(%dma_start3A_46 : memref<128xi32, #tpu.memory_space<vmem>>) semaphore(%run_scoped3A_43 : memref<!tpu.dma_semaphore, #tpu.memory_space<semaphore_mem>>) {add = true}
      %dma_wait3A_50 = arith.constant 0 : i32
      %dma_wait3A_51 = tpu.memref_slice %arg8[%run_scoped3A, %dma_wait3A_50] : memref<80x128xi32, #tpu.memory_space<vmem>> -> memref<1x128xi32, #tpu.memory_space<vmem>>
      %dma_wait3A_52 = tpu.memref_squeeze %dma_wait3A_51 : memref<1x128xi32, #tpu.memory_space<vmem>> -> memref<128xi32, #tpu.memory_space<vmem>>
      %dma_wait3A_53 = arith.constant 0 : i32
      %dma_wait3A_54 = arith.constant 0 : i32
      %dma_wait3A_55 = tpu.memref_slice %arg15[%dma_wait3A_53, %dma_wait3A_54] : memref<10240x128xf32, #tpu.memory_space<vmem_shared>> -> memref<10240x128xf32, #tpu.memory_space<vmem_shared>>
      tpu.wait_indirect_dma semaphore(%run_scoped3A_43 : memref<!tpu.dma_semaphore, #tpu.memory_space<semaphore_mem>>) src(%arg10 : memref<128x128xf32, #tpu.memory_space<vmem>>) dst(%dma_wait3A_55 : memref<10240x128xf32, #tpu.memory_space<vmem_shared>>)
      tpu.yield
    }) : () -> ()
    %barrier3A_32 = arith.constant 0 : index
    tpu.barrier barrier_id(%barrier3A_32)
    %add3A_33 = arith.constant 0 : i32
    %add3A_34 = arith.addi %mul3A_7, %add3A_33 : i32
    "tpu.region"() ({
      %run_scoped3A_43 = tpu.sem_alloc : memref<!tpu.dma_semaphore, #tpu.memory_space<semaphore_mem>>
      %dma_start3A_44 = arith.constant 0 : i32
      %dma_start3A_45 = tpu.memref_slice %arg5[%arg0, %add3A_34, %dma_start3A_44] : memref<2x10240x128xf32, #tpu.memory_space<hbm>> -> memref<1x128x128xf32, #tpu.memory_space<hbm>>
      %dma_start3A_46 = tpu.memref_squeeze %dma_start3A_45 : memref<1x128x128xf32, #tpu.memory_space<hbm>> -> memref<128x128xf32, #tpu.memory_space<hbm>>
      %dma_start3A_47 = arith.constant 0 : i32
      %dma_start3A_48 = tpu.memref_slice %arg15[%add3A_34, %dma_start3A_47] : memref<10240x128xf32, #tpu.memory_space<vmem_shared>> -> memref<128x128xf32, #tpu.memory_space<vmem_shared>>
      tpu.enqueue_dma source(%dma_start3A_48 : memref<128x128xf32, #tpu.memory_space<vmem_shared>>) target(%dma_start3A_46 : memref<128x128xf32, #tpu.memory_space<hbm>>) target_semaphore(%run_scoped3A_43 : memref<!tpu.dma_semaphore, #tpu.memory_space<semaphore_mem>>)
      %dma_wait3A_49 = arith.constant 0 : i32
      %dma_wait3A_50 = tpu.memref_slice %arg5[%arg0, %add3A_34, %dma_wait3A_49] : memref<2x10240x128xf32, #tpu.memory_space<hbm>> -> memref<1x128x128xf32, #tpu.memory_space<hbm>>
      %dma_wait3A_51 = tpu.memref_squeeze %dma_wait3A_50 : memref<1x128x128xf32, #tpu.memory_space<hbm>> -> memref<128x128xf32, #tpu.memory_space<hbm>>
      %dma_wait3A_52 = arith.constant 0 : i32
      %dma_wait3A_53 = tpu.memref_slice %arg15[%add3A_34, %dma_wait3A_52] : memref<10240x128xf32, #tpu.memory_space<vmem_shared>> -> memref<128x128xf32, #tpu.memory_space<vmem_shared>>
      tpu.wait_dma2 semaphore(%run_scoped3A_43 : memref<!tpu.dma_semaphore, #tpu.memory_space<semaphore_mem>>) src(%dma_wait3A_53 : memref<128x128xf32, #tpu.memory_space<vmem_shared>>) dst(%dma_wait3A_51 : memref<128x128xf32, #tpu.memory_space<hbm>>)
      tpu.yield
    }) : () -> ()
    %add3A_35 = arith.constant 128 : i32
    %add3A_36 = arith.addi %mul3A_7, %add3A_35 : i32
    "tpu.region"() ({
      %run_scoped3A_43 = tpu.sem_alloc : memref<!tpu.dma_semaphore, #tpu.memory_space<semaphore_mem>>
      %dma_start3A_44 = arith.constant 0 : i32
      %dma_start3A_45 = tpu.memref_slice %arg5[%arg0, %add3A_36, %dma_start3A_44] : memref<2x10240x128xf32, #tpu.memory_space<hbm>> -> memref<1x128x128xf32, #tpu.memory_space<hbm>>
      %dma_start3A_46 = tpu.memref_squeeze %dma_start3A_45 : memref<1x128x128xf32, #tpu.memory_space<hbm>> -> memref<128x128xf32, #tpu.memory_space<hbm>>
      %dma_start3A_47 = arith.constant 0 : i32
      %dma_start3A_48 = tpu.memref_slice %arg15[%add3A_36, %dma_start3A_47] : memref<10240x128xf32, #tpu.memory_space<vmem_shared>> -> memref<128x128xf32, #tpu.memory_space<vmem_shared>>
      tpu.enqueue_dma source(%dma_start3A_48 : memref<128x128xf32, #tpu.memory_space<vmem_shared>>) target(%dma_start3A_46 : memref<128x128xf32, #tpu.memory_space<hbm>>) target_semaphore(%run_scoped3A_43 : memref<!tpu.dma_semaphore, #tpu.memory_space<semaphore_mem>>)
      %dma_wait3A_49 = arith.constant 0 : i32
      %dma_wait3A_50 = tpu.memref_slice %arg5[%arg0, %add3A_36, %dma_wait3A_49] : memref<2x10240x128xf32, #tpu.memory_space<hbm>> -> memref<1x128x128xf32, #tpu.memory_space<hbm>>
      %dma_wait3A_51 = tpu.memref_squeeze %dma_wait3A_50 : memref<1x128x128xf32, #tpu.memory_space<hbm>> -> memref<128x128xf32, #tpu.memory_space<hbm>>
      %dma_wait3A_52 = arith.constant 0 : i32
      %dma_wait3A_53 = tpu.memref_slice %arg15[%add3A_36, %dma_wait3A_52] : memref<10240x128xf32, #tpu.memory_space<vmem_shared>> -> memref<128x128xf32, #tpu.memory_space<vmem_shared>>
      tpu.wait_dma2 semaphore(%run_scoped3A_43 : memref<!tpu.dma_semaphore, #tpu.memory_space<semaphore_mem>>) src(%dma_wait3A_53 : memref<128x128xf32, #tpu.memory_space<vmem_shared>>) dst(%dma_wait3A_51 : memref<128x128xf32, #tpu.memory_space<hbm>>)
      tpu.yield
    }) : () -> ()
    %add3A_37 = arith.constant 256 : i32
    %add3A_38 = arith.addi %mul3A_7, %add3A_37 : i32
    "tpu.region"() ({
      %run_scoped3A_43 = tpu.sem_alloc : memref<!tpu.dma_semaphore, #tpu.memory_space<semaphore_mem>>
      %dma_start3A_44 = arith.constant 0 : i32
      %dma_start3A_45 = tpu.memref_slice %arg5[%arg0, %add3A_38, %dma_start3A_44] : memref<2x10240x128xf32, #tpu.memory_space<hbm>> -> memref<1x128x128xf32, #tpu.memory_space<hbm>>
      %dma_start3A_46 = tpu.memref_squeeze %dma_start3A_45 : memref<1x128x128xf32, #tpu.memory_space<hbm>> -> memref<128x128xf32, #tpu.memory_space<hbm>>
      %dma_start3A_47 = arith.constant 0 : i32
      %dma_start3A_48 = tpu.memref_slice %arg15[%add3A_38, %dma_start3A_47] : memref<10240x128xf32, #tpu.memory_space<vmem_shared>> -> memref<128x128xf32, #tpu.memory_space<vmem_shared>>
      tpu.enqueue_dma source(%dma_start3A_48 : memref<128x128xf32, #tpu.memory_space<vmem_shared>>) target(%dma_start3A_46 : memref<128x128xf32, #tpu.memory_space<hbm>>) target_semaphore(%run_scoped3A_43 : memref<!tpu.dma_semaphore, #tpu.memory_space<semaphore_mem>>)
      %dma_wait3A_49 = arith.constant 0 : i32
      %dma_wait3A_50 = tpu.memref_slice %arg5[%arg0, %add3A_38, %dma_wait3A_49] : memref<2x10240x128xf32, #tpu.memory_space<hbm>> -> memref<1x128x128xf32, #tpu.memory_space<hbm>>
      %dma_wait3A_51 = tpu.memref_squeeze %dma_wait3A_50 : memref<1x128x128xf32, #tpu.memory_space<hbm>> -> memref<128x128xf32, #tpu.memory_space<hbm>>
      %dma_wait3A_52 = arith.constant 0 : i32
      %dma_wait3A_53 = tpu.memref_slice %arg15[%add3A_38, %dma_wait3A_52] : memref<10240x128xf32, #tpu.memory_space<vmem_shared>> -> memref<128x128xf32, #tpu.memory_space<vmem_shared>>
      tpu.wait_dma2 semaphore(%run_scoped3A_43 : memref<!tpu.dma_semaphore, #tpu.memory_space<semaphore_mem>>) src(%dma_wait3A_53 : memref<128x128xf32, #tpu.memory_space<vmem_shared>>) dst(%dma_wait3A_51 : memref<128x128xf32, #tpu.memory_space<hbm>>)
      tpu.yield
    }) : () -> ()
    %add3A_39 = arith.constant 384 : i32
    %add3A_40 = arith.addi %mul3A_7, %add3A_39 : i32
    "tpu.region"() ({
      %run_scoped3A_43 = tpu.sem_alloc : memref<!tpu.dma_semaphore, #tpu.memory_space<semaphore_mem>>
      %dma_start3A_44 = arith.constant 0 : i32
      %dma_start3A_45 = tpu.memref_slice %arg5[%arg0, %add3A_40, %dma_start3A_44] : memref<2x10240x128xf32, #tpu.memory_space<hbm>> -> memref<1x128x128xf32, #tpu.memory_space<hbm>>
      %dma_start3A_46 = tpu.memref_squeeze %dma_start3A_45 : memref<1x128x128xf32, #tpu.memory_space<hbm>> -> memref<128x128xf32, #tpu.memory_space<hbm>>
      %dma_start3A_47 = arith.constant 0 : i32
      %dma_start3A_48 = tpu.memref_slice %arg15[%add3A_40, %dma_start3A_47] : memref<10240x128xf32, #tpu.memory_space<vmem_shared>> -> memref<128x128xf32, #tpu.memory_space<vmem_shared>>
      tpu.enqueue_dma source(%dma_start3A_48 : memref<128x128xf32, #tpu.memory_space<vmem_shared>>) target(%dma_start3A_46 : memref<128x128xf32, #tpu.memory_space<hbm>>) target_semaphore(%run_scoped3A_43 : memref<!tpu.dma_semaphore, #tpu.memory_space<semaphore_mem>>)
      %dma_wait3A_49 = arith.constant 0 : i32
      %dma_wait3A_50 = tpu.memref_slice %arg5[%arg0, %add3A_40, %dma_wait3A_49] : memref<2x10240x128xf32, #tpu.memory_space<hbm>> -> memref<1x128x128xf32, #tpu.memory_space<hbm>>
      %dma_wait3A_51 = tpu.memref_squeeze %dma_wait3A_50 : memref<1x128x128xf32, #tpu.memory_space<hbm>> -> memref<128x128xf32, #tpu.memory_space<hbm>>
      %dma_wait3A_52 = arith.constant 0 : i32
      %dma_wait3A_53 = tpu.memref_slice %arg15[%add3A_40, %dma_wait3A_52] : memref<10240x128xf32, #tpu.memory_space<vmem_shared>> -> memref<128x128xf32, #tpu.memory_space<vmem_shared>>
      tpu.wait_dma2 semaphore(%run_scoped3A_43 : memref<!tpu.dma_semaphore, #tpu.memory_space<semaphore_mem>>) src(%dma_wait3A_53 : memref<128x128xf32, #tpu.memory_space<vmem_shared>>) dst(%dma_wait3A_51 : memref<128x128xf32, #tpu.memory_space<hbm>>)
      tpu.yield
    }) : () -> ()
    %add3A_41 = arith.constant 512 : i32
    %add3A_42 = arith.addi %mul3A_7, %add3A_41 : i32
    "tpu.region"() ({
      %run_scoped3A_43 = tpu.sem_alloc : memref<!tpu.dma_semaphore, #tpu.memory_space<semaphore_mem>>
      %dma_start3A_44 = arith.constant 0 : i32
      %dma_start3A_45 = tpu.memref_slice %arg5[%arg0, %add3A_42, %dma_start3A_44] : memref<2x10240x128xf32, #tpu.memory_space<hbm>> -> memref<1x128x128xf32, #tpu.memory_space<hbm>>
      %dma_start3A_46 = tpu.memref_squeeze %dma_start3A_45 : memref<1x128x128xf32, #tpu.memory_space<hbm>> -> memref<128x128xf32, #tpu.memory_space<hbm>>
      %dma_start3A_47 = arith.constant 0 : i32
      %dma_start3A_48 = tpu.memref_slice %arg15[%add3A_42, %dma_start3A_47] : memref<10240x128xf32, #tpu.memory_space<vmem_shared>> -> memref<128x128xf32, #tpu.memory_space<vmem_shared>>
      tpu.enqueue_dma source(%dma_start3A_48 : memref<128x128xf32, #tpu.memory_space<vmem_shared>>) target(%dma_start3A_46 : memref<128x128xf32, #tpu.memory_space<hbm>>) target_semaphore(%run_scoped3A_43 : memref<!tpu.dma_semaphore, #tpu.memory_space<semaphore_mem>>)
      %dma_wait3A_49 = arith.constant 0 : i32
      %dma_wait3A_50 = tpu.memref_slice %arg5[%arg0, %add3A_42, %dma_wait3A_49] : memref<2x10240x128xf32, #tpu.memory_space<hbm>> -> memref<1x128x128xf32, #tpu.memory_space<hbm>>
      %dma_wait3A_51 = tpu.memref_squeeze %dma_wait3A_50 : memref<1x128x128xf32, #tpu.memory_space<hbm>> -> memref<128x128xf32, #tpu.memory_space<hbm>>
      %dma_wait3A_52 = arith.constant 0 : i32
      %dma_wait3A_53 = tpu.memref_slice %arg15[%add3A_42, %dma_wait3A_52] : memref<10240x128xf32, #tpu.memory_space<vmem_shared>> -> memref<128x128xf32, #tpu.memory_space<vmem_shared>>
      tpu.wait_dma2 semaphore(%run_scoped3A_43 : memref<!tpu.dma_semaphore, #tpu.memory_space<semaphore_mem>>) src(%dma_wait3A_53 : memref<128x128xf32, #tpu.memory_space<vmem_shared>>) dst(%dma_wait3A_51 : memref<128x128xf32, #tpu.memory_space<hbm>>)
      tpu.yield
    }) : () -> ()
    return
  }
}

module attributes {stable_mosaic.version = 14 : i64} {
  func.func @body(%arg0: i32, %arg1: memref<512x128xf32, #tpu.memory_space<vmem>>, %arg2: memref<512x128xf32, #tpu.memory_space<vmem>>, %arg3: memref<512x128xf32, #tpu.memory_space<vmem>>, %arg4: memref<512x128xf32, #tpu.memory_space<vmem>>, %arg5: memref<512x128xf32, #tpu.memory_space<vmem>>, %arg6: memref<128x128xf32, #tpu.memory_space<vmem>>, %arg7: memref<1x128xf32, #tpu.memory_space<vmem>>, %arg8: memref<128x128xf32, #tpu.memory_space<vmem>>, %arg9: memref<512x128xf32, #tpu.memory_space<vmem>>) attributes {dimension_semantics = [#tpu.dimension_semantics<arbitrary>], iteration_bounds = array<i64: 20>, scalar_prefetch = 0 : i64, scratch_operands = 0 : i64, tpu.core_type = #tpu.core_type<tc>, window_params = [{transform_indices = @transform_0, window_bounds = array<i64: 512, 128>}, {transform_indices = @transform_1, window_bounds = array<i64: 512, 128>}, {transform_indices = @transform_2, window_bounds = array<i64: 512, 128>}, {transform_indices = @transform_3, window_bounds = array<i64: 512, 128>}, {transform_indices = @transform_4, window_bounds = array<i64: 512, 128>}, {pipeline_mode = #tpu.pipeline_mode<synchronous>, transform_indices = @transform_5, window_bounds = array<i64: 128, 128>}, {pipeline_mode = #tpu.pipeline_mode<synchronous>, transform_indices = @transform_6, window_bounds = array<i64: 1, 128>}, {pipeline_mode = #tpu.pipeline_mode<synchronous>, transform_indices = @transform_7, window_bounds = array<i64: 128, 128>}, {transform_indices = @transform_8, window_bounds = array<i64: 512, 128>}]} {
    %get3A = arith.constant 0 : index
    %get3A_0 = arith.constant 0 : index
    %get3A_1 = vector.load %arg3[%get3A, %get3A_0] : memref<512x128xf32, #tpu.memory_space<vmem>>, vector<512x1xf32>
    %get3A_2 = arith.constant 0 : index
    %get3A_3 = arith.constant 0 : index
    %get3A_4 = vector.load %arg4[%get3A_2, %get3A_3] : memref<512x128xf32, #tpu.memory_space<vmem>>, vector<512x1xf32>
    %add3A = arith.addf %get3A_1, %get3A_4 : vector<512x1xf32>
    %max3A = arith.constant 1.000000e+00 : f32
    %max3A_5 = vector.broadcast %max3A : f32 to vector<512x1xf32>
    %max3A_6 = arith.maximumf %add3A, %max3A_5 : vector<512x1xf32>
    %div3A = arith.constant 1.000000e+00 : f32
    %div3A_7 = vector.broadcast %div3A : f32 to vector<512x1xf32>
    %div3A_8 = arith.divf %div3A_7, %max3A_6 : vector<512x1xf32>
    %get3A_9 = arith.constant 0 : index
    %get3A_10 = arith.constant 0 : index
    %get3A_11 = vector.load %arg1[%get3A_9, %get3A_10] : memref<512x128xf32, #tpu.memory_space<vmem>>, vector<512x128xf32>
    %get3A_12 = arith.constant 0 : index
    %get3A_13 = arith.constant 0 : index
    %get3A_14 = vector.load %arg2[%get3A_12, %get3A_13] : memref<512x128xf32, #tpu.memory_space<vmem>>, vector<512x128xf32>
    %add3A_15 = arith.addf %get3A_11, %get3A_14 : vector<512x128xf32>
    %mul3A = vector.broadcast %div3A_8 : vector<512x1xf32> to vector<512x128xf32>
    %mul3A_16 = arith.mulf %add3A_15, %mul3A : vector<512x128xf32>
    %get3A_17 = arith.constant 0 : index
    %get3A_18 = arith.constant 0 : index
    %get3A_19 = vector.load %arg6[%get3A_17, %get3A_18] : memref<128x128xf32, #tpu.memory_space<vmem>>, vector<128x128xf32>
    %dot_general3A = arith.constant dense<0.000000e+00> : vector<512x128xf32>
    %dot_general3A_20 = tpu.matmul %mul3A_16, %get3A_19, %dot_general3A {dimension_numbers = #tpu.dot_dimension_numbers<[1], [1], [0], [0], [0, 0, 1, 0], [], []>, precision = #tpu.contract_precision<fp32>, transpose_lhs_hint = false} : vector<512x128xf32>, vector<128x128xf32>, vector<512x128xf32> -> vector<512x128xf32>
    %get3A_21 = arith.constant 0 : index
    %get3A_22 = arith.constant 0 : index
    %get3A_23 = vector.load %arg7[%get3A_21, %get3A_22] : memref<1x128xf32, #tpu.memory_space<vmem>>, vector<1x128xf32>
    %add3A_24 = vector.broadcast %get3A_23 : vector<1x128xf32> to vector<512x128xf32>
    %add3A_25 = arith.addf %dot_general3A_20, %add3A_24 : vector<512x128xf32>
    %get3A_26 = arith.constant 0 : index
    %get3A_27 = arith.constant 0 : index
    %get3A_28 = vector.load %arg5[%get3A_26, %get3A_27] : memref<512x128xf32, #tpu.memory_space<vmem>>, vector<512x128xf32>
    %get3A_29 = arith.constant 0 : index
    %get3A_30 = arith.constant 0 : index
    %get3A_31 = vector.load %arg8[%get3A_29, %get3A_30] : memref<128x128xf32, #tpu.memory_space<vmem>>, vector<128x128xf32>
    %dot_general3A_32 = arith.constant dense<0.000000e+00> : vector<512x128xf32>
    %dot_general3A_33 = tpu.matmul %get3A_28, %get3A_31, %dot_general3A_32 {dimension_numbers = #tpu.dot_dimension_numbers<[1], [1], [0], [0], [0, 0, 1, 0], [], []>, precision = #tpu.contract_precision<fp32>, transpose_lhs_hint = false} : vector<512x128xf32>, vector<128x128xf32>, vector<512x128xf32> -> vector<512x128xf32>
    %add3A_34 = arith.addf %add3A_25, %dot_general3A_33 : vector<512x128xf32>
    %max3A_35 = arith.constant 0.000000e+00 : f32
    %max3A_36 = vector.broadcast %max3A_35 : f32 to vector<512x128xf32>
    %max3A_37 = arith.maximumf %add3A_34, %max3A_36 : vector<512x128xf32>
    %swap3A = arith.constant 0 : index
    %swap3A_38 = arith.constant 0 : index
    %swap3A_39 = vector.load %arg9[%swap3A, %swap3A_38] : memref<512x128xf32, #tpu.memory_space<vmem>>, vector<512x128xf32>
    tpu.vector_store %arg9[%swap3A, %swap3A_38], %max3A_37 {strides = array<i32>} : memref<512x128xf32, #tpu.memory_space<vmem>>, vector<512x128xf32>,
    return
  }
  func.func @transform_0(%arg0: i32) -> (i32, i32) {
    %c0_i32 = arith.constant 0 : i32
    %c0_i32_0 = arith.constant 0 : i32
    return %arg0, %c0_i32 : i32, i32
  }
  func.func @transform_1(%arg0: i32) -> (i32, i32) {
    %c0_i32 = arith.constant 0 : i32
    %c0_i32_0 = arith.constant 0 : i32
    return %arg0, %c0_i32 : i32, i32
  }
  func.func @transform_2(%arg0: i32) -> (i32, i32) {
    %c0_i32 = arith.constant 0 : i32
    %c0_i32_0 = arith.constant 0 : i32
    return %arg0, %c0_i32 : i32, i32
  }
  func.func @transform_3(%arg0: i32) -> (i32, i32) {
    %c0_i32 = arith.constant 0 : i32
    %c0_i32_0 = arith.constant 0 : i32
    return %arg0, %c0_i32 : i32, i32
  }
  func.func @transform_4(%arg0: i32) -> (i32, i32) {
    %c0_i32 = arith.constant 0 : i32
    %c0_i32_0 = arith.constant 0 : i32
    return %arg0, %c0_i32 : i32, i32
  }
  func.func @transform_5(%arg0: i32) -> (i32, i32) {
    %c0_i32 = arith.constant 0 : i32
    %c0_i32_0 = arith.constant 0 : i32
    %c0_i32_1 = arith.constant 0 : i32
    return %c0_i32, %c0_i32_0 : i32, i32
  }
  func.func @transform_6(%arg0: i32) -> (i32, i32) {
    %c0_i32 = arith.constant 0 : i32
    %c0_i32_0 = arith.constant 0 : i32
    %c0_i32_1 = arith.constant 0 : i32
    return %c0_i32, %c0_i32_0 : i32, i32
  }
  func.func @transform_7(%arg0: i32) -> (i32, i32) {
    %c0_i32 = arith.constant 0 : i32
    %c0_i32_0 = arith.constant 0 : i32
    %c0_i32_1 = arith.constant 0 : i32
    return %c0_i32, %c0_i32_0 : i32, i32
  }
  func.func @transform_8(%arg0: i32) -> (i32, i32) {
    %c0_i32 = arith.constant 0 : i32
    %c0_i32_0 = arith.constant 0 : i32
    return %arg0, %c0_i32 : i32, i32
  }
}

module attributes {stable_mosaic.version = 14 : i64} {
  func.func @body(%arg0: i32, %arg1: memref<512x128xf32, #tpu.memory_space<vmem>>, %arg2: memref<512x128xf32, #tpu.memory_space<vmem>>, %arg3: memref<512x128xf32, #tpu.memory_space<vmem>>, %arg4: memref<512x128xf32, #tpu.memory_space<vmem>>, %arg5: memref<512x128xf32, #tpu.memory_space<vmem>>, %arg6: memref<128x128xf32, #tpu.memory_space<vmem>>, %arg7: memref<1x128xf32, #tpu.memory_space<vmem>>, %arg8: memref<128x128xf32, #tpu.memory_space<vmem>>, %arg9: memref<512x128xf32, #tpu.memory_space<vmem>>) attributes {dimension_semantics = [#tpu.dimension_semantics<arbitrary>], iteration_bounds = array<i64: 20>, scalar_prefetch = 0 : i64, scratch_operands = 0 : i64, tpu.core_type = #tpu.core_type<tc>, window_params = [{transform_indices = @transform_0, window_bounds = array<i64: 512, 128>}, {transform_indices = @transform_1, window_bounds = array<i64: 512, 128>}, {transform_indices = @transform_2, window_bounds = array<i64: 512, 128>}, {transform_indices = @transform_3, window_bounds = array<i64: 512, 128>}, {transform_indices = @transform_4, window_bounds = array<i64: 512, 128>}, {pipeline_mode = #tpu.pipeline_mode<synchronous>, transform_indices = @transform_5, window_bounds = array<i64: 128, 128>}, {pipeline_mode = #tpu.pipeline_mode<synchronous>, transform_indices = @transform_6, window_bounds = array<i64: 1, 128>}, {pipeline_mode = #tpu.pipeline_mode<synchronous>, transform_indices = @transform_7, window_bounds = array<i64: 128, 128>}, {transform_indices = @transform_8, window_bounds = array<i64: 512, 128>}]} {
    %get3A = arith.constant 0 : index
    %get3A_0 = arith.constant 0 : index
    %get3A_1 = vector.load %arg3[%get3A, %get3A_0] : memref<512x128xf32, #tpu.memory_space<vmem>>, vector<512x1xf32>
    %get3A_2 = arith.constant 0 : index
    %get3A_3 = arith.constant 0 : index
    %get3A_4 = vector.load %arg4[%get3A_2, %get3A_3] : memref<512x128xf32, #tpu.memory_space<vmem>>, vector<512x1xf32>
    %add3A = arith.addf %get3A_1, %get3A_4 : vector<512x1xf32>
    %max3A = arith.constant 1.000000e+00 : f32
    %max3A_5 = vector.broadcast %max3A : f32 to vector<512x1xf32>
    %max3A_6 = arith.maximumf %add3A, %max3A_5 : vector<512x1xf32>
    %div3A = arith.constant 1.000000e+00 : f32
    %div3A_7 = vector.broadcast %div3A : f32 to vector<512x1xf32>
    %div3A_8 = arith.divf %div3A_7, %max3A_6 : vector<512x1xf32>
    %get3A_9 = arith.constant 0 : index
    %get3A_10 = arith.constant 0 : index
    %get3A_11 = vector.load %arg1[%get3A_9, %get3A_10] : memref<512x128xf32, #tpu.memory_space<vmem>>, vector<512x128xf32>
    %get3A_12 = arith.constant 0 : index
    %get3A_13 = arith.constant 0 : index
    %get3A_14 = vector.load %arg2[%get3A_12, %get3A_13] : memref<512x128xf32, #tpu.memory_space<vmem>>, vector<512x128xf32>
    %add3A_15 = arith.addf %get3A_11, %get3A_14 : vector<512x128xf32>
    %mul3A = vector.broadcast %div3A_8 : vector<512x1xf32> to vector<512x128xf32>
    %mul3A_16 = arith.mulf %add3A_15, %mul3A : vector<512x128xf32>
    %get3A_17 = arith.constant 0 : index
    %get3A_18 = arith.constant 0 : index
    %get3A_19 = vector.load %arg6[%get3A_17, %get3A_18] : memref<128x128xf32, #tpu.memory_space<vmem>>, vector<128x128xf32>
    %dot_general3A = arith.constant dense<0.000000e+00> : vector<512x128xf32>
    %dot_general3A_20 = tpu.matmul %mul3A_16, %get3A_19, %dot_general3A {dimension_numbers = #tpu.dot_dimension_numbers<[1], [1], [0], [0], [0, 0, 1, 0], [], []>, precision = #tpu.contract_precision<fp32>, transpose_lhs_hint = false} : vector<512x128xf32>, vector<128x128xf32>, vector<512x128xf32> -> vector<512x128xf32>
    %get3A_21 = arith.constant 0 : index
    %get3A_22 = arith.constant 0 : index
    %get3A_23 = vector.load %arg7[%get3A_21, %get3A_22] : memref<1x128xf32, #tpu.memory_space<vmem>>, vector<1x128xf32>
    %add3A_24 = vector.broadcast %get3A_23 : vector<1x128xf32> to vector<512x128xf32>
    %add3A_25 = arith.addf %dot_general3A_20, %add3A_24 : vector<512x128xf32>
    %get3A_26 = arith.constant 0 : index
    %get3A_27 = arith.constant 0 : index
    %get3A_28 = vector.load %arg5[%get3A_26, %get3A_27] : memref<512x128xf32, #tpu.memory_space<vmem>>, vector<512x128xf32>
    %get3A_29 = arith.constant 0 : index
    %get3A_30 = arith.constant 0 : index
    %get3A_31 = vector.load %arg8[%get3A_29, %get3A_30] : memref<128x128xf32, #tpu.memory_space<vmem>>, vector<128x128xf32>
    %dot_general3A_32 = arith.constant dense<0.000000e+00> : vector<512x128xf32>
    %dot_general3A_33 = tpu.matmul %get3A_28, %get3A_31, %dot_general3A_32 {dimension_numbers = #tpu.dot_dimension_numbers<[1], [1], [0], [0], [0, 0, 1, 0], [], []>, precision = #tpu.contract_precision<fp32>, transpose_lhs_hint = false} : vector<512x128xf32>, vector<128x128xf32>, vector<512x128xf32> -> vector<512x128xf32>
    %add3A_34 = arith.addf %add3A_25, %dot_general3A_33 : vector<512x128xf32>
    %jit3A = arith.constant 0.000000e+00 : f32
    %jit3A_35 = arith.constant -1.000000e+04 : f32
    %jit3A_36 = arith.constant 1.000000e+04 : f32
    %ne3A = arith.cmpf one, %add3A_34, %add3A_34 : vector<512x128xf32>
    %broadcast_in_dim3A = vector.broadcast %jit3A : f32 to vector<512x128xf32>
    %select_n3A = arith.select %ne3A, %broadcast_in_dim3A, %add3A_34 : vector<512x128xi1>, vector<512x128xf32>
    %eq3A = arith.constant 0x7F800000 : f32
    %eq3A_37 = vector.broadcast %eq3A : f32 to vector<512x128xf32>
    %eq3A_38 = arith.cmpf oeq, %select_n3A, %eq3A_37 : vector<512x128xf32>
    %broadcast_in_dim3A_39 = vector.broadcast %jit3A_36 : f32 to vector<512x128xf32>
    %select_n3A_40 = arith.select %eq3A_38, %broadcast_in_dim3A_39, %select_n3A : vector<512x128xi1>, vector<512x128xf32>
    %eq3A_41 = arith.constant 0xFF800000 : f32
    %eq3A_42 = vector.broadcast %eq3A_41 : f32 to vector<512x128xf32>
    %eq3A_43 = arith.cmpf oeq, %select_n3A_40, %eq3A_42 : vector<512x128xf32>
    %broadcast_in_dim3A_44 = vector.broadcast %jit3A_35 : f32 to vector<512x128xf32>
    %select_n3A_45 = arith.select %eq3A_43, %broadcast_in_dim3A_44, %select_n3A_40 : vector<512x128xi1>, vector<512x128xf32>
    %swap3A = arith.constant 0 : index
    %swap3A_46 = arith.constant 0 : index
    %swap3A_47 = vector.load %arg9[%swap3A, %swap3A_46] : memref<512x128xf32, #tpu.memory_space<vmem>>, vector<512x128xf32>
    tpu.vector_store %arg9[%swap3A, %swap3A_46], %select_n3A_45 {strides = array<i32>} : memref<512x128xf32, #tpu.memory_space<vmem>>, vector<512x128xf32>,
    return
  }
  func.func @transform_0(%arg0: i32) -> (i32, i32) {
    %c0_i32 = arith.constant 0 : i32
    %c0_i32_0 = arith.constant 0 : i32
    return %arg0, %c0_i32 : i32, i32
  }
  func.func @transform_1(%arg0: i32) -> (i32, i32) {
    %c0_i32 = arith.constant 0 : i32
    %c0_i32_0 = arith.constant 0 : i32
    return %arg0, %c0_i32 : i32, i32
  }
  func.func @transform_2(%arg0: i32) -> (i32, i32) {
    %c0_i32 = arith.constant 0 : i32
    %c0_i32_0 = arith.constant 0 : i32
    return %arg0, %c0_i32 : i32, i32
  }
  func.func @transform_3(%arg0: i32) -> (i32, i32) {
    %c0_i32 = arith.constant 0 : i32
    %c0_i32_0 = arith.constant 0 : i32
    return %arg0, %c0_i32 : i32, i32
  }
  func.func @transform_4(%arg0: i32) -> (i32, i32) {
    %c0_i32 = arith.constant 0 : i32
    %c0_i32_0 = arith.constant 0 : i32
    return %arg0, %c0_i32 : i32, i32
  }
  func.func @transform_5(%arg0: i32) -> (i32, i32) {
    %c0_i32 = arith.constant 0 : i32
    %c0_i32_0 = arith.constant 0 : i32
    %c0_i32_1 = arith.constant 0 : i32
    return %c0_i32, %c0_i32_0 : i32, i32
  }
  func.func @transform_6(%arg0: i32) -> (i32, i32) {
    %c0_i32 = arith.constant 0 : i32
    %c0_i32_0 = arith.constant 0 : i32
    %c0_i32_1 = arith.constant 0 : i32
    return %c0_i32, %c0_i32_0 : i32, i32
  }
  func.func @transform_7(%arg0: i32) -> (i32, i32) {
    %c0_i32 = arith.constant 0 : i32
    %c0_i32_0 = arith.constant 0 : i32
    %c0_i32_1 = arith.constant 0 : i32
    return %c0_i32, %c0_i32_0 : i32, i32
  }
  func.func @transform_8(%arg0: i32) -> (i32, i32) {
    %c0_i32 = arith.constant 0 : i32
    %c0_i32_0 = arith.constant 0 : i32
    return %arg0, %c0_i32 : i32, i32
  }
}

</mosaic_0001>

<sc_bundles>
// kernel: kernel.10.cloned.1.call-start
scs
__scs_entry_jumppad:
0x0: {  	(pc) =	sbr.rel $0x88, $3  }
0x1: {  	(tag) =	ssettag $0x0;
	lr =	simm.s32 $0x1  }
0x2: {  	[smem:$0x3F99] =	sst lr;
	_ =	strace $0xD0000000  }
0x3: {  	_ = 	snop  }
0x4: {  	_ = 	snop  }
0x5: {  	_ = 	snop  }
0x6: {  	_ = 	snop  }
0x7: {  	_ = 	snop  }
__scs_overlays_trampoline_lowered:
0x8: {  	[smem:$0x3FA8] =	sst s0  }
0x9: {  	[smem:$0x3FA9] =	sst s1  }
0xa: {  	[smem:$0x3FAA] =	sst s2  }
0xb: {  	[smem:$0x3FAB] =	sst s3  }
0xc: {  	[smem:$0x3FAC] =	sst s4  }
0xd: {  	[smem:$0x3FAD] =	sst s5  }
0xe: {  	[smem:$0x3FAE] =	sst s6  }
0xf: {  	[smem:$0x3FAF] =	sst s7  }
0x10: {  	[smem:$0x3FB0] =	sst s8  }
0x11: {  	[smem:$0x3FB1] =	sst s9;
	s0 =	simm.s32 @!p0 $0x0  }
0x12: {  	s1 =	sld [smem:$0x3F97];
	s0 =	simm.s32 @p0 $0x1  }
0x13: {  	[smem:$0x3FB2] =	sst s0;
	s0 =	simm.s32 @!p1 $0x0  }
0x14: {  	s2 =	sld [smem:$0x3F96];
	s0 =	simm.s32 @p1 $0x1  }
0x15: {  	[smem:$0x3FB3] =	sst s0;
	s0 =	simm.s32 @!p2 $0x0  }
0x16: {  	s3 =	sld [smem:$0x3FDB];
	s0 =	simm.s32 @p2 $0x1  }
0x17: {  	s4 =	simm.s32 $0x1BF5;
	[smem:$0x3FB5] =	sst s0  }
0x18: {  	s0 =	sld [smem:$0x3F98];
	_ =	swait.ge [sflag:s4], $0x0  }
0x19: {  	s7 =	sld [smem:$0x3F99]  }
0x1a: {  	s8 =	sadd.s32 $0xFFFFE003, lr  }
0x1b: {  	s9 =	sadd.s32 $0xFFFFFEF7, lr;
	s5 =	simm.s32 $0xFFFFFFFF;
	p2 =	slt.u32 s8, $0xFFFFF086  }
0x1c: {  	p1 =	slt.u32 s9, $0xF7A;
	s5 =	simm.s32 @!p2 $0x0  }
0x1d: {  	s5 =	simm.s32 @p1 $0x1;
	p0 =	seq.s32 s7, s2  }
0x1e: {  	s7 =	smul.u32 @!p0 $0xF7A, s2;
	p2 =	seq.s32 @!p0 s5, $0x0  }
0x1f: {  	s9 =	smul.u32 $0xF7A, s1;
	s8 =	simm.s32 @!p0 $0x1BF5;
	p2 =	por !p2, p0  }
0x20: {  	[sflag:s8] =	ssyncset.s32 @!p0 $0xFFFFF086;
	s6 =	sadd.s32 @!p0 s3, s7;
	s7 =	simm.s32 @!p0 $0x108  }
0x21: {  	s3 =	sadd.s32 s3, s9;
	s6 =	sadd.s32 @!p0 $0x88, s6;
	s7 =	simm.s32 @p2 $0x1082  }
0x22: {  	[simem:s7], [sflag:s8] =	dma.local @!p0 [hbm:s6], $0xF7A  }
0x23: {  	s9 =	sor.u32 $0xD0000000, s2;
	s6 =	simm.s32 $0x108;
	_ =	swait.ge @!p0 [sflag:s8], $0x0  }
0x24: {  	s3 =	sadd.s32 $0x88, s3;
	s6 =	simm.s32 @!p1 $0x1082;
	[sflag:s4] =	ssyncset.s32 $0xFFFFF086  }
0x25: {  	[simem:s6], [sflag:s4] =	dma.local [hbm:s3], $0xF7A  }
0x26: {  	[smem:$0x3F99] =	sst s1;
	(tag) =	ssettag s2;
	_ =	strace s9  }
0x27: {  	s1 =	sld [smem:$0x3FA9]  }
0x28: {  	s2 =	sld [smem:$0x3FAA]  }
0x29: {  	s4 =	sld [smem:$0x3FAC]  }
0x2a: {  	p0 =	seq.s32 s5, $0x0;
	s5 =	sld [smem:$0x3FAD]  }
0x2b: {  	s6 =	sld [smem:$0x3FAE]  }
0x2c: {  	s7 =	sld [smem:$0x3FAF]  }
0x2d: {  	s3 =	simm.s32 $0x108;
	s8 =	sld [smem:$0x3FB0]  }
0x2e: {  	s3 =	simm.s32 @!p0 $0x1082;
	s9 =	sld [smem:$0x3FB1]  }
0x2f: {  	lr =	sadd.s32 s0, s3;
	s0 =	sld [smem:$0x3FA8]  }
0x30: {  	s3 =	sld [smem:$0x3FAB]  }
0x31: {  	[smem:$0x3FB4] =	sst s10  }
0x32: {  	s10 =	sld [smem:$0x3FB2];
	_ =	sdelay $0x3  }
0x33: {  	p0 =	seq.s32 s10, $0x1;
	s10 =	sld [smem:$0x3FB4];
	_ =	sdelay $0x3  }
0x34: {  	[smem:$0x3FB4] =	sst s10  }
0x35: {  	s10 =	sld [smem:$0x3FB3];
	_ =	sdelay $0x3  }
0x36: {  	p1 =	seq.s32 s10, $0x1;
	s10 =	sld [smem:$0x3FB4];
	_ =	sdelay $0x3  }
0x37: {  	[smem:$0x3FB4] =	sst s10  }
0x38: {  	s10 =	sld [smem:$0x3FB5]  }
0x39: {  	_ = 	snop;
	(pc) =	sbr.ind lr, $3  }
0x3a: {  	_ = 	snop  }
0x3b: {  	_ = 	snop  }
0x3c: {  	p2 =	seq.s32 s10, $0x1;
	s10 =	sld [smem:$0x3FB4]  }
0x3d: {  	_ =	shalt  }
0x3e: {  	_ =	shalt  }
0x3f: {  	_ =	shalt  }
0x40: {  	_ =	shalt  }
0x41: {  	_ =	shalt  }
0x42: {  	_ =	shalt  }
0x43: {  	_ =	shalt  }
0x44: {  	_ =	shalt  }
0x45: {  	_ =	shalt  }
0x46: {  	_ =	shalt  }
0x47: {  	_ =	shalt  }
0x48: {  	_ =	shalt  }
0x49: {  	_ =	shalt  }
0x4a: {  	_ =	shalt  }
0x4b: {  	_ =	shalt  }
0x4c: {  	_ =	shalt  }
0x4d: {  	_ =	shalt  }
0x4e: {  	_ =	shalt  }
0x4f: {  	_ =	shalt  }
0x50: {  	_ =	shalt  }
0x51: {  	_ =	shalt  }
0x52: {  	_ =	shalt  }
0x53: {  	_ =	shalt  }
0x54: {  	_ =	shalt  }
0x55: {  	_ =	shalt  }
0x56: {  	_ =	shalt  }
0x57: {  	_ =	shalt  }
0x58: {  	_ =	shalt  }
0x59: {  	_ =	shalt  }
0x5a: {  	_ =	shalt  }
0x5b: {  	_ =	shalt  }
0x5c: {  	_ =	shalt  }
0x5d: {  	_ =	shalt  }
0x5e: {  	_ =	shalt  }
0x5f: {  	_ =	shalt  }
0x60: {  	_ =	shalt  }
0x61: {  	_ =	shalt  }
0x62: {  	_ =	shalt  }
0x63: {  	_ =	shalt  }
0x64: {  	_ =	shalt  }
0x65: {  	_ =	shalt  }
0x66: {  	_ =	shalt  }
0x67: {  	_ =	shalt  }
0x68: {  	_ =	shalt  }
0x69: {  	_ =	shalt  }
0x6a: {  	_ =	shalt  }
0x6b: {  	_ =	shalt  }
0x6c: {  	_ =	shalt  }
0x6d: {  	_ =	shalt  }
0x6e: {  	_ =	shalt  }
0x6f: {  	_ =	shalt  }
0x70: {  	_ =	shalt  }
0x71: {  	_ =	shalt  }
0x72: {  	_ =	shalt  }
0x73: {  	_ =	shalt  }
0x74: {  	_ =	shalt  }
0x75: {  	_ =	shalt  }
0x76: {  	_ =	shalt  }
0x77: {  	_ =	shalt  }
0x78: {  	_ =	shalt  }
0x79: {  	_ =	shalt  }
0x7a: {  	_ =	shalt  }
0x7b: {  	_ =	shalt  }
0x7c: {  	_ =	shalt  }
0x7d: {  	_ =	shalt  }
0x7e: {  	_ =	shalt  }
0x7f: {  	_ =	shalt  }
0x80: {  	_ =	shalt  }
0x81: {  	_ =	shalt  }
0x82: {  	_ =	shalt  }
0x83: {  	_ =	shalt  }
0x84: {  	_ =	shalt  }
0x85: {  	_ =	shalt  }
0x86: {  	_ =	shalt  }
0x87: {  	_ =	shalt  }
.Lfunc_end0:
.L_simem_size_0:
called_computation.1_lowered:
.L_overlay_start_0:
0x88: {  	s2 =	sld [smem:$0x3FD9]  }
0x89: {  	s3 =	sld [smem:$0x3FFE];
	_ =	sdelay $0x1  }
0x8a: {  	s1 =	srdreg.scid  }
0x8b: {  	s0 =	sand.u32 $0x1, s1  }
0x8c: {  	s17 =	sshll.u32 s0, $0xA;
	s2 =	sadd.s32 s3, s2  }
0x8d: {  	s2 =	sadd.s32 s2, s17  }
0x8e: {  	[smem:$0x3FC0] =	sst s2  }
0x8f: {  	_ = 	snop  }
0x90: {  	s2 =	sld [smem:$0x3FD0];
	(tm) =	ssettm $0x1  }
0x91: {  	s18 =	sld [smem:$0x3FFB];
	_ =	sdelay $0x3  }
0x92: {  	_ =	strace s18  }
0x93: {  	s3 =	sld [smem:$0x3FFC];
	_ =	sdelay $0x3  }
0x94: {  	_ =	strace s3  }
0x95: {  	s3 =	sld [smem:$0x3FFD];
	_ =	sdelay $0x3  }
0x96: {  	_ =	strace s3  }
0x97: {  	_ =	strace $0x8FFFFFFF  }
0x98: {  	s19 =	sld [smem:$0x3FDB];
	_ =	sdelay $0x1  }
0x99: {  	s4 =	simm.s32 $_scs_section_size  }
0x9a: {  	s5 =	simm.s32 $_size__tile_overlayer_lowered;
	s6 =	simm.s32 $_tile_overlayer_lowered  }
0x9b: {  	s22 =	simm.s32 $0x1BFF;
	s21 =	sshll.u32 s6, $0x1;
	s3 =	sadd.s32 s4, s19  }
0x9c: {  	s7 =	simm.s32 $0x0;
	s20 =	sshll.u32 s5, $0x1;
	s5 =	sadd.s32 s21, s3  }
0x9d: {  	[timem:s7], [sflag:s22] =	dma.local [hbm:s5], s20  }
0x9e: {  	_ =	swait.ge [sflag:s22], s20  }
0x9f: {  	s4 =	ssub.s32 $0x0, s20;
	[sflag:s22] =	ssyncset.done $0x0  }
0xa0: {  	[sflag:s22] =	ssyncadd.s32 s4;
	_ =	sdelay $0x1  }
0xa1: {  	s23 =	simm.s32 $0x1B8B  }
0xa2: {  	_ =	swait.ge [sflag:s23], $0x1  }
0xa3: {  	[sflag:s23] =	ssyncset.done $0x0  }
0xa4: {  	s25 =	simm.s32 $0x1B8E;
	s24 =	sld [smem:$0x3FFE];
	[sflag:s23] =	ssyncadd.s32 $0xFFFFFFFF  }
0xa5: {  	s26 =	simm.s32 $execute0_lowered;
	[smem:$0x3FD2] =	sst s25  }
0xa6: {  	s5 =	sshll.u32 s26, $0x1;
	_ =	strace $0x80000046;
	[dreg:$0x1] =	wrdreg $0xFFFFFFFF  }
0xa7: {  	s28 =	simm.s32 $_size_execute0_lowered;
	s3 =	sadd.s32 s3, s5;
	[dreg:$0x0] =	wrdreg $0x0  }
0xa8: {  	s5 =	sshll.u32 s28, $0x1;
	[dreg:$0x2] =	wrdreg s3  }
0xa9: {  	[dreg:$0x3] =	wrdreg s5  }
0xaa: {  	[dreg:$0x4] =	wrdreg $0xC0  }
0xab: {  	_ =	task [dreg:s7], $0x5FFFF  }
0xac: {  	[dreg:$0x1] =	wrdreg $0xFFFFFFFF  }
0xad: {  	[dreg:$0x0] =	wrdreg $0x60  }
0xae: {  	[dreg:$0x2] =	wrdreg s24  }
0xaf: {  	[dreg:$0x3] =	wrdreg s2  }
0xb0: {  	[dreg:$0x4] =	wrdreg $0xA9000  }
0xb1: {  	[dreg:$0x5] =	wrdreg $0xA  }
0xb2: {  	_ =	task.clear_ibuf [dreg:s7], $0x6FFFF;
	_ =	strace $0x90000046  }
0xb3: {  	s29 =	simm.s32 $0xA;
	_ =	strace $0x80000048  }
0xb4: {  	_ =	swait.ge [sflag:s29], $0x1  }
0xb5: {  	[sflag:s29] =	ssyncadd.s32 $0xFFFFFFFF  }
0xb6: {  	_ =	strace $0x90000048  }
0xb7: {  	_ =	sfence  }
0xb8: {  	s30 =	sld [smem:$0x0];
	_ =	sdelay $0x2  }
0xb9: {  	s31 =	sshll.u32 s1, $0xD;
	s1 =	sshrl.u32 s1, $0x2  }
0xba: {  	s3 =	sand.u32 $0x4000, s31;
	s1 =	sadd.s32 s1, s30  }
0xbb: {  	s0 =	sor.u32 s3, s0;
	s1 =	sshll.u32 s1, $0x11  }
0xbc: {  	s0 =	sor.u32 s1, s0  }
0xbd: {  	s0 =	sadd.s32 $0x8F2B, s0  }
0xbe: {  	[sflag:s0] =	ssyncadd.remote.s32 $0x1  }
0xbf: {  	_ =	sfence.sel $0xFFFF  }
0xc0: {  	[dreg:$0x0] =	wrdreg $0xFFFFFFFF;
	(pc) =	sbr.abs _section_cstart, $3  }
0xc1: {  	[dreg:$0x1] =	wrdreg $0xFFFFFFFF  }
0xc2: {  	_ =	task.clear_ibuf [dreg:s7], $0x2FFFF;
	_ =	strace $0x9FFFFFFF  }
0xc3: {  	(tm) =	ssettm $0x7FFFFFFF  }
tec
execute0_lowered:
.L_overlay_start_1:
0x0: {  	(tag) =	ssettag $0x1  }
0x1: {  	s0 =	rddreg [dreg:$0x0]  }
0x2: {  	s2 =	rddreg [dreg:$0x1]  }
0x3: {  	s1 =	rddreg [dreg:$0x2];
	s3 =	simm.s32 $0x0;
	s4 =	srdreg.scid  }
0x4: {  	s10 =	stileid.u32;
	s28 =	simm.s32 $0x80;
	s29 =	simm.s32 $0x2  }
0x5: {  	s30 =	simm.s32 $0x6900;
	s31 =	simm.s32 $0x3;
	[smem:$0x7FF] =	sst s3  }
0x6: {  	s9 =	sand.u32 $0x1, s4;
	s4 =	sadd.s32 $0xB800, s0;
	s7 =	smul.u32 $0x50000, s10  }
0x7: {  	s5 =	sadd.s32 $0x1800, s0;
	s12 =	smul.u32 $0x14000, s10;
	s0 =	sadd.s32 $0x33800, s0  }
0x8: {  	s17 =	sshll.u32 s10, $0x1;
	_ =	strace $0x80000047;
	s6 =	ssub.s32 $0x2, s9  }
0x9: {  	s18 =	sor.u32 s9, s17;
	s8 =	sshrl.u32 s6, $0x1;
	s19 =	sshrl.u32 s7, $0x2  }
0xa: {  	s13 =	sadd.s32 $0x4000, s12;
	s16 =	sadd.s32 $0x8000, s12;
	s17 =	sadd.s32 $0xC000, s12  }
0xb: {  	s14 =	ssub.s32 s6, s8;
	s6 =	sadd.s32 s19, s1;
	s8 =	smul.u32 $0x2800, s18  }
0xc: {  	s7 =	sadd.s32 s13, s1;
	s18 =	smul.u32 $0x140000, s9;
	s19 =	sadd.s32 $0x10000, s12  }
0xd: {  	s9 =	sadd.s32 s16, s1;
	s10 =	sadd.s32 s17, s1;
	s11 =	sadd.s32 s19, s1  }
0xe: {  	s15 =	sshrl.u32 s8, $0x3;
	s12 =	sadd.s32 s12, s18;
	s21 =	sadd.s32 s18, s13  }
0xf: {  	s23 =	sadd.s32 s18, s16;
	s24 =	sadd.s32 s18, s17;
	s18 =	sadd.s32 s18, s19  }
0x10: {  	s19 =	smax.u32 s14, $0x1;
	s2 =	sadd.s32 s2, s15;
	s20 =	sshrl.u32 s12, $0x3  }
0x11: {  	s13 =	sadd.s32 s5, s15;
	s22 =	sshrl.u32 s21, $0x3;
	s12 =	sshrl.u32 s24, $0x3  }
0x12: {  	s26 =	sshrl.u32 s18, $0x3;
	s24 =	simm.s32 $0x5;
	[dreg:$0x4] =	wrdreg s2  }
0x13: {  	s2 =	sadd.s32 s0, s20;
	s25 =	sadd.s32 s0, s12;
	s18 =	sadd.s32 s0, s26  }
0x14: {  	s20 =	sadd.s32 $0x10, s13;
	s21 =	sadd.s32 $0x20, s13;
	[dreg:$0x5] =	wrdreg s2  }
0x15: {  	s26 =	simm.s32 $0x1;
	s2 =	sadd.s32 s0, s22;
	[dreg:$0x8] =	wrdreg s25  }
0x16: {  	s22 =	sadd.s32 $0x4F0, s13;
	[dreg:$0x6] =	wrdreg s2;
	s2 =	sshrl.u32 s23, $0x3  }
0x17: {  	s25 =	simm.s32 $0x100;
	s23 =	simm.s32 $0x2900;
	s2 =	sadd.s32 s0, s2  }
0x18: {  	v0 =	vimm.f32 $0.0e+00;
	s0 =	simm.s32 $0x4;
	[dreg:$0x7] =	wrdreg s2;
	s2 =	simm.s32 $0x0  }
.LBB2_1:
0x19: {  	s12 =	simm.s32 $0x0;
	s14 =	simm.s32 $0x200  }
.LBB2_2:
0x1a: {  	p0 =	sne.s32 s14, $0xFE00;
	[tilespmem:s12+$0x2970] =	vst v0  }
0x1b: {  	[tilespmem:s12+$0x2900] =	vst v0  }
0x1c: {  	[tilespmem:s12+$0x2910] =	vst v0  }
.Ltmp0:
0x1d: {  	[tilespmem:s12+$0x2920] =	vst v0;
	(pc) =	sbr.rel @p0 .LBB2_2-.Ltmp0, $4  }
0x1e: {  	[tilespmem:s12+$0x2930] =	vst v0  }
0x1f: {  	[tilespmem:s12+$0x2940] =	vst v0  }
0x20: {  	[tilespmem:s12+$0x2950] =	vst v0  }
0x21: {  	[tilespmem:s12+$0x2960] =	vst v0;
	s12 =	sshra.s32 s14, $0x2;
	s14 =	sadd.s32 $0x200, s14  }
0x22: {  	[tilespmem:s12+$0x2970] =	vst v0  }
0x23: {  	[tilespmem:s12+$0x2900] =	vst v0  }
0x24: {  	[tilespmem:s12+$0x2910] =	vst v0  }
0x25: {  	[tilespmem:s12+$0x2920] =	vst v0  }
0x26: {  	[tilespmem:s12+$0x2930] =	vst v0  }
0x27: {  	[tilespmem:s12+$0x2940] =	vst v0  }
0x28: {  	[tilespmem:s12+$0x2950] =	vst v0  }
0x29: {  	[tilespmem:s12+$0x2960] =	vst v0  }
0x2a: {  	[spmem:s6] =	stream.linear.scatter [tilespmem:s23], [sflag:$0x5], $0x4000, $0x38;
	[tilespmem:$0x1E900] =	vst v63  }
0x2b: {  	_ =	swait.ge [sflag:s24], $0x4000  }
0x2c: {  	[sflag:s24] =	ssyncset.done $0x0  }
0x2d: {  	[sflag:s24] =	ssyncadd.s32 $0xFFFFC000  }
0x2e: {  	[spmem:s7] =	stream.linear.scatter [tilespmem:s23], [sflag:$0x5], $0x4000, $0x38;
	[tilespmem:$0x1E900] =	vst v63  }
0x2f: {  	_ =	swait.ge [sflag:s24], $0x4000  }
0x30: {  	[sflag:s24] =	ssyncset.done $0x0  }
0x31: {  	[sflag:s24] =	ssyncadd.s32 $0xFFFFC000  }
0x32: {  	[spmem:s9] =	stream.linear.scatter [tilespmem:s23], [sflag:$0x5], $0x4000, $0x38;
	[tilespmem:$0x1E900] =	vst v63  }
0x33: {  	_ =	swait.ge [sflag:s24], $0x4000  }
0x34: {  	[sflag:s24] =	ssyncset.done $0x0  }
0x35: {  	[sflag:s24] =	ssyncadd.s32 $0xFFFFC000  }
0x36: {  	[spmem:s10] =	stream.linear.scatter [tilespmem:s23], [sflag:$0x5], $0x4000, $0x38;
	[tilespmem:$0x1E900] =	vst v63  }
0x37: {  	_ =	swait.ge [sflag:s24], $0x4000  }
0x38: {  	[sflag:s24] =	ssyncset.done $0x0  }
0x39: {  	[sflag:s24] =	ssyncadd.s32 $0xFFFFC000  }
0x3a: {  	[spmem:s11] =	stream.linear.scatter [tilespmem:s23], [sflag:$0x5], $0x4000, $0x38;
	[tilespmem:$0x1E900] =	vst v63  }
0x3b: {  	_ =	swait.ge [sflag:s24], $0x4000  }
0x3c: {  	[sflag:s24] =	ssyncset.done $0x0  }
0x3d: {  	s14 =	rddreg [dreg:$0x4];
	[sflag:s24] =	ssyncadd.s32 $0xFFFFC000  }
0x3e: {  	[tilespmem:s25], [sflag:$0x5] =	stream.linear.gather [hbm4b:s14+s3], $0x2800, $0x38;
	[tilespmem:$0x1E900] =	vst v63  }
0x3f: {  	_ =	swait.ge [sflag:s24], $0x2800  }
0x40: {  	[sflag:s24] =	ssyncset.done $0x0  }
0x41: {  	[sflag:s24] =	ssyncadd.s32 $0xFFFFD800  }
0x42: {  	[bflag:$0x0] =	sbarrier.arrive $0xFFFF  }
0x43: {  	[tilespmem:s3], [sflag:$0x1] =	stream.linear.gather [hbm4b:s13+s3], $0x80, $0x38;
	[tilespmem:$0x1E900] =	vst v63  }
0x44: {  	_ =	swait.ge [sflag:s26], $0x80  }
0x45: {  	[sflag:s26] =	ssyncset.done $0x0  }
0x46: {  	[sflag:s26] =	ssyncadd.s32 $0xFFFFFF80  }
0x47: {  	[tilespmem:s23], [sflag:$0x3] =	stream.indirect.gather [hbm4b:s4+s28], $0x80, s3, s28, $0xb8;
	[tilespmem:$0x1E900] =	vst v63  }
0x48: {  	_ = 	snop  }
0x49: {  	[tilespmem:s28], [sflag:$0x2] =	stream.linear.gather [hbm4b:s20+s3], $0x80, $0x38;
	[tilespmem:$0x1E900] =	vst v63  }
0x4a: {  	_ =	swait.ge [sflag:s29], $0x80  }
0x4b: {  	[sflag:s29] =	ssyncset.done $0x0  }
0x4c: {  	[sflag:s29] =	ssyncadd.s32 $0xFFFFFF80  }
0x4d: {  	[tilespmem:s30], [sflag:$0x4] =	stream.indirect.gather [hbm4b:s4+s28], $0x80, s28, s28, $0xb8;
	[tilespmem:$0x1E900] =	vst v63  }
0x4e: {  	_ =	swait.ge [sflag:s31], $0x4000  }
0x4f: {  	[sflag:s31] =	ssyncset.done $0x0  }
0x50: {  	[sflag:s31] =	ssyncadd.s32 $0xFFFFC000  }
0x51: {  	[tilespmem:s3], [sflag:$0x1] =	stream.linear.gather [hbm4b:s21+s3], $0x80, $0x38;
	[tilespmem:$0x1E900] =	vst v63  }
0x52: {  	_ = 	snop  }
0x53: {  	[spmem:s1] =	stream.indirect.scatter.add.f32 [tilespmem:s23], [sflag:$0x5], $0x80, s25, s28, $0xb8;
	[tilespmem:$0x1E900] =	vst v63  }
0x54: {  	_ =	swait.ge [sflag:s24], $0x4000  }
0x55: {  	[sflag:s24] =	ssyncset.done $0x0  }
0x56: {  	s15 =	simm.s32 $0x100;
	[sflag:s24] =	ssyncadd.s32 $0xFFFFC000  }
0x57: {  	s14 =	sand.u32 $0x3C00, s15;
	_ =	swait.ge [sflag:s26], $0x80  }
0x58: {  	s12 =	sand.u32 $0x300, s15;
	s14 =	sadd.s32 s8, s14;
	[sflag:s26] =	ssyncset.done $0x0  }
0x59: {  	s12 =	sor.u32 s14, s12;
	[sflag:s26] =	ssyncadd.s32 $0xFFFFFF80  }
0x5a: {  	[tilespmem:s23], [sflag:$0x3] =	stream.indirect.gather [hbm4b:s4+s28], $0x80, s3, s28, $0xb8;
	[tilespmem:$0x1E900] =	vst v63  }
0x5b: {  	s12 =	sor.u32 $0x80, s12;
	_ =	swait.ge [sflag:s0], $0x4000  }
0x5c: {  	s12 =	sshrl.u32 s12, $0x3;
	[sflag:s0] =	ssyncset.done $0x0  }
0x5d: {  	s12 =	sadd.s32 s5, s12;
	[sflag:s0] =	ssyncadd.s32 $0xFFFFC000  }
0x5e: {  	[tilespmem:s28], [sflag:$0x2] =	stream.linear.gather [hbm4b:s12+s3], $0x80, $0x38;
	[tilespmem:$0x1E900] =	vst v63  }
0x5f: {  	s16 =	simm.s32 $0x180  }
0x60: {  	[spmem:s1] =	stream.indirect.scatter.add.f32 [tilespmem:s30], [sflag:$0x5], $0x80, s16, s28, $0xb8;
	[tilespmem:$0x1E900] =	vst v63  }
0x61: {  	_ =	swait.ge [sflag:s24], $0x4000  }
0x62: {  	[sflag:s24] =	ssyncset.done $0x0  }
0x63: {  	[sflag:s24] =	ssyncadd.s32 $0xFFFFC000  }
0x64: {  	s12 =	simm.s32 $0x200;
	_ =	swait.ge [sflag:s29], $0x80  }
0x65: {  	s17 =	sand.u32 $0x7C00, s12;
	[sflag:s29] =	ssyncset.done $0x0  }
0x66: {  	s15 =	sand.u32 $0x300, s12;
	s14 =	sadd.s32 s8, s17;
	[sflag:s29] =	ssyncadd.s32 $0xFFFFFF80  }
0x67: {  	[tilespmem:s30], [sflag:$0x4] =	stream.indirect.gather [hbm4b:s4+s28], $0x80, s28, s28, $0xb8;
	[tilespmem:$0x1E900] =	vst v63  }
0x68: {  	s14 =	sor.u32 s15, s14;
	_ =	swait.ge [sflag:s31], $0x4000  }
0x69: {  	s14 =	sshrl.u32 s14, $0x3;
	[sflag:s31] =	ssyncset.done $0x0  }
0x6a: {  	s14 =	sadd.s32 s5, s14;
	[sflag:s31] =	ssyncadd.s32 $0xFFFFC000  }
0x6b: {  	[tilespmem:s3], [sflag:$0x1] =	stream.linear.gather [hbm4b:s14+s3], $0x80, $0x38;
	[tilespmem:$0x1E900] =	vst v63  }
0x6c: {  	_ = 	snop  }
0x6d: {  	[spmem:s1] =	stream.indirect.scatter.add.f32 [tilespmem:s23], [sflag:$0x5], $0x80, s12, s28, $0xb8;
	[tilespmem:$0x1E900] =	vst v63  }
0x6e: {  	s14 =	simm.s32 $0x300;
	_ =	swait.ge [sflag:s24], $0x4000  }
.LBB2_4:
0x6f: {  	p0 =	sne.s32 s14, $0x2700  }
0x70: {  	[sflag:s24] =	ssyncset.done $0x0;
	s12 =	sadd.s32 $0x100, s12;
	s15 =	smov.u32 s14  }
0x71: {  	s14 =	sadd.s32 $0x100, s14;
	s16 =	sadd.s32 $0xFFFFFF00, s15;
	[sflag:s24] =	ssyncadd.s32 $0xFFFFC000  }
0x72: {  	_ =	swait.ge [sflag:s26], $0x80;
	s17 =	sand.u32 $0x3C00, s16  }
0x73: {  	s16 =	sand.u32 $0x300, s16;
	[sflag:s26] =	ssyncset.done $0x0;
	s17 =	sadd.s32 s8, s17  }
0x74: {  	[sflag:s26] =	ssyncadd.s32 $0xFFFFFF80;
	s16 =	sor.u32 s17, s16  }
0x75: {  	[tilespmem:s23], [sflag:$0x3] =	stream.indirect.gather [hbm4b:s4+s28], $0x80, s3, s28, $0xb8;
	[tilespmem:$0x1E900] =	vst v63  }
0x76: {  	s16 =	sor.u32 $0x80, s16;
	_ =	swait.ge [sflag:s0], $0x4000  }
0x77: {  	s16 =	sshrl.u32 s16, $0x3;
	[sflag:s0] =	ssyncset.done $0x0  }
0x78: {  	s17 =	sadd.s32 $0xFFFFFF80, s12;
	s16 =	sadd.s32 s5, s16;
	[sflag:s0] =	ssyncadd.s32 $0xFFFFC000  }
0x79: {  	[tilespmem:s28], [sflag:$0x2] =	stream.linear.gather [hbm4b:s16+s3], $0x80, $0x38;
	[tilespmem:$0x1E900] =	vst v63  }
0x7a: {  	_ = 	snop  }
0x7b: {  	[spmem:s1] =	stream.indirect.scatter.add.f32 [tilespmem:s30], [sflag:$0x5], $0x80, s17, s28, $0xb8;
	[tilespmem:$0x1E900] =	vst v63  }
0x7c: {  	_ =	swait.ge [sflag:s24], $0x4000  }
0x7d: {  	[sflag:s24] =	ssyncset.done $0x0  }
0x7e: {  	[sflag:s24] =	ssyncadd.s32 $0xFFFFC000  }
0x7f: {  	_ =	swait.ge [sflag:s29], $0x80  }
0x80: {  	s16 =	sand.u32 $0x7C00, s15;
	[sflag:s29] =	ssyncset.done $0x0  }
0x81: {  	s15 =	sand.u32 $0x300, s15;
	s16 =	sadd.s32 s8, s16;
	[sflag:s29] =	ssyncadd.s32 $0xFFFFFF80  }
0x82: {  	[tilespmem:s30], [sflag:$0x4] =	stream.indirect.gather [hbm4b:s4+s28], $0x80, s28, s28, $0xb8;
	[tilespmem:$0x1E900] =	vst v63  }
0x83: {  	s15 =	sor.u32 s15, s16;
	_ =	swait.ge [sflag:s31], $0x4000  }
0x84: {  	s15 =	sshrl.u32 s15, $0x3;
	[sflag:s31] =	ssyncset.done $0x0  }
.Ltmp1:
0x85: {  	s15 =	sadd.s32 s5, s15;
	[sflag:s31] =	ssyncadd.s32 $0xFFFFC000;
	(pc) =	sbr.rel @p0 .LBB2_4-.Ltmp1, $4  }
0x86: {  	[tilespmem:s3], [sflag:$0x1] =	stream.linear.gather [hbm4b:s15+s3], $0x80, $0x38;
	[tilespmem:$0x1E900] =	vst v63  }
0x87: {  	_ = 	snop  }
0x88: {  	[spmem:s1] =	stream.indirect.scatter.add.f32 [tilespmem:s23], [sflag:$0x5], $0x80, s12, s28, $0xb8;
	[tilespmem:$0x1E900] =	vst v63  }
0x89: {  	_ =	swait.ge [sflag:s24], $0x4000  }
0x8a: {  	[sflag:s24] =	ssyncset.done $0x0  }
0x8b: {  	[sflag:s24] =	ssyncadd.s32 $0xFFFFC000  }
0x8c: {  	_ =	swait.ge [sflag:s26], $0x80  }
0x8d: {  	[sflag:s26] =	ssyncset.done $0x0  }
0x8e: {  	[sflag:s26] =	ssyncadd.s32 $0xFFFFFF80  }
0x8f: {  	[tilespmem:s23], [sflag:$0x3] =	stream.indirect.gather [hbm4b:s4+s28], $0x80, s3, s28, $0xb8;
	[tilespmem:$0x1E900] =	vst v63  }
0x90: {  	_ =	swait.ge [sflag:s0], $0x4000  }
0x91: {  	[sflag:s0] =	ssyncset.done $0x0  }
0x92: {  	[sflag:s0] =	ssyncadd.s32 $0xFFFFC000  }
0x93: {  	[tilespmem:s28], [sflag:$0x2] =	stream.linear.gather [hbm4b:s22+s3], $0x80, $0x38;
	[tilespmem:$0x1E900] =	vst v63  }
0x94: {  	s12 =	simm.s32 $0x2780  }
0x95: {  	[spmem:s1] =	stream.indirect.scatter.add.f32 [tilespmem:s30], [sflag:$0x5], $0x80, s12, s28, $0xb8;
	[tilespmem:$0x1E900] =	vst v63  }
0x96: {  	_ =	swait.ge [sflag:s24], $0x4000  }
0x97: {  	[sflag:s24] =	ssyncset.done $0x0  }
0x98: {  	[sflag:s24] =	ssyncadd.s32 $0xFFFFC000  }
0x99: {  	_ =	swait.ge [sflag:s29], $0x80  }
0x9a: {  	[sflag:s29] =	ssyncset.done $0x0  }
0x9b: {  	[sflag:s29] =	ssyncadd.s32 $0xFFFFFF80  }
0x9c: {  	[tilespmem:s30], [sflag:$0x4] =	stream.indirect.gather [hbm4b:s4+s28], $0x80, s28, s28, $0xb8;
	[tilespmem:$0x1E900] =	vst v63  }
0x9d: {  	_ =	swait.ge [sflag:s31], $0x4000  }
0x9e: {  	[sflag:s31] =	ssyncset.done $0x0  }
0x9f: {  	s17 =	simm.s32 $0x2800;
	[sflag:s31] =	ssyncadd.s32 $0xFFFFC000  }
0xa0: {  	[spmem:s1] =	stream.indirect.scatter.add.f32 [tilespmem:s23], [sflag:$0x5], $0x80, s17, s28, $0xb8;
	[tilespmem:$0x1E900] =	vst v63  }
0xa1: {  	_ =	swait.ge [sflag:s24], $0x4000  }
0xa2: {  	[sflag:s24] =	ssyncset.done $0x0  }
0xa3: {  	[sflag:s24] =	ssyncadd.s32 $0xFFFFC000  }
0xa4: {  	_ =	swait.ge [sflag:s0], $0x4000  }
0xa5: {  	[sflag:s0] =	ssyncset.done $0x0  }
0xa6: {  	s14 =	simm.s32 $0x2880;
	[sflag:s0] =	ssyncadd.s32 $0xFFFFC000  }
0xa7: {  	[spmem:s1] =	stream.indirect.scatter.add.f32 [tilespmem:s30], [sflag:$0x5], $0x80, s14, s28, $0xb8;
	[tilespmem:$0x1E900] =	vst v63  }
0xa8: {  	_ =	swait.ge [sflag:s24], $0x4000  }
0xa9: {  	[sflag:s24] =	ssyncset.done $0x0  }
0xaa: {  	s15 =	stileid.u32;
	[sflag:s24] =	ssyncadd.s32 $0xFFFFC000  }
0xab: {  	s12 =	sshll.u32 s15, $0x6;
	[bflag:$0x0] =	sbarrier.arrive $0xFFFF  }
0xac: {  	s12 =	sor.u32 $0x1C05, s12;
	s14 =	sshrl.u32 s6, $0x3;
	s15 =	rddreg [dreg:$0x5]  }
0xad: {  	[hbm:s15], [sflag:s12] =	dma.local [spmem:s14], $0x800  }
0xae: {  	_ =	swait.ge [sflag:s24], $0x800  }
0xaf: {  	[sflag:s24] =	ssyncset.done $0x0  }
0xb0: {  	s16 =	sshrl.u32 s7, $0x3;
	s17 =	rddreg [dreg:$0x6];
	[sflag:s24] =	ssyncadd.s32 $0xFFFFF800  }
0xb1: {  	[hbm:s17], [sflag:s12] =	dma.local [spmem:s16], $0x800  }
0xb2: {  	_ =	swait.ge [sflag:s24], $0x800  }
0xb3: {  	[sflag:s24] =	ssyncset.done $0x0  }
0xb4: {  	s16 =	sshrl.u32 s9, $0x3;
	s17 =	rddreg [dreg:$0x7];
	[sflag:s24] =	ssyncadd.s32 $0xFFFFF800  }
0xb5: {  	[hbm:s17], [sflag:s12] =	dma.local [spmem:s16], $0x800  }
0xb6: {  	_ =	swait.ge [sflag:s24], $0x800  }
0xb7: {  	[sflag:s24] =	ssyncset.done $0x0  }
0xb8: {  	s15 =	sshrl.u32 s10, $0x3;
	s16 =	rddreg [dreg:$0x8];
	[sflag:s24] =	ssyncadd.s32 $0xFFFFF800  }
0xb9: {  	[hbm:s16], [sflag:s12] =	dma.local [spmem:s15], $0x800  }
0xba: {  	s2 =	sadd.s32 $0x1, s2;
	_ =	swait.ge [sflag:s24], $0x800  }
0xbb: {  	p0 =	sne.s32 s2, s19;
	[sflag:s24] =	ssyncset.done $0x0  }
.Ltmp2:
0xbc: {  	s17 =	sshrl.u32 s11, $0x3;
	[sflag:s24] =	ssyncadd.s32 $0xFFFFF800;
	(pc) =	sbr.rel @p0 .LBB2_1-.Ltmp2, $4  }
0xbd: {  	[hbm:s18], [sflag:s12] =	dma.local [spmem:s17], $0x800  }
0xbe: {  	_ =	swait.ge [sflag:s24], $0x800  }
0xbf: {  	[sflag:s24] =	ssyncset.done $0x0  }
0xc0: {  	[sflag:s24] =	ssyncadd.s32 $0xFFFFF800  }
0xc1: {  	_ =	sfence.sel $0x180000  }
0xc2: {  	[bflag:$0x0] =	sbarrier.arrive $0xFFFF  }
0xc3: {  	_ =	strace $0x90000047  }
0xc4: {  	s0 =	stileid.u32;
	[bflag:$0x2] =	sbarrier.arrive $0xFFFF  }
0xc5: {  	p0 =	sne.s32 s0, $0x0;
	s0 =	rddreg [dreg:$0x3]  }
0xc6: {  	s0 =	sadd.s32 @!p0 $0x100000, s0  }
0xc7: {  	[sflag:s0] =	ssyncadd.tile.s32 @!p0 $0x1;
	_ =	shalt  }
.Lfunc_end2:
_tile_overlayer_lowered:
.L_overlay_start_2:
0xc8: {  	(tag) =	ssettag $0x2  }
0xc9: {  	s0 =	rddreg [dreg:$0x0];
	s2 =	stileid.u32  }
0xca: {  	s1 =	rddreg [dreg:$0x1];
	p0 =	sne.s32 s2, $0x0  }
0xcb: {  	s3 =	rddreg [dreg:$0x2];
	[bflag:$0x3] =	sbarrier.arrive $0xFFFF;
	s2 =	simm.s32 @!p0 $0x1C05  }
0xcc: {  	[timem:s3], [sflag:s2] =	dma.local @!p0 [hbm:s0], s1  }
0xcd: {  	s0 =	simm.s32 @!p0 $0x5  }
0xce: {  	_ =	swait.ge @!p0 [sflag:s0], s1  }
0xcf: {  	s1 =	ssub.s32 @!p0 $0x0, s1;
	[sflag:s0] =	ssyncset.done @!p0 $0x0  }
0xd0: {  	[sflag:s0] =	ssyncadd.s32 @!p0 s1  }
0xd1: {  	[bflag:$0x3] =	sbarrier.arrive $0xFFFF  }
0xd2: {  	_ =	shalt  }

// kernel: kernel.13.cloned.1.call-start
scs
__scs_entry_jumppad:
0x0: {  	(pc) =	sbr.rel $0x88, $3  }
0x1: {  	(tag) =	ssettag $0x0;
	lr =	simm.s32 $0x1  }
0x2: {  	[smem:$0x3F99] =	sst lr;
	_ =	strace $0xD0000000  }
0x3: {  	_ = 	snop  }
0x4: {  	_ = 	snop  }
0x5: {  	_ = 	snop  }
0x6: {  	_ = 	snop  }
0x7: {  	_ = 	snop  }
__scs_overlays_trampoline_lowered:
0x8: {  	[smem:$0x3FA8] =	sst s0  }
0x9: {  	[smem:$0x3FA9] =	sst s1  }
0xa: {  	[smem:$0x3FAA] =	sst s2  }
0xb: {  	[smem:$0x3FAB] =	sst s3  }
0xc: {  	[smem:$0x3FAC] =	sst s4  }
0xd: {  	[smem:$0x3FAD] =	sst s5  }
0xe: {  	[smem:$0x3FAE] =	sst s6  }
0xf: {  	[smem:$0x3FAF] =	sst s7  }
0x10: {  	[smem:$0x3FB0] =	sst s8  }
0x11: {  	[smem:$0x3FB1] =	sst s9;
	s0 =	simm.s32 @!p0 $0x0  }
0x12: {  	s1 =	sld [smem:$0x3F97];
	s0 =	simm.s32 @p0 $0x1  }
0x13: {  	[smem:$0x3FB2] =	sst s0;
	s0 =	simm.s32 @!p1 $0x0  }
0x14: {  	s2 =	sld [smem:$0x3F96];
	s0 =	simm.s32 @p1 $0x1  }
0x15: {  	[smem:$0x3FB3] =	sst s0;
	s0 =	simm.s32 @!p2 $0x0  }
0x16: {  	s3 =	sld [smem:$0x3FDB];
	s0 =	simm.s32 @p2 $0x1  }
0x17: {  	s4 =	simm.s32 $0x1BF5;
	[smem:$0x3FB5] =	sst s0  }
0x18: {  	s0 =	sld [smem:$0x3F98];
	_ =	swait.ge [sflag:s4], $0x0  }
0x19: {  	s7 =	sld [smem:$0x3F99]  }
0x1a: {  	s8 =	sadd.s32 $0xFFFFE003, lr  }
0x1b: {  	s9 =	sadd.s32 $0xFFFFFEF7, lr;
	s5 =	simm.s32 $0xFFFFFFFF;
	p2 =	slt.u32 s8, $0xFFFFF086  }
0x1c: {  	p1 =	slt.u32 s9, $0xF7A;
	s5 =	simm.s32 @!p2 $0x0  }
0x1d: {  	s5 =	simm.s32 @p1 $0x1;
	p0 =	seq.s32 s7, s2  }
0x1e: {  	s7 =	smul.u32 @!p0 $0xF7A, s2;
	p2 =	seq.s32 @!p0 s5, $0x0  }
0x1f: {  	s9 =	smul.u32 $0xF7A, s1;
	s8 =	simm.s32 @!p0 $0x1BF5;
	p2 =	por !p2, p0  }
0x20: {  	[sflag:s8] =	ssyncset.s32 @!p0 $0xFFFFF086;
	s6 =	sadd.s32 @!p0 s3, s7;
	s7 =	simm.s32 @!p0 $0x108  }
0x21: {  	s3 =	sadd.s32 s3, s9;
	s6 =	sadd.s32 @!p0 $0x88, s6;
	s7 =	simm.s32 @p2 $0x1082  }
0x22: {  	[simem:s7], [sflag:s8] =	dma.local @!p0 [hbm:s6], $0xF7A  }
0x23: {  	s9 =	sor.u32 $0xD0000000, s2;
	s6 =	simm.s32 $0x108;
	_ =	swait.ge @!p0 [sflag:s8], $0x0  }
0x24: {  	s3 =	sadd.s32 $0x88, s3;
	s6 =	simm.s32 @!p1 $0x1082;
	[sflag:s4] =	ssyncset.s32 $0xFFFFF086  }
0x25: {  	[simem:s6], [sflag:s4] =	dma.local [hbm:s3], $0xF7A  }
0x26: {  	[smem:$0x3F99] =	sst s1;
	(tag) =	ssettag s2;
	_ =	strace s9  }
0x27: {  	s1 =	sld [smem:$0x3FA9]  }
0x28: {  	s2 =	sld [smem:$0x3FAA]  }
0x29: {  	s4 =	sld [smem:$0x3FAC]  }
0x2a: {  	p0 =	seq.s32 s5, $0x0;
	s5 =	sld [smem:$0x3FAD]  }
0x2b: {  	s6 =	sld [smem:$0x3FAE]  }
0x2c: {  	s7 =	sld [smem:$0x3FAF]  }
0x2d: {  	s3 =	simm.s32 $0x108;
	s8 =	sld [smem:$0x3FB0]  }
0x2e: {  	s3 =	simm.s32 @!p0 $0x1082;
	s9 =	sld [smem:$0x3FB1]  }
0x2f: {  	lr =	sadd.s32 s0, s3;
	s0 =	sld [smem:$0x3FA8]  }
0x30: {  	s3 =	sld [smem:$0x3FAB]  }
0x31: {  	[smem:$0x3FB4] =	sst s10  }
0x32: {  	s10 =	sld [smem:$0x3FB2];
	_ =	sdelay $0x3  }
0x33: {  	p0 =	seq.s32 s10, $0x1;
	s10 =	sld [smem:$0x3FB4];
	_ =	sdelay $0x3  }
0x34: {  	[smem:$0x3FB4] =	sst s10  }
0x35: {  	s10 =	sld [smem:$0x3FB3];
	_ =	sdelay $0x3  }
0x36: {  	p1 =	seq.s32 s10, $0x1;
	s10 =	sld [smem:$0x3FB4];
	_ =	sdelay $0x3  }
0x37: {  	[smem:$0x3FB4] =	sst s10  }
0x38: {  	s10 =	sld [smem:$0x3FB5]  }
0x39: {  	_ = 	snop;
	(pc) =	sbr.ind lr, $3  }
0x3a: {  	_ = 	snop  }
0x3b: {  	_ = 	snop  }
0x3c: {  	p2 =	seq.s32 s10, $0x1;
	s10 =	sld [smem:$0x3FB4]  }
0x3d: {  	_ =	shalt  }
0x3e: {  	_ =	shalt  }
0x3f: {  	_ =	shalt  }
0x40: {  	_ =	shalt  }
0x41: {  	_ =	shalt  }
0x42: {  	_ =	shalt  }
0x43: {  	_ =	shalt  }
0x44: {  	_ =	shalt  }
0x45: {  	_ =	shalt  }
0x46: {  	_ =	shalt  }
0x47: {  	_ =	shalt  }
0x48: {  	_ =	shalt  }
0x49: {  	_ =	shalt  }
0x4a: {  	_ =	shalt  }
0x4b: {  	_ =	shalt  }
0x4c: {  	_ =	shalt  }
0x4d: {  	_ =	shalt  }
0x4e: {  	_ =	shalt  }
0x4f: {  	_ =	shalt  }
0x50: {  	_ =	shalt  }
0x51: {  	_ =	shalt  }
0x52: {  	_ =	shalt  }
0x53: {  	_ =	shalt  }
0x54: {  	_ =	shalt  }
0x55: {  	_ =	shalt  }
0x56: {  	_ =	shalt  }
0x57: {  	_ =	shalt  }
0x58: {  	_ =	shalt  }
0x59: {  	_ =	shalt  }
0x5a: {  	_ =	shalt  }
0x5b: {  	_ =	shalt  }
0x5c: {  	_ =	shalt  }
0x5d: {  	_ =	shalt  }
0x5e: {  	_ =	shalt  }
0x5f: {  	_ =	shalt  }
0x60: {  	_ =	shalt  }
0x61: {  	_ =	shalt  }
0x62: {  	_ =	shalt  }
0x63: {  	_ =	shalt  }
0x64: {  	_ =	shalt  }
0x65: {  	_ =	shalt  }
0x66: {  	_ =	shalt  }
0x67: {  	_ =	shalt  }
0x68: {  	_ =	shalt  }
0x69: {  	_ =	shalt  }
0x6a: {  	_ =	shalt  }
0x6b: {  	_ =	shalt  }
0x6c: {  	_ =	shalt  }
0x6d: {  	_ =	shalt  }
0x6e: {  	_ =	shalt  }
0x6f: {  	_ =	shalt  }
0x70: {  	_ =	shalt  }
0x71: {  	_ =	shalt  }
0x72: {  	_ =	shalt  }
0x73: {  	_ =	shalt  }
0x74: {  	_ =	shalt  }
0x75: {  	_ =	shalt  }
0x76: {  	_ =	shalt  }
0x77: {  	_ =	shalt  }
0x78: {  	_ =	shalt  }
0x79: {  	_ =	shalt  }
0x7a: {  	_ =	shalt  }
0x7b: {  	_ =	shalt  }
0x7c: {  	_ =	shalt  }
0x7d: {  	_ =	shalt  }
0x7e: {  	_ =	shalt  }
0x7f: {  	_ =	shalt  }
0x80: {  	_ =	shalt  }
0x81: {  	_ =	shalt  }
0x82: {  	_ =	shalt  }
0x83: {  	_ =	shalt  }
0x84: {  	_ =	shalt  }
0x85: {  	_ =	shalt  }
0x86: {  	_ =	shalt  }
0x87: {  	_ =	shalt  }
.Lfunc_end0:
.L_simem_size_0:
called_computation.2_lowered:
.L_overlay_start_0:
0x88: {  	s2 =	sld [smem:$0x3FD9]  }
0x89: {  	s3 =	sld [smem:$0x3FFE];
	_ =	sdelay $0x1  }
0x8a: {  	s1 =	srdreg.scid  }
0x8b: {  	s0 =	sand.u32 $0x1, s1  }
0x8c: {  	s17 =	sshll.u32 s0, $0xA;
	s2 =	sadd.s32 s3, s2  }
0x8d: {  	s2 =	sadd.s32 s2, s17  }
0x8e: {  	[smem:$0x3FC0] =	sst s2  }
0x8f: {  	_ = 	snop  }
0x90: {  	s2 =	sld [smem:$0x3FD0];
	(tm) =	ssettm $0x1  }
0x91: {  	s18 =	sld [smem:$0x3FFB];
	_ =	sdelay $0x3  }
0x92: {  	_ =	strace s18  }
0x93: {  	s3 =	sld [smem:$0x3FFC];
	_ =	sdelay $0x3  }
0x94: {  	_ =	strace s3  }
0x95: {  	s3 =	sld [smem:$0x3FFD];
	_ =	sdelay $0x3  }
0x96: {  	_ =	strace s3  }
0x97: {  	_ =	strace $0x8FFFFFFF  }
0x98: {  	s19 =	sld [smem:$0x3FDB];
	_ =	sdelay $0x1  }
0x99: {  	s4 =	simm.s32 $_scs_section_size  }
0x9a: {  	s5 =	simm.s32 $_size__tile_overlayer_lowered;
	s6 =	simm.s32 $_tile_overlayer_lowered  }
0x9b: {  	s22 =	simm.s32 $0x1BFF;
	s21 =	sshll.u32 s6, $0x1;
	s3 =	sadd.s32 s4, s19  }
0x9c: {  	s7 =	simm.s32 $0x0;
	s20 =	sshll.u32 s5, $0x1;
	s5 =	sadd.s32 s21, s3  }
0x9d: {  	[timem:s7], [sflag:s22] =	dma.local [hbm:s5], s20  }
0x9e: {  	_ =	swait.ge [sflag:s22], s20  }
0x9f: {  	s4 =	ssub.s32 $0x0, s20;
	[sflag:s22] =	ssyncset.done $0x0  }
0xa0: {  	[sflag:s22] =	ssyncadd.s32 s4;
	_ =	sdelay $0x1  }
0xa1: {  	s23 =	simm.s32 $0x1B8B  }
0xa2: {  	_ =	swait.ge [sflag:s23], $0x1  }
0xa3: {  	[sflag:s23] =	ssyncset.done $0x0  }
0xa4: {  	s25 =	simm.s32 $0x1B8E;
	s24 =	sld [smem:$0x3FFE];
	[sflag:s23] =	ssyncadd.s32 $0xFFFFFFFF  }
0xa5: {  	s26 =	simm.s32 $execute0_lowered;
	[smem:$0x3FD2] =	sst s25  }
0xa6: {  	s5 =	sshll.u32 s26, $0x1;
	_ =	strace $0x8000004C;
	[dreg:$0x1] =	wrdreg $0xFFFFFFFF  }
0xa7: {  	s28 =	simm.s32 $_size_execute0_lowered;
	s3 =	sadd.s32 s3, s5;
	[dreg:$0x0] =	wrdreg $0x0  }
0xa8: {  	s5 =	sshll.u32 s28, $0x1;
	[dreg:$0x2] =	wrdreg s3  }
0xa9: {  	[dreg:$0x3] =	wrdreg s5  }
0xaa: {  	[dreg:$0x4] =	wrdreg $0xC0  }
0xab: {  	_ =	task [dreg:s7], $0x5FFFF  }
0xac: {  	[dreg:$0x1] =	wrdreg $0xFFFFFFFF  }
0xad: {  	[dreg:$0x0] =	wrdreg $0x60  }
0xae: {  	[dreg:$0x2] =	wrdreg s24  }
0xaf: {  	[dreg:$0x3] =	wrdreg s2  }
0xb0: {  	[dreg:$0x4] =	wrdreg $0xA9000  }
0xb1: {  	[dreg:$0x5] =	wrdreg $0x9  }
0xb2: {  	_ =	task.clear_ibuf [dreg:s7], $0x6FFFF;
	_ =	strace $0x9000004C  }
0xb3: {  	s29 =	simm.s32 $0x9;
	_ =	strace $0x8000004E  }
0xb4: {  	_ =	swait.ge [sflag:s29], $0x1  }
0xb5: {  	[sflag:s29] =	ssyncadd.s32 $0xFFFFFFFF  }
0xb6: {  	_ =	strace $0x9000004E  }
0xb7: {  	_ =	sfence  }
0xb8: {  	s30 =	sld [smem:$0x0];
	_ =	sdelay $0x2  }
0xb9: {  	s31 =	sshll.u32 s1, $0xD;
	s1 =	sshrl.u32 s1, $0x2  }
0xba: {  	s3 =	sand.u32 $0x4000, s31;
	s1 =	sadd.s32 s1, s30  }
0xbb: {  	s0 =	sor.u32 s3, s0;
	s1 =	sshll.u32 s1, $0x11  }
0xbc: {  	s0 =	sor.u32 s1, s0  }
0xbd: {  	s0 =	sadd.s32 $0x8F2B, s0  }
0xbe: {  	[sflag:s0] =	ssyncadd.remote.s32 $0x1  }
0xbf: {  	_ =	sfence.sel $0xFFFF  }
0xc0: {  	[dreg:$0x0] =	wrdreg $0xFFFFFFFF;
	(pc) =	sbr.abs _section_cstart, $3  }
0xc1: {  	[dreg:$0x1] =	wrdreg $0xFFFFFFFF  }
0xc2: {  	_ =	task.clear_ibuf [dreg:s7], $0x2FFFF;
	_ =	strace $0x9FFFFFFF  }
0xc3: {  	(tm) =	ssettm $0x7FFFFFFF  }
tec
execute0_lowered:
.L_overlay_start_1:
0x0: {  	(tag) =	ssettag $0x1  }
0x1: {  	s0 =	rddreg [dreg:$0x0]  }
0x2: {  	s2 =	rddreg [dreg:$0x1]  }
0x3: {  	s1 =	rddreg [dreg:$0x2];
	s3 =	simm.s32 $0x0;
	s4 =	srdreg.scid  }
0x4: {  	s10 =	stileid.u32;
	s28 =	simm.s32 $0x80;
	s29 =	simm.s32 $0x2  }
0x5: {  	s30 =	simm.s32 $0x6900;
	s31 =	simm.s32 $0x3;
	[smem:$0x7FF] =	sst s3  }
0x6: {  	s9 =	sand.u32 $0x1, s4;
	s4 =	sadd.s32 $0xB800, s0;
	s7 =	smul.u32 $0x50000, s10  }
0x7: {  	s5 =	sadd.s32 $0x1800, s0;
	s12 =	smul.u32 $0x14000, s10;
	s0 =	sadd.s32 $0x33800, s0  }
0x8: {  	s17 =	sshll.u32 s10, $0x1;
	_ =	strace $0x8000004D;
	s6 =	ssub.s32 $0x2, s9  }
0x9: {  	s18 =	sor.u32 s9, s17;
	s8 =	sshrl.u32 s6, $0x1;
	s19 =	sshrl.u32 s7, $0x2  }
0xa: {  	s13 =	sadd.s32 $0x4000, s12;
	s16 =	sadd.s32 $0x8000, s12;
	s17 =	sadd.s32 $0xC000, s12  }
0xb: {  	s14 =	ssub.s32 s6, s8;
	s6 =	sadd.s32 s19, s1;
	s8 =	smul.u32 $0x2800, s18  }
0xc: {  	s7 =	sadd.s32 s13, s1;
	s18 =	smul.u32 $0x140000, s9;
	s19 =	sadd.s32 $0x10000, s12  }
0xd: {  	s9 =	sadd.s32 s16, s1;
	s10 =	sadd.s32 s17, s1;
	s11 =	sadd.s32 s19, s1  }
0xe: {  	s15 =	sshrl.u32 s8, $0x3;
	s12 =	sadd.s32 s12, s18;
	s21 =	sadd.s32 s18, s13  }
0xf: {  	s23 =	sadd.s32 s18, s16;
	s24 =	sadd.s32 s18, s17;
	s18 =	sadd.s32 s18, s19  }
0x10: {  	s19 =	smax.u32 s14, $0x1;
	s2 =	sadd.s32 s2, s15;
	s20 =	sshrl.u32 s12, $0x3  }
0x11: {  	s13 =	sadd.s32 s5, s15;
	s22 =	sshrl.u32 s21, $0x3;
	s12 =	sshrl.u32 s24, $0x3  }
0x12: {  	s26 =	sshrl.u32 s18, $0x3;
	s24 =	simm.s32 $0x5;
	[dreg:$0x4] =	wrdreg s2  }
0x13: {  	s2 =	sadd.s32 s0, s20;
	s25 =	sadd.s32 s0, s12;
	s18 =	sadd.s32 s0, s26  }
0x14: {  	s20 =	sadd.s32 $0x10, s13;
	s21 =	sadd.s32 $0x20, s13;
	[dreg:$0x5] =	wrdreg s2  }
0x15: {  	s26 =	simm.s32 $0x1;
	s2 =	sadd.s32 s0, s22;
	[dreg:$0x8] =	wrdreg s25  }
0x16: {  	s22 =	sadd.s32 $0x4F0, s13;
	[dreg:$0x6] =	wrdreg s2;
	s2 =	sshrl.u32 s23, $0x3  }
0x17: {  	s25 =	simm.s32 $0x100;
	s23 =	simm.s32 $0x2900;
	s2 =	sadd.s32 s0, s2  }
0x18: {  	v0 =	vimm.f32 $0.0e+00;
	s0 =	simm.s32 $0x4;
	[dreg:$0x7] =	wrdreg s2;
	s2 =	simm.s32 $0x0  }
.LBB2_1:
0x19: {  	s12 =	simm.s32 $0x0;
	s14 =	simm.s32 $0x200  }
.LBB2_2:
0x1a: {  	p0 =	sne.s32 s14, $0xFE00;
	[tilespmem:s12+$0x2970] =	vst v0  }
0x1b: {  	[tilespmem:s12+$0x2900] =	vst v0  }
0x1c: {  	[tilespmem:s12+$0x2910] =	vst v0  }
.Ltmp0:
0x1d: {  	[tilespmem:s12+$0x2920] =	vst v0;
	(pc) =	sbr.rel @p0 .LBB2_2-.Ltmp0, $4  }
0x1e: {  	[tilespmem:s12+$0x2930] =	vst v0  }
0x1f: {  	[tilespmem:s12+$0x2940] =	vst v0  }
0x20: {  	[tilespmem:s12+$0x2950] =	vst v0  }
0x21: {  	[tilespmem:s12+$0x2960] =	vst v0;
	s12 =	sshra.s32 s14, $0x2;
	s14 =	sadd.s32 $0x200, s14  }
0x22: {  	[tilespmem:s12+$0x2970] =	vst v0  }
0x23: {  	[tilespmem:s12+$0x2900] =	vst v0  }
0x24: {  	[tilespmem:s12+$0x2910] =	vst v0  }
0x25: {  	[tilespmem:s12+$0x2920] =	vst v0  }
0x26: {  	[tilespmem:s12+$0x2930] =	vst v0  }
0x27: {  	[tilespmem:s12+$0x2940] =	vst v0  }
0x28: {  	[tilespmem:s12+$0x2950] =	vst v0  }
0x29: {  	[tilespmem:s12+$0x2960] =	vst v0  }
0x2a: {  	[spmem:s6] =	stream.linear.scatter [tilespmem:s23], [sflag:$0x5], $0x4000, $0x38;
	[tilespmem:$0x1E900] =	vst v63  }
0x2b: {  	_ =	swait.ge [sflag:s24], $0x4000  }
0x2c: {  	[sflag:s24] =	ssyncset.done $0x0  }
0x2d: {  	[sflag:s24] =	ssyncadd.s32 $0xFFFFC000  }
0x2e: {  	[spmem:s7] =	stream.linear.scatter [tilespmem:s23], [sflag:$0x5], $0x4000, $0x38;
	[tilespmem:$0x1E900] =	vst v63  }
0x2f: {  	_ =	swait.ge [sflag:s24], $0x4000  }
0x30: {  	[sflag:s24] =	ssyncset.done $0x0  }
0x31: {  	[sflag:s24] =	ssyncadd.s32 $0xFFFFC000  }
0x32: {  	[spmem:s9] =	stream.linear.scatter [tilespmem:s23], [sflag:$0x5], $0x4000, $0x38;
	[tilespmem:$0x1E900] =	vst v63  }
0x33: {  	_ =	swait.ge [sflag:s24], $0x4000  }
0x34: {  	[sflag:s24] =	ssyncset.done $0x0  }
0x35: {  	[sflag:s24] =	ssyncadd.s32 $0xFFFFC000  }
0x36: {  	[spmem:s10] =	stream.linear.scatter [tilespmem:s23], [sflag:$0x5], $0x4000, $0x38;
	[tilespmem:$0x1E900] =	vst v63  }
0x37: {  	_ =	swait.ge [sflag:s24], $0x4000  }
0x38: {  	[sflag:s24] =	ssyncset.done $0x0  }
0x39: {  	[sflag:s24] =	ssyncadd.s32 $0xFFFFC000  }
0x3a: {  	[spmem:s11] =	stream.linear.scatter [tilespmem:s23], [sflag:$0x5], $0x4000, $0x38;
	[tilespmem:$0x1E900] =	vst v63  }
0x3b: {  	_ =	swait.ge [sflag:s24], $0x4000  }
0x3c: {  	[sflag:s24] =	ssyncset.done $0x0  }
0x3d: {  	s14 =	rddreg [dreg:$0x4];
	[sflag:s24] =	ssyncadd.s32 $0xFFFFC000  }
0x3e: {  	[tilespmem:s25], [sflag:$0x5] =	stream.linear.gather [hbm4b:s14+s3], $0x2800, $0x38;
	[tilespmem:$0x1E900] =	vst v63  }
0x3f: {  	_ =	swait.ge [sflag:s24], $0x2800  }
0x40: {  	[sflag:s24] =	ssyncset.done $0x0  }
0x41: {  	[sflag:s24] =	ssyncadd.s32 $0xFFFFD800  }
0x42: {  	[bflag:$0x0] =	sbarrier.arrive $0xFFFF  }
0x43: {  	[tilespmem:s3], [sflag:$0x1] =	stream.linear.gather [hbm4b:s13+s3], $0x80, $0x38;
	[tilespmem:$0x1E900] =	vst v63  }
0x44: {  	_ =	swait.ge [sflag:s26], $0x80  }
0x45: {  	[sflag:s26] =	ssyncset.done $0x0  }
0x46: {  	[sflag:s26] =	ssyncadd.s32 $0xFFFFFF80  }
0x47: {  	[tilespmem:s23], [sflag:$0x3] =	stream.indirect.gather [hbm4b:s4+s28], $0x80, s3, s28, $0xb8;
	[tilespmem:$0x1E900] =	vst v63  }
0x48: {  	_ = 	snop  }
0x49: {  	[tilespmem:s28], [sflag:$0x2] =	stream.linear.gather [hbm4b:s20+s3], $0x80, $0x38;
	[tilespmem:$0x1E900] =	vst v63  }
0x4a: {  	_ =	swait.ge [sflag:s29], $0x80  }
0x4b: {  	[sflag:s29] =	ssyncset.done $0x0  }
0x4c: {  	[sflag:s29] =	ssyncadd.s32 $0xFFFFFF80  }
0x4d: {  	[tilespmem:s30], [sflag:$0x4] =	stream.indirect.gather [hbm4b:s4+s28], $0x80, s28, s28, $0xb8;
	[tilespmem:$0x1E900] =	vst v63  }
0x4e: {  	_ =	swait.ge [sflag:s31], $0x4000  }
0x4f: {  	[sflag:s31] =	ssyncset.done $0x0  }
0x50: {  	[sflag:s31] =	ssyncadd.s32 $0xFFFFC000  }
0x51: {  	[tilespmem:s3], [sflag:$0x1] =	stream.linear.gather [hbm4b:s21+s3], $0x80, $0x38;
	[tilespmem:$0x1E900] =	vst v63  }
0x52: {  	_ = 	snop  }
0x53: {  	[spmem:s1] =	stream.indirect.scatter.add.f32 [tilespmem:s23], [sflag:$0x5], $0x80, s25, s28, $0xb8;
	[tilespmem:$0x1E900] =	vst v63  }
0x54: {  	_ =	swait.ge [sflag:s24], $0x4000  }
0x55: {  	[sflag:s24] =	ssyncset.done $0x0  }
0x56: {  	s15 =	simm.s32 $0x100;
	[sflag:s24] =	ssyncadd.s32 $0xFFFFC000  }
0x57: {  	s14 =	sand.u32 $0x3C00, s15;
	_ =	swait.ge [sflag:s26], $0x80  }
0x58: {  	s12 =	sand.u32 $0x300, s15;
	s14 =	sadd.s32 s8, s14;
	[sflag:s26] =	ssyncset.done $0x0  }
0x59: {  	s12 =	sor.u32 s14, s12;
	[sflag:s26] =	ssyncadd.s32 $0xFFFFFF80  }
0x5a: {  	[tilespmem:s23], [sflag:$0x3] =	stream.indirect.gather [hbm4b:s4+s28], $0x80, s3, s28, $0xb8;
	[tilespmem:$0x1E900] =	vst v63  }
0x5b: {  	s12 =	sor.u32 $0x80, s12;
	_ =	swait.ge [sflag:s0], $0x4000  }
0x5c: {  	s12 =	sshrl.u32 s12, $0x3;
	[sflag:s0] =	ssyncset.done $0x0  }
0x5d: {  	s12 =	sadd.s32 s5, s12;
	[sflag:s0] =	ssyncadd.s32 $0xFFFFC000  }
0x5e: {  	[tilespmem:s28], [sflag:$0x2] =	stream.linear.gather [hbm4b:s12+s3], $0x80, $0x38;
	[tilespmem:$0x1E900] =	vst v63  }
0x5f: {  	s16 =	simm.s32 $0x180  }
0x60: {  	[spmem:s1] =	stream.indirect.scatter.add.f32 [tilespmem:s30], [sflag:$0x5], $0x80, s16, s28, $0xb8;
	[tilespmem:$0x1E900] =	vst v63  }
0x61: {  	_ =	swait.ge [sflag:s24], $0x4000  }
0x62: {  	[sflag:s24] =	ssyncset.done $0x0  }
0x63: {  	[sflag:s24] =	ssyncadd.s32 $0xFFFFC000  }
0x64: {  	s12 =	simm.s32 $0x200;
	_ =	swait.ge [sflag:s29], $0x80  }
0x65: {  	s17 =	sand.u32 $0x7C00, s12;
	[sflag:s29] =	ssyncset.done $0x0  }
0x66: {  	s15 =	sand.u32 $0x300, s12;
	s14 =	sadd.s32 s8, s17;
	[sflag:s29] =	ssyncadd.s32 $0xFFFFFF80  }
0x67: {  	[tilespmem:s30], [sflag:$0x4] =	stream.indirect.gather [hbm4b:s4+s28], $0x80, s28, s28, $0xb8;
	[tilespmem:$0x1E900] =	vst v63  }
0x68: {  	s14 =	sor.u32 s15, s14;
	_ =	swait.ge [sflag:s31], $0x4000  }
0x69: {  	s14 =	sshrl.u32 s14, $0x3;
	[sflag:s31] =	ssyncset.done $0x0  }
0x6a: {  	s14 =	sadd.s32 s5, s14;
	[sflag:s31] =	ssyncadd.s32 $0xFFFFC000  }
0x6b: {  	[tilespmem:s3], [sflag:$0x1] =	stream.linear.gather [hbm4b:s14+s3], $0x80, $0x38;
	[tilespmem:$0x1E900] =	vst v63  }
0x6c: {  	_ = 	snop  }
0x6d: {  	[spmem:s1] =	stream.indirect.scatter.add.f32 [tilespmem:s23], [sflag:$0x5], $0x80, s12, s28, $0xb8;
	[tilespmem:$0x1E900] =	vst v63  }
0x6e: {  	s14 =	simm.s32 $0x300;
	_ =	swait.ge [sflag:s24], $0x4000  }
.LBB2_4:
0x6f: {  	p0 =	sne.s32 s14, $0x2700  }
0x70: {  	[sflag:s24] =	ssyncset.done $0x0;
	s12 =	sadd.s32 $0x100, s12;
	s15 =	smov.u32 s14  }
0x71: {  	s14 =	sadd.s32 $0x100, s14;
	s16 =	sadd.s32 $0xFFFFFF00, s15;
	[sflag:s24] =	ssyncadd.s32 $0xFFFFC000  }
0x72: {  	_ =	swait.ge [sflag:s26], $0x80;
	s17 =	sand.u32 $0x3C00, s16  }
0x73: {  	s16 =	sand.u32 $0x300, s16;
	[sflag:s26] =	ssyncset.done $0x0;
	s17 =	sadd.s32 s8, s17  }
0x74: {  	[sflag:s26] =	ssyncadd.s32 $0xFFFFFF80;
	s16 =	sor.u32 s17, s16  }
0x75: {  	[tilespmem:s23], [sflag:$0x3] =	stream.indirect.gather [hbm4b:s4+s28], $0x80, s3, s28, $0xb8;
	[tilespmem:$0x1E900] =	vst v63  }
0x76: {  	s16 =	sor.u32 $0x80, s16;
	_ =	swait.ge [sflag:s0], $0x4000  }
0x77: {  	s16 =	sshrl.u32 s16, $0x3;
	[sflag:s0] =	ssyncset.done $0x0  }
0x78: {  	s17 =	sadd.s32 $0xFFFFFF80, s12;
	s16 =	sadd.s32 s5, s16;
	[sflag:s0] =	ssyncadd.s32 $0xFFFFC000  }
0x79: {  	[tilespmem:s28], [sflag:$0x2] =	stream.linear.gather [hbm4b:s16+s3], $0x80, $0x38;
	[tilespmem:$0x1E900] =	vst v63  }
0x7a: {  	_ = 	snop  }
0x7b: {  	[spmem:s1] =	stream.indirect.scatter.add.f32 [tilespmem:s30], [sflag:$0x5], $0x80, s17, s28, $0xb8;
	[tilespmem:$0x1E900] =	vst v63  }
0x7c: {  	_ =	swait.ge [sflag:s24], $0x4000  }
0x7d: {  	[sflag:s24] =	ssyncset.done $0x0  }
0x7e: {  	[sflag:s24] =	ssyncadd.s32 $0xFFFFC000  }
0x7f: {  	_ =	swait.ge [sflag:s29], $0x80  }
0x80: {  	s16 =	sand.u32 $0x7C00, s15;
	[sflag:s29] =	ssyncset.done $0x0  }
0x81: {  	s15 =	sand.u32 $0x300, s15;
	s16 =	sadd.s32 s8, s16;
	[sflag:s29] =	ssyncadd.s32 $0xFFFFFF80  }
0x82: {  	[tilespmem:s30], [sflag:$0x4] =	stream.indirect.gather [hbm4b:s4+s28], $0x80, s28, s28, $0xb8;
	[tilespmem:$0x1E900] =	vst v63  }
0x83: {  	s15 =	sor.u32 s15, s16;
	_ =	swait.ge [sflag:s31], $0x4000  }
0x84: {  	s15 =	sshrl.u32 s15, $0x3;
	[sflag:s31] =	ssyncset.done $0x0  }
.Ltmp1:
0x85: {  	s15 =	sadd.s32 s5, s15;
	[sflag:s31] =	ssyncadd.s32 $0xFFFFC000;
	(pc) =	sbr.rel @p0 .LBB2_4-.Ltmp1, $4  }
0x86: {  	[tilespmem:s3], [sflag:$0x1] =	stream.linear.gather [hbm4b:s15+s3], $0x80, $0x38;
	[tilespmem:$0x1E900] =	vst v63  }
0x87: {  	_ = 	snop  }
0x88: {  	[spmem:s1] =	stream.indirect.scatter.add.f32 [tilespmem:s23], [sflag:$0x5], $0x80, s12, s28, $0xb8;
	[tilespmem:$0x1E900] =	vst v63  }
0x89: {  	_ =	swait.ge [sflag:s24], $0x4000  }
0x8a: {  	[sflag:s24] =	ssyncset.done $0x0  }
0x8b: {  	[sflag:s24] =	ssyncadd.s32 $0xFFFFC000  }
0x8c: {  	_ =	swait.ge [sflag:s26], $0x80  }
0x8d: {  	[sflag:s26] =	ssyncset.done $0x0  }
0x8e: {  	[sflag:s26] =	ssyncadd.s32 $0xFFFFFF80  }
0x8f: {  	[tilespmem:s23], [sflag:$0x3] =	stream.indirect.gather [hbm4b:s4+s28], $0x80, s3, s28, $0xb8;
	[tilespmem:$0x1E900] =	vst v63  }
0x90: {  	_ =	swait.ge [sflag:s0], $0x4000  }
0x91: {  	[sflag:s0] =	ssyncset.done $0x0  }
0x92: {  	[sflag:s0] =	ssyncadd.s32 $0xFFFFC000  }
0x93: {  	[tilespmem:s28], [sflag:$0x2] =	stream.linear.gather [hbm4b:s22+s3], $0x80, $0x38;
	[tilespmem:$0x1E900] =	vst v63  }
0x94: {  	s12 =	simm.s32 $0x2780  }
0x95: {  	[spmem:s1] =	stream.indirect.scatter.add.f32 [tilespmem:s30], [sflag:$0x5], $0x80, s12, s28, $0xb8;
	[tilespmem:$0x1E900] =	vst v63  }
0x96: {  	_ =	swait.ge [sflag:s24], $0x4000  }
0x97: {  	[sflag:s24] =	ssyncset.done $0x0  }
0x98: {  	[sflag:s24] =	ssyncadd.s32 $0xFFFFC000  }
0x99: {  	_ =	swait.ge [sflag:s29], $0x80  }
0x9a: {  	[sflag:s29] =	ssyncset.done $0x0  }
0x9b: {  	[sflag:s29] =	ssyncadd.s32 $0xFFFFFF80  }
0x9c: {  	[tilespmem:s30], [sflag:$0x4] =	stream.indirect.gather [hbm4b:s4+s28], $0x80, s28, s28, $0xb8;
	[tilespmem:$0x1E900] =	vst v63  }
0x9d: {  	_ =	swait.ge [sflag:s31], $0x4000  }
0x9e: {  	[sflag:s31] =	ssyncset.done $0x0  }
0x9f: {  	s17 =	simm.s32 $0x2800;
	[sflag:s31] =	ssyncadd.s32 $0xFFFFC000  }
0xa0: {  	[spmem:s1] =	stream.indirect.scatter.add.f32 [tilespmem:s23], [sflag:$0x5], $0x80, s17, s28, $0xb8;
	[tilespmem:$0x1E900] =	vst v63  }
0xa1: {  	_ =	swait.ge [sflag:s24], $0x4000  }
0xa2: {  	[sflag:s24] =	ssyncset.done $0x0  }
0xa3: {  	[sflag:s24] =	ssyncadd.s32 $0xFFFFC000  }
0xa4: {  	_ =	swait.ge [sflag:s0], $0x4000  }
0xa5: {  	[sflag:s0] =	ssyncset.done $0x0  }
0xa6: {  	s14 =	simm.s32 $0x2880;
	[sflag:s0] =	ssyncadd.s32 $0xFFFFC000  }
0xa7: {  	[spmem:s1] =	stream.indirect.scatter.add.f32 [tilespmem:s30], [sflag:$0x5], $0x80, s14, s28, $0xb8;
	[tilespmem:$0x1E900] =	vst v63  }
0xa8: {  	_ =	swait.ge [sflag:s24], $0x4000  }
0xa9: {  	[sflag:s24] =	ssyncset.done $0x0  }
0xaa: {  	s15 =	stileid.u32;
	[sflag:s24] =	ssyncadd.s32 $0xFFFFC000  }
0xab: {  	s12 =	sshll.u32 s15, $0x6;
	[bflag:$0x0] =	sbarrier.arrive $0xFFFF  }
0xac: {  	s12 =	sor.u32 $0x1C05, s12;
	s14 =	sshrl.u32 s6, $0x3;
	s15 =	rddreg [dreg:$0x5]  }
0xad: {  	[hbm:s15], [sflag:s12] =	dma.local [spmem:s14], $0x800  }
0xae: {  	_ =	swait.ge [sflag:s24], $0x800  }
0xaf: {  	[sflag:s24] =	ssyncset.done $0x0  }
0xb0: {  	s16 =	sshrl.u32 s7, $0x3;
	s17 =	rddreg [dreg:$0x6];
	[sflag:s24] =	ssyncadd.s32 $0xFFFFF800  }
0xb1: {  	[hbm:s17], [sflag:s12] =	dma.local [spmem:s16], $0x800  }
0xb2: {  	_ =	swait.ge [sflag:s24], $0x800  }
0xb3: {  	[sflag:s24] =	ssyncset.done $0x0  }
0xb4: {  	s16 =	sshrl.u32 s9, $0x3;
	s17 =	rddreg [dreg:$0x7];
	[sflag:s24] =	ssyncadd.s32 $0xFFFFF800  }
0xb5: {  	[hbm:s17], [sflag:s12] =	dma.local [spmem:s16], $0x800  }
0xb6: {  	_ =	swait.ge [sflag:s24], $0x800  }
0xb7: {  	[sflag:s24] =	ssyncset.done $0x0  }
0xb8: {  	s15 =	sshrl.u32 s10, $0x3;
	s16 =	rddreg [dreg:$0x8];
	[sflag:s24] =	ssyncadd.s32 $0xFFFFF800  }
0xb9: {  	[hbm:s16], [sflag:s12] =	dma.local [spmem:s15], $0x800  }
0xba: {  	s2 =	sadd.s32 $0x1, s2;
	_ =	swait.ge [sflag:s24], $0x800  }
0xbb: {  	p0 =	sne.s32 s2, s19;
	[sflag:s24] =	ssyncset.done $0x0  }
.Ltmp2:
0xbc: {  	s17 =	sshrl.u32 s11, $0x3;
	[sflag:s24] =	ssyncadd.s32 $0xFFFFF800;
	(pc) =	sbr.rel @p0 .LBB2_1-.Ltmp2, $4  }
0xbd: {  	[hbm:s18], [sflag:s12] =	dma.local [spmem:s17], $0x800  }
0xbe: {  	_ =	swait.ge [sflag:s24], $0x800  }
0xbf: {  	[sflag:s24] =	ssyncset.done $0x0  }
0xc0: {  	[sflag:s24] =	ssyncadd.s32 $0xFFFFF800  }
0xc1: {  	_ =	sfence.sel $0x180000  }
0xc2: {  	[bflag:$0x0] =	sbarrier.arrive $0xFFFF  }
0xc3: {  	_ =	strace $0x9000004D  }
0xc4: {  	s0 =	stileid.u32;
	[bflag:$0x2] =	sbarrier.arrive $0xFFFF  }
0xc5: {  	p0 =	sne.s32 s0, $0x0;
	s0 =	rddreg [dreg:$0x3]  }
0xc6: {  	s0 =	sadd.s32 @!p0 $0x100000, s0  }
0xc7: {  	[sflag:s0] =	ssyncadd.tile.s32 @!p0 $0x1;
	_ =	shalt  }
.Lfunc_end2:
_tile_overlayer_lowered:
.L_overlay_start_2:
0xc8: {  	(tag) =	ssettag $0x2  }
0xc9: {  	s0 =	rddreg [dreg:$0x0];
	s2 =	stileid.u32  }
0xca: {  	s1 =	rddreg [dreg:$0x1];
	p0 =	sne.s32 s2, $0x0  }
0xcb: {  	s3 =	rddreg [dreg:$0x2];
	[bflag:$0x3] =	sbarrier.arrive $0xFFFF;
	s2 =	simm.s32 @!p0 $0x1C05  }
0xcc: {  	[timem:s3], [sflag:s2] =	dma.local @!p0 [hbm:s0], s1  }
0xcd: {  	s0 =	simm.s32 @!p0 $0x5  }
0xce: {  	_ =	swait.ge @!p0 [sflag:s0], s1  }
0xcf: {  	s1 =	ssub.s32 @!p0 $0x0, s1;
	[sflag:s0] =	ssyncset.done @!p0 $0x0  }
0xd0: {  	[sflag:s0] =	ssyncadd.s32 @!p0 s1  }
0xd1: {  	[bflag:$0x3] =	sbarrier.arrive $0xFFFF  }
0xd2: {  	_ =	shalt  }

// kernel: kernel.7.cloned.1.call-start
scs
__scs_entry_jumppad:
0x0: {  	(pc) =	sbr.rel $0x88, $3  }
0x1: {  	(tag) =	ssettag $0x0;
	lr =	simm.s32 $0x1  }
0x2: {  	[smem:$0x3F99] =	sst lr;
	_ =	strace $0xD0000000  }
0x3: {  	_ = 	snop  }
0x4: {  	_ = 	snop  }
0x5: {  	_ = 	snop  }
0x6: {  	_ = 	snop  }
0x7: {  	_ = 	snop  }
__scs_overlays_trampoline_lowered:
0x8: {  	[smem:$0x3FA8] =	sst s0  }
0x9: {  	[smem:$0x3FA9] =	sst s1  }
0xa: {  	[smem:$0x3FAA] =	sst s2  }
0xb: {  	[smem:$0x3FAB] =	sst s3  }
0xc: {  	[smem:$0x3FAC] =	sst s4  }
0xd: {  	[smem:$0x3FAD] =	sst s5  }
0xe: {  	[smem:$0x3FAE] =	sst s6  }
0xf: {  	[smem:$0x3FAF] =	sst s7  }
0x10: {  	[smem:$0x3FB0] =	sst s8  }
0x11: {  	[smem:$0x3FB1] =	sst s9;
	s0 =	simm.s32 @!p0 $0x0  }
0x12: {  	s1 =	sld [smem:$0x3F97];
	s0 =	simm.s32 @p0 $0x1  }
0x13: {  	[smem:$0x3FB2] =	sst s0;
	s0 =	simm.s32 @!p1 $0x0  }
0x14: {  	s2 =	sld [smem:$0x3F96];
	s0 =	simm.s32 @p1 $0x1  }
0x15: {  	[smem:$0x3FB3] =	sst s0;
	s0 =	simm.s32 @!p2 $0x0  }
0x16: {  	s3 =	sld [smem:$0x3FDB];
	s0 =	simm.s32 @p2 $0x1  }
0x17: {  	s4 =	simm.s32 $0x1BF5;
	[smem:$0x3FB5] =	sst s0  }
0x18: {  	s0 =	sld [smem:$0x3F98];
	_ =	swait.ge [sflag:s4], $0x0  }
0x19: {  	s7 =	sld [smem:$0x3F99]  }
0x1a: {  	s8 =	sadd.s32 $0xFFFFE003, lr  }
0x1b: {  	s9 =	sadd.s32 $0xFFFFFEF7, lr;
	s5 =	simm.s32 $0xFFFFFFFF;
	p2 =	slt.u32 s8, $0xFFFFF086  }
0x1c: {  	p1 =	slt.u32 s9, $0xF7A;
	s5 =	simm.s32 @!p2 $0x0  }
0x1d: {  	s5 =	simm.s32 @p1 $0x1;
	p0 =	seq.s32 s7, s2  }
0x1e: {  	s7 =	smul.u32 @!p0 $0xF7A, s2;
	p2 =	seq.s32 @!p0 s5, $0x0  }
0x1f: {  	s9 =	smul.u32 $0xF7A, s1;
	s8 =	simm.s32 @!p0 $0x1BF5;
	p2 =	por !p2, p0  }
0x20: {  	[sflag:s8] =	ssyncset.s32 @!p0 $0xFFFFF086;
	s6 =	sadd.s32 @!p0 s3, s7;
	s7 =	simm.s32 @!p0 $0x108  }
0x21: {  	s3 =	sadd.s32 s3, s9;
	s6 =	sadd.s32 @!p0 $0x88, s6;
	s7 =	simm.s32 @p2 $0x1082  }
0x22: {  	[simem:s7], [sflag:s8] =	dma.local @!p0 [hbm:s6], $0xF7A  }
0x23: {  	s9 =	sor.u32 $0xD0000000, s2;
	s6 =	simm.s32 $0x108;
	_ =	swait.ge @!p0 [sflag:s8], $0x0  }
0x24: {  	s3 =	sadd.s32 $0x88, s3;
	s6 =	simm.s32 @!p1 $0x1082;
	[sflag:s4] =	ssyncset.s32 $0xFFFFF086  }
0x25: {  	[simem:s6], [sflag:s4] =	dma.local [hbm:s3], $0xF7A  }
0x26: {  	[smem:$0x3F99] =	sst s1;
	(tag) =	ssettag s2;
	_ =	strace s9  }
0x27: {  	s1 =	sld [smem:$0x3FA9]  }
0x28: {  	s2 =	sld [smem:$0x3FAA]  }
0x29: {  	s4 =	sld [smem:$0x3FAC]  }
0x2a: {  	p0 =	seq.s32 s5, $0x0;
	s5 =	sld [smem:$0x3FAD]  }
0x2b: {  	s6 =	sld [smem:$0x3FAE]  }
0x2c: {  	s7 =	sld [smem:$0x3FAF]  }
0x2d: {  	s3 =	simm.s32 $0x108;
	s8 =	sld [smem:$0x3FB0]  }
0x2e: {  	s3 =	simm.s32 @!p0 $0x1082;
	s9 =	sld [smem:$0x3FB1]  }
0x2f: {  	lr =	sadd.s32 s0, s3;
	s0 =	sld [smem:$0x3FA8]  }
0x30: {  	s3 =	sld [smem:$0x3FAB]  }
0x31: {  	[smem:$0x3FB4] =	sst s10  }
0x32: {  	s10 =	sld [smem:$0x3FB2];
	_ =	sdelay $0x3  }
0x33: {  	p0 =	seq.s32 s10, $0x1;
	s10 =	sld [smem:$0x3FB4];
	_ =	sdelay $0x3  }
0x34: {  	[smem:$0x3FB4] =	sst s10  }
0x35: {  	s10 =	sld [smem:$0x3FB3];
	_ =	sdelay $0x3  }
0x36: {  	p1 =	seq.s32 s10, $0x1;
	s10 =	sld [smem:$0x3FB4];
	_ =	sdelay $0x3  }
0x37: {  	[smem:$0x3FB4] =	sst s10  }
0x38: {  	s10 =	sld [smem:$0x3FB5]  }
0x39: {  	_ = 	snop;
	(pc) =	sbr.ind lr, $3  }
0x3a: {  	_ = 	snop  }
0x3b: {  	_ = 	snop  }
0x3c: {  	p2 =	seq.s32 s10, $0x1;
	s10 =	sld [smem:$0x3FB4]  }
0x3d: {  	_ =	shalt  }
0x3e: {  	_ =	shalt  }
0x3f: {  	_ =	shalt  }
0x40: {  	_ =	shalt  }
0x41: {  	_ =	shalt  }
0x42: {  	_ =	shalt  }
0x43: {  	_ =	shalt  }
0x44: {  	_ =	shalt  }
0x45: {  	_ =	shalt  }
0x46: {  	_ =	shalt  }
0x47: {  	_ =	shalt  }
0x48: {  	_ =	shalt  }
0x49: {  	_ =	shalt  }
0x4a: {  	_ =	shalt  }
0x4b: {  	_ =	shalt  }
0x4c: {  	_ =	shalt  }
0x4d: {  	_ =	shalt  }
0x4e: {  	_ =	shalt  }
0x4f: {  	_ =	shalt  }
0x50: {  	_ =	shalt  }
0x51: {  	_ =	shalt  }
0x52: {  	_ =	shalt  }
0x53: {  	_ =	shalt  }
0x54: {  	_ =	shalt  }
0x55: {  	_ =	shalt  }
0x56: {  	_ =	shalt  }
0x57: {  	_ =	shalt  }
0x58: {  	_ =	shalt  }
0x59: {  	_ =	shalt  }
0x5a: {  	_ =	shalt  }
0x5b: {  	_ =	shalt  }
0x5c: {  	_ =	shalt  }
0x5d: {  	_ =	shalt  }
0x5e: {  	_ =	shalt  }
0x5f: {  	_ =	shalt  }
0x60: {  	_ =	shalt  }
0x61: {  	_ =	shalt  }
0x62: {  	_ =	shalt  }
0x63: {  	_ =	shalt  }
0x64: {  	_ =	shalt  }
0x65: {  	_ =	shalt  }
0x66: {  	_ =	shalt  }
0x67: {  	_ =	shalt  }
0x68: {  	_ =	shalt  }
0x69: {  	_ =	shalt  }
0x6a: {  	_ =	shalt  }
0x6b: {  	_ =	shalt  }
0x6c: {  	_ =	shalt  }
0x6d: {  	_ =	shalt  }
0x6e: {  	_ =	shalt  }
0x6f: {  	_ =	shalt  }
0x70: {  	_ =	shalt  }
0x71: {  	_ =	shalt  }
0x72: {  	_ =	shalt  }
0x73: {  	_ =	shalt  }
0x74: {  	_ =	shalt  }
0x75: {  	_ =	shalt  }
0x76: {  	_ =	shalt  }
0x77: {  	_ =	shalt  }
0x78: {  	_ =	shalt  }
0x79: {  	_ =	shalt  }
0x7a: {  	_ =	shalt  }
0x7b: {  	_ =	shalt  }
0x7c: {  	_ =	shalt  }
0x7d: {  	_ =	shalt  }
0x7e: {  	_ =	shalt  }
0x7f: {  	_ =	shalt  }
0x80: {  	_ =	shalt  }
0x81: {  	_ =	shalt  }
0x82: {  	_ =	shalt  }
0x83: {  	_ =	shalt  }
0x84: {  	_ =	shalt  }
0x85: {  	_ =	shalt  }
0x86: {  	_ =	shalt  }
0x87: {  	_ =	shalt  }
.Lfunc_end0:
.L_simem_size_0:
called_computation_lowered:
.L_overlay_start_0:
0x88: {  	s2 =	sld [smem:$0x3FD9]  }
0x89: {  	s3 =	sld [smem:$0x3FFE];
	_ =	sdelay $0x1  }
0x8a: {  	s1 =	srdreg.scid  }
0x8b: {  	s0 =	sand.u32 $0x1, s1  }
0x8c: {  	s17 =	sshll.u32 s0, $0xA;
	s2 =	sadd.s32 s3, s2  }
0x8d: {  	s2 =	sadd.s32 s2, s17  }
0x8e: {  	[smem:$0x3FC0] =	sst s2  }
0x8f: {  	_ = 	snop  }
0x90: {  	s18 =	sld [smem:$0x3FD0];
	(tm) =	ssettm $0x1  }
0x91: {  	s19 =	sld [smem:$0x3FFB];
	_ =	sdelay $0x3  }
0x92: {  	_ =	strace s19  }
0x93: {  	s2 =	sld [smem:$0x3FFC];
	_ =	sdelay $0x3  }
0x94: {  	_ =	strace s2  }
0x95: {  	s2 =	sld [smem:$0x3FFD];
	_ =	sdelay $0x3  }
0x96: {  	_ =	strace s2  }
0x97: {  	_ =	strace $0x8FFFFFFF  }
0x98: {  	s20 =	sld [smem:$0x3FDB];
	_ =	sdelay $0x1  }
0x99: {  	s4 =	simm.s32 $_scs_section_size  }
0x9a: {  	s5 =	simm.s32 $_size__tile_overlayer_lowered;
	s6 =	simm.s32 $_tile_overlayer_lowered  }
0x9b: {  	s7 =	simm.s32 $0x1BFF;
	s21 =	sshll.u32 s6, $0x1;
	s4 =	sadd.s32 s4, s20  }
0x9c: {  	s22 =	simm.s32 $0x0;
	s5 =	sshll.u32 s5, $0x1;
	s6 =	sadd.s32 s21, s4  }
0x9d: {  	[timem:s22], [sflag:s7] =	dma.local [hbm:s6], s5  }
0x9e: {  	_ =	swait.ge [sflag:s7], s5  }
0x9f: {  	s5 =	ssub.s32 $0x0, s5;
	[sflag:s7] =	ssyncset.done $0x0  }
0xa0: {  	[sflag:s7] =	ssyncadd.s32 s5;
	_ =	sdelay $0x1  }
0xa1: {  	s23 =	simm.s32 $0x1B8B  }
0xa2: {  	_ =	swait.ge [sflag:s23], $0x1  }
0xa3: {  	[sflag:s23] =	ssyncset.done $0x0  }
0xa4: {  	[sflag:s23] =	ssyncadd.s32 $0xFFFFFFFF  }
0xa5: {  	s5 =	sld [smem:$0x0]  }
0xa6: {  	s6 =	sand.u32 $0xFFFFFFFE, s1  }
0xa7: {  	p0 =	sne.s32 s1, s6  }
0xa8: {  	s6 =	sshll.u32 @p0 s6, $0xE  }
0xa9: {  	s6 =	sadd.s32 @p0 $0x11B8D, s6;
	s7 =	sshll.u32 @p0 s5, $0x11  }
0xaa: {  	s6 =	sor.u32 @p0 s7, s6  }
0xab: {  	[sflag:s6] =	ssyncadd.remote.s32 @p0 $0x1;
	_ =	sdelay $0x1  }
0xac: {  	s6 =	simm.s32 @p0 $0x1B8D  }
0xad: {  	_ =	swait.eq @p0 [sflag:s6], $0x1  }
0xae: {  	[sflag:s6] =	ssyncadd.s32 @p0 $0xFFFFFFFF  }
0xaf: {  	s7 =	sshll.u32 @!p0 s1, $0xE  }
0xb0: {  	s7 =	sor.u32 @!p0 $0x4000, s7;
	s6 =	simm.s32 @!p0 $0x1B8D  }
0xb1: {  	s5 =	sshll.u32 @!p0 s5, $0x11;
	s7 =	sadd.s32 @!p0 $0x11B8D, s7;
	_ =	swait.eq @!p0 [sflag:s6], $0x1  }
0xb2: {  	s5 =	sor.u32 @!p0 s5, s7;
	[sflag:s6] =	ssyncadd.s32 @!p0 $0xFFFFFFFF  }
0xb3: {  	s25 =	simm.s32 $0x1B8E;
	s24 =	sld [smem:$0x3FFE];
	[sflag:s5] =	ssyncadd.remote.s32 @!p0 $0x1  }
0xb4: {  	s26 =	simm.s32 $execute0_lowered;
	[smem:$0x3FD2] =	sst s25  }
0xb5: {  	s6 =	sshll.u32 s26, $0x1;
	_ =	strace $0x80000049;
	[dreg:$0x1] =	wrdreg $0xFFFFFFFF  }
0xb6: {  	s28 =	simm.s32 $_size_execute0_lowered;
	s4 =	sadd.s32 s4, s6;
	[dreg:$0x0] =	wrdreg $0x0  }
0xb7: {  	s6 =	sshll.u32 s28, $0x1;
	[dreg:$0x2] =	wrdreg s4  }
0xb8: {  	[dreg:$0x3] =	wrdreg s6  }
0xb9: {  	[dreg:$0x4] =	wrdreg $0xC0  }
0xba: {  	_ =	task [dreg:s22], $0x5FFFF  }
0xbb: {  	[dreg:$0x1] =	wrdreg $0xFFFFFFFF  }
0xbc: {  	[dreg:$0x0] =	wrdreg $0x60  }
0xbd: {  	[dreg:$0x2] =	wrdreg s18  }
0xbe: {  	[dreg:$0x3] =	wrdreg s24  }
0xbf: {  	[dreg:$0x4] =	wrdreg $0x68000  }
0xc0: {  	[dreg:$0x5] =	wrdreg $0x9  }
0xc1: {  	_ =	task.clear_ibuf [dreg:s22], $0x6FFFF;
	_ =	strace $0x90000049  }
0xc2: {  	s29 =	simm.s32 $0x9;
	_ =	strace $0x8000004B  }
0xc3: {  	_ =	swait.ge [sflag:s29], $0x1  }
0xc4: {  	[sflag:s29] =	ssyncadd.s32 $0xFFFFFFFF  }
0xc5: {  	_ =	strace $0x9000004B  }
0xc6: {  	_ =	sfence  }
0xc7: {  	s30 =	sld [smem:$0x0];
	_ =	sdelay $0x2  }
0xc8: {  	s31 =	sshll.u32 s1, $0xD;
	s1 =	sshrl.u32 s1, $0x2  }
0xc9: {  	s4 =	sand.u32 $0x4000, s31;
	s1 =	sadd.s32 s1, s30  }
0xca: {  	s0 =	sor.u32 s4, s0;
	s1 =	sshll.u32 s1, $0x11  }
0xcb: {  	s0 =	sor.u32 s1, s0  }
0xcc: {  	s0 =	sadd.s32 $0x8F2B, s0  }
0xcd: {  	[sflag:s0] =	ssyncadd.remote.s32 $0x1  }
0xce: {  	_ =	sfence.sel $0xFFFF  }
0xcf: {  	[dreg:$0x0] =	wrdreg $0xFFFFFFFF;
	(pc) =	sbr.abs _section_cstart, $3  }
0xd0: {  	[dreg:$0x1] =	wrdreg $0xFFFFFFFF  }
0xd1: {  	_ =	task.clear_ibuf [dreg:s22], $0x2FFFF;
	_ =	strace $0x9FFFFFFF  }
0xd2: {  	(tm) =	ssettm $0x7FFFFFFF  }
0xd3: {  	_ =	shalt  }
tec
execute0_lowered:
.L_overlay_start_1:
0x0: {  	(tag) =	ssettag $0x1  }
0x1: {  	s9 =	rddreg [dreg:$0x0]  }
0x2: {  	s4 =	rddreg [dreg:$0x1]  }
0x3: {  	s2 =	rddreg [dreg:$0x2]  }
0x4: {  	s0 =	rddreg [dreg:$0x3];
	s1 =	stileid.u32  }
0x5: {  	s5 =	srdreg.scid;
	s3 =	simm.s32 $0x0;
	s6 =	smul.u32 $0x50000, s1  }
0x6: {  	s7 =	sand.u32 $0x1, s5;
	[smem:$0x7FF] =	sst s3;
	s10 =	smul.u32 $0x14000, s1  }
0x7: {  	s14 =	sadd.s32 $0x83800, s4;
	s29 =	sshll.u32 s1, $0x1;
	s5 =	ssub.s32 $0x2, s7  }
0x8: {  	_ =	strace $0x8000004A;
	s30 =	sor.u32 s7, s29;
	s16 =	smul.u32 $0x140000, s7  }
0x9: {  	s8 =	sshrl.u32 s5, $0x1;
	s31 =	sshrl.u32 s6, $0x2;
	s11 =	sadd.s32 $0x4000, s10  }
0xa: {  	s12 =	sadd.s32 $0x8000, s10;
	s13 =	sadd.s32 $0xC000, s10;
	s17 =	sadd.s32 $0x10000, s10  }
0xb: {  	s18 =	smul.u32 $0x500, s30;
	s15 =	ssub.s32 s5, s8;
	s4 =	sadd.s32 s31, s2  }
0xc: {  	s5 =	sadd.s32 s11, s2;
	s6 =	sadd.s32 s12, s2;
	s7 =	sadd.s32 s13, s2  }
0xd: {  	s8 =	sadd.s32 s17, s2;
	s10 =	sadd.s32 s10, s16;
	s11 =	sadd.s32 s16, s11  }
0xe: {  	s12 =	sadd.s32 s16, s12;
	s13 =	sadd.s32 s16, s13;
	s16 =	sadd.s32 s16, s17  }
0xf: {  	s17 =	simm.s32 $0x1;
	s9 =	sadd.s32 s9, s18;
	s10 =	sshrl.u32 s10, $0x3  }
0x10: {  	s11 =	sshrl.u32 s11, $0x3;
	s12 =	sshrl.u32 s12, $0x3;
	s13 =	sshrl.u32 s13, $0x3  }
0x11: {  	s16 =	sshrl.u32 s16, $0x3;
	s15 =	smax.u32 s15, $0x1;
	s18 =	simm.s32 $0x80  }
0x12: {  	s10 =	sadd.s32 s14, s10;
	s11 =	sadd.s32 s14, s11;
	s12 =	sadd.s32 s14, s12  }
0x13: {  	v0 =	vimm.f32 $0.0e+00;
	v1 =	vimm.f32 $1.000000000e+00;
	s13 =	sadd.s32 s14, s13;
	s14 =	sadd.s32 s14, s16;
	s16 =	simm.s32 $0x2800  }
.LBB2_1:
0x14: {  	s19 =	simm.s32 $0x0;
	s20 =	simm.s32 $0x200  }
.LBB2_2:
0x15: {  	p0 =	sne.s32 s20, $0xFE00;
	[tilespmem:s19+$0x2870] =	vst v0  }
0x16: {  	[tilespmem:s19+$0x2800] =	vst v0  }
0x17: {  	[tilespmem:s19+$0x2810] =	vst v0  }
.Ltmp0:
0x18: {  	[tilespmem:s19+$0x2820] =	vst v0;
	(pc) =	sbr.rel @p0 .LBB2_2-.Ltmp0, $4  }
0x19: {  	[tilespmem:s19+$0x2830] =	vst v0  }
0x1a: {  	[tilespmem:s19+$0x2840] =	vst v0  }
0x1b: {  	[tilespmem:s19+$0x2850] =	vst v0  }
0x1c: {  	[tilespmem:s19+$0x2860] =	vst v0;
	s19 =	sshra.s32 s20, $0x2;
	s20 =	sadd.s32 $0x200, s20  }
0x1d: {  	[tilespmem:s19+$0x2870] =	vst v0  }
0x1e: {  	[tilespmem:s19+$0x2800] =	vst v0  }
0x1f: {  	[tilespmem:s19+$0x2810] =	vst v0  }
0x20: {  	[tilespmem:s19+$0x2820] =	vst v0  }
0x21: {  	[tilespmem:s19+$0x2830] =	vst v0  }
0x22: {  	[tilespmem:s19+$0x2840] =	vst v0  }
0x23: {  	[tilespmem:s19+$0x2850] =	vst v0  }
0x24: {  	[tilespmem:s19+$0x2860] =	vst v0  }
0x25: {  	[spmem:s4] =	stream.linear.scatter [tilespmem:s16], [sflag:$0x1], $0x4000, $0x38;
	[tilespmem:$0x1A800] =	vst v63  }
0x26: {  	_ =	swait.ge [sflag:s17], $0x4000  }
0x27: {  	[sflag:s17] =	ssyncset.done $0x0  }
0x28: {  	[sflag:s17] =	ssyncadd.s32 $0xFFFFC000  }
0x29: {  	[spmem:s5] =	stream.linear.scatter [tilespmem:s16], [sflag:$0x1], $0x4000, $0x38;
	[tilespmem:$0x1A800] =	vst v63  }
0x2a: {  	_ =	swait.ge [sflag:s17], $0x4000  }
0x2b: {  	[sflag:s17] =	ssyncset.done $0x0  }
0x2c: {  	[sflag:s17] =	ssyncadd.s32 $0xFFFFC000  }
0x2d: {  	[spmem:s6] =	stream.linear.scatter [tilespmem:s16], [sflag:$0x1], $0x4000, $0x38;
	[tilespmem:$0x1A800] =	vst v63  }
0x2e: {  	_ =	swait.ge [sflag:s17], $0x4000  }
0x2f: {  	[sflag:s17] =	ssyncset.done $0x0  }
0x30: {  	[sflag:s17] =	ssyncadd.s32 $0xFFFFC000  }
0x31: {  	[spmem:s7] =	stream.linear.scatter [tilespmem:s16], [sflag:$0x1], $0x4000, $0x38;
	[tilespmem:$0x1A800] =	vst v63  }
0x32: {  	_ =	swait.ge [sflag:s17], $0x4000  }
0x33: {  	[sflag:s17] =	ssyncset.done $0x0  }
0x34: {  	[sflag:s17] =	ssyncadd.s32 $0xFFFFC000  }
0x35: {  	[spmem:s8] =	stream.linear.scatter [tilespmem:s16], [sflag:$0x1], $0x4000, $0x38;
	[tilespmem:$0x1A800] =	vst v63  }
0x36: {  	_ =	swait.ge [sflag:s17], $0x4000  }
0x37: {  	[sflag:s17] =	ssyncset.done $0x0  }
0x38: {  	s19 =	simm.s32 $0x0;
	s20 =	simm.s32 $0x200;
	[sflag:s17] =	ssyncadd.s32 $0xFFFFC000  }
.LBB2_4:
0x39: {  	p0 =	sne.s32 s20, $0xFE00;
	[tilespmem:s19+$0x2870] =	vst v1  }
0x3a: {  	[tilespmem:s19+$0x2800] =	vst v1  }
0x3b: {  	[tilespmem:s19+$0x2810] =	vst v1  }
.Ltmp1:
0x3c: {  	[tilespmem:s19+$0x2820] =	vst v1;
	(pc) =	sbr.rel @p0 .LBB2_4-.Ltmp1, $4  }
0x3d: {  	[tilespmem:s19+$0x2830] =	vst v1  }
0x3e: {  	[tilespmem:s19+$0x2840] =	vst v1  }
0x3f: {  	[tilespmem:s19+$0x2850] =	vst v1  }
0x40: {  	[tilespmem:s19+$0x2860] =	vst v1;
	s19 =	sshra.s32 s20, $0x2;
	s20 =	sadd.s32 $0x200, s20  }
0x41: {  	[tilespmem:s19+$0x2870] =	vst v1  }
0x42: {  	[tilespmem:s19+$0x2800] =	vst v1  }
0x43: {  	[tilespmem:s19+$0x2810] =	vst v1  }
0x44: {  	[tilespmem:s19+$0x2820] =	vst v1  }
0x45: {  	[tilespmem:s19+$0x2830] =	vst v1  }
0x46: {  	[tilespmem:s19+$0x2840] =	vst v1  }
0x47: {  	[tilespmem:s19+$0x2850] =	vst v1  }
0x48: {  	[tilespmem:s19+$0x2860] =	vst v1;
	s30 =	simm.s32 $0x0  }
0x49: {  	[tilespmem:s30], [sflag:$0x1] =	stream.linear.gather [hbm4b:s9+s30], $0x2800, $0x38;
	[tilespmem:$0x1A800] =	vst v63  }
0x4a: {  	_ =	swait.ge [sflag:s17], $0x2800  }
0x4b: {  	[sflag:s17] =	ssyncset.done $0x0  }
0x4c: {  	[sflag:s17] =	ssyncadd.s32 $0xFFFFD800  }
0x4d: {  	s31 =	simm.s32 $0x0;
	[bflag:$0x0] =	sbarrier.arrive $0xFFFF  }
0x4e: {  	[spmem:s2] =	stream.indirect.scatter.add.f32 [tilespmem:s16], [sflag:$0x1], $0x80, s31, s18, $0xb8;
	[tilespmem:$0x1A800] =	vst v63  }
0x4f: {  	_ =	swait.ge [sflag:s17], $0x4000  }
0x50: {  	s19 =	simm.s32 $0x200;
	[sflag:s17] =	ssyncset.done $0x0  }
.LBB2_6:
0x51: {  	s20 =	sshra.s32 s19, $0x2;
	[sflag:s17] =	ssyncadd.s32 $0xFFFFC000;
	p0 =	sne.s32 s19, $0x9E00  }
0x52: {  	[spmem:s2] =	stream.indirect.scatter.add.f32 [tilespmem:s16], [sflag:$0x1], $0x80, s20, s18, $0xb8;
	[tilespmem:$0x1A800] =	vst v63  }
.Ltmp2:
0x53: {  	_ = 	snop;
	(pc) =	sbr.rel @p0 .LBB2_6-.Ltmp2, $4  }
0x54: {  	_ = 	snop  }
0x55: {  	s19 =	sadd.s32 $0x200, s19  }
0x56: {  	_ =	swait.ge [sflag:s17], $0x4000  }
0x57: {  	[sflag:s17] =	ssyncset.done $0x0  }
0x58: {  	[sflag:s17] =	ssyncadd.s32 $0xFFFFC000;
	s19 =	sshll.u32 s1, $0x6  }
0x59: {  	s20 =	sshrl.u32 s4, $0x3;
	[bflag:$0x0] =	sbarrier.arrive $0xFFFF;
	s19 =	sor.u32 $0x1C01, s19  }
0x5a: {  	[hbm:s10], [sflag:s19] =	dma.local [spmem:s20], $0x800  }
0x5b: {  	_ =	swait.ge [sflag:s17], $0x800  }
0x5c: {  	[sflag:s17] =	ssyncset.done $0x0  }
0x5d: {  	s28 =	sshrl.u32 s5, $0x3;
	[sflag:s17] =	ssyncadd.s32 $0xFFFFF800  }
0x5e: {  	[hbm:s11], [sflag:s19] =	dma.local [spmem:s28], $0x800  }
0x5f: {  	_ =	swait.ge [sflag:s17], $0x800  }
0x60: {  	[sflag:s17] =	ssyncset.done $0x0  }
0x61: {  	s29 =	sshrl.u32 s6, $0x3;
	[sflag:s17] =	ssyncadd.s32 $0xFFFFF800  }
0x62: {  	[hbm:s12], [sflag:s19] =	dma.local [spmem:s29], $0x800  }
0x63: {  	_ =	swait.ge [sflag:s17], $0x800  }
0x64: {  	[sflag:s17] =	ssyncset.done $0x0  }
0x65: {  	s30 =	sshrl.u32 s7, $0x3;
	[sflag:s17] =	ssyncadd.s32 $0xFFFFF800  }
0x66: {  	[hbm:s13], [sflag:s19] =	dma.local [spmem:s30], $0x800  }
0x67: {  	s3 =	sadd.s32 $0x1, s3;
	_ =	swait.ge [sflag:s17], $0x800  }
0x68: {  	p0 =	sne.s32 s3, s15;
	[sflag:s17] =	ssyncset.done $0x0  }
.Ltmp3:
0x69: {  	s31 =	sshrl.u32 s8, $0x3;
	[sflag:s17] =	ssyncadd.s32 $0xFFFFF800;
	(pc) =	sbr.rel @p0 .LBB2_1-.Ltmp3, $4  }
0x6a: {  	[hbm:s14], [sflag:s19] =	dma.local [spmem:s31], $0x800  }
0x6b: {  	_ =	swait.ge [sflag:s17], $0x800  }
0x6c: {  	[sflag:s17] =	ssyncset.done $0x0  }
0x6d: {  	[sflag:s17] =	ssyncadd.s32 $0xFFFFF800  }
0x6e: {  	_ =	sfence.sel $0x180000  }
0x6f: {  	[bflag:$0x0] =	sbarrier.arrive $0xFFFF  }
0x70: {  	p0 =	sne.s32 s1, $0x0;
	_ =	strace $0x9000004A  }
0x71: {  	s0 =	sadd.s32 @!p0 $0x100000, s0;
	[bflag:$0x2] =	sbarrier.arrive $0xFFFF  }
0x72: {  	[sflag:s0] =	ssyncadd.tile.s32 @!p0 $0x1;
	_ =	shalt  }
.Lfunc_end2:
_tile_overlayer_lowered:
.L_overlay_start_2:
0x73: {  	(tag) =	ssettag $0x2  }
0x74: {  	s0 =	rddreg [dreg:$0x0];
	s2 =	stileid.u32  }
0x75: {  	s1 =	rddreg [dreg:$0x1];
	p0 =	sne.s32 s2, $0x0  }
0x76: {  	s3 =	rddreg [dreg:$0x2];
	[bflag:$0x3] =	sbarrier.arrive $0xFFFF;
	s2 =	simm.s32 @!p0 $0x1C01  }
0x77: {  	[timem:s3], [sflag:s2] =	dma.local @!p0 [hbm:s0], s1  }
0x78: {  	s0 =	simm.s32 @!p0 $0x1  }
0x79: {  	_ =	swait.ge @!p0 [sflag:s0], s1  }
0x7a: {  	s1 =	ssub.s32 @!p0 $0x0, s1;
	[sflag:s0] =	ssyncset.done @!p0 $0x0  }
0x7b: {  	[sflag:s0] =	ssyncadd.s32 @!p0 s1  }
0x7c: {  	[bflag:$0x3] =	sbarrier.arrive $0xFFFF  }
0x7d: {  	_ =	shalt  }

</sc_bundles>
